<compile_context>
chip_gen: v7x
topology: tpu7x:2x2x1
jax: 0.10.2.dev20260603
libtpu: 0.0.44.dev20260713+nightly
codegen_flags: <defaults>
</compile_context>

<pallas_src>
import functools

import jax
import jax.numpy as jnp
from jax import lax
from jax.experimental import pallas as pl
from jax.experimental.pallas import tpu as pltpu
from jax.experimental.pallas import tpu_sc as plsc

NC = 2
NS = 16
NW = NC * NS
LANES = 16
CHUNK = 128
DEG_W = 16
BR = 2000
UNROLL = 8


def _mesh():
    return plsc.VectorSubcoreMesh(core_axis_name="c", subcore_axis_name="s",
                                  num_cores=NC, num_subcores=NS)


_SC_PARAMS = pltpu.CompilerParams(use_tc_tiling_on_sc=False,
                                  needs_layout_passes=False)


@functools.lru_cache(maxsize=None)
def _deg_kernel(N, KCH):
    NT = N // NS

    @functools.partial(
        pl.kernel,
        out_type=jax.ShapeDtypeStruct((NC, N, DEG_W), jnp.float32),
        mesh=_mesh(),
        scratch_types=[
            pltpu.VMEM((KCH, CHUNK), jnp.int32),
            pltpu.VMEM((KCH, CHUNK), jnp.float32),
            pltpu.VMEM((CHUNK, DEG_W), jnp.float32),
            pltpu.VMEM_SHARED((N, DEG_W), jnp.float32),
        ],
        compiler_params=_SC_PARAMS,
    )
    def deg_kernel(dst_hbm, ew_hbm, out_hbm, dst_v, ew_v, vals, acc):
        cid = lax.axis_index("c")
        sid = lax.axis_index("s")
        wid = sid * NC + cid
        zero = jnp.zeros((LANES,), jnp.float32)

        def zv(r, carry):
            vals[r, :] = zero
            return carry
        lax.fori_loop(0, CHUNK, zv, 0)

        base = sid * NT
        for k in range(NT // CHUNK):
            pltpu.sync_copy(vals, acc.at[pl.ds(base + k * CHUNK, CHUNK)])
        rem = NT % CHUNK
        if rem:
            pltpu.sync_copy(vals.at[pl.ds(0, rem)],
                            acc.at[pl.ds(base + (NT // CHUNK) * CHUNK, rem)])

        pltpu.sync_copy(dst_hbm.at[wid], dst_v)
        pltpu.sync_copy(ew_hbm.at[wid], ew_v)
        plsc.subcore_barrier()

        col0 = jnp.zeros((LANES,), jnp.int32)
        lane = lax.iota(jnp.int32, LANES)

        def chunk_body(j, carry):
            for r0 in range(0, CHUNK, LANES):
                w = ew_v[j, pl.ds(r0, LANES)]
                plsc.store_scatter(vals, [r0 + lane, col0], w)
            pltpu.sync_copy(vals, acc.at[dst_v.at[j]], add=True)
            return carry
        lax.fori_loop(0, KCH, chunk_body, 0)

        plsc.subcore_barrier()
        pltpu.sync_copy(acc.at[pl.ds(base, NT)],
                        out_hbm.at[cid, pl.ds(base, NT)])

    return deg_kernel


@functools.lru_cache(maxsize=None)
def _msg_kernel(N, D, KCH):
    NT = N // NS

    @functools.partial(
        pl.kernel,
        out_type=jax.ShapeDtypeStruct((NC, N, D), jnp.float32),
        mesh=_mesh(),
        scratch_types=[
            pltpu.VMEM((KCH, CHUNK), jnp.int32),
            pltpu.VMEM((KCH, CHUNK), jnp.int32),
            pltpu.VMEM((KCH, CHUNK), jnp.float32),
            pltpu.VMEM((CHUNK, D), jnp.float32),
            pltpu.VMEM_SHARED((N, D), jnp.float32),
            pltpu.SemaphoreType.DMA,
        ],
        compiler_params=_SC_PARAMS,
    )
    def msg_kernel(y_hbm, src_hbm, dst_hbm, ew_hbm, out_hbm,
                   src_v, dst_v, ew_v, rows, acc, sem):
        cid = lax.axis_index("c")
        sid = lax.axis_index("s")
        wid = sid * NC + cid
        zero = jnp.zeros((LANES,), jnp.float32)

        def zr(r, carry):
            for k in range(D // LANES):
                rows[r, pl.ds(k * LANES, LANES)] = zero
            return carry
        lax.fori_loop(0, CHUNK, zr, 0)

        base = sid * NT
        for k in range(NT // CHUNK):
            pltpu.sync_copy(rows, acc.at[pl.ds(base + k * CHUNK, CHUNK)])
        rem = NT % CHUNK
        if rem:
            pltpu.sync_copy(rows.at[pl.ds(0, rem)],
                            acc.at[pl.ds(base + (NT // CHUNK) * CHUNK, rem)])

        pltpu.sync_copy(src_hbm.at[wid], src_v)
        pltpu.sync_copy(dst_hbm.at[wid], dst_v)
        pltpu.sync_copy(ew_hbm.at[wid], ew_v)
        plsc.subcore_barrier()

        def chunk_body(j, carry):
            pltpu.async_copy(y_hbm.at[src_v.at[j]], rows, sem).wait()
            jf = jnp.full((LANES,), j, jnp.int32)

            def srow(rr, c2):
                for u in range(UNROLL):
                    r = rr * UNROLL + u
                    w = plsc.load_gather(
                        ew_v, [jf, jnp.full((LANES,), r, jnp.int32)])
                    for k in range(D // LANES):
                        sl = pl.ds(k * LANES, LANES)
                        rows[r, sl] = rows[r, sl] * w
                return c2
            lax.fori_loop(0, CHUNK // UNROLL, srow, 0)
            pltpu.sync_copy(rows, acc.at[dst_v.at[j]], add=True)
            return carry
        lax.fori_loop(0, KCH, chunk_body, 0)

        plsc.subcore_barrier()
        pltpu.sync_copy(acc.at[pl.ds(base, NT)],
                        out_hbm.at[cid, pl.ds(base, NT)])

    return msg_kernel


def _dinv_block(p_ref):
    deg = p_ref[0, :, 0:1] + p_ref[1, :, 0:1] + 1.0
    return lax.rsqrt(deg)


def _psum(m_ref):
    return m_ref[0] + m_ref[1]


def _tc_y(p, X, W):
    N, D = X.shape

    def body(p_ref, x_ref, w_ref, y_ref):
        y_ref[...] = _dinv_block(p_ref) * jnp.dot(
            x_ref[...], w_ref[...], preferred_element_type=jnp.float32)

    return pl.pallas_call(
        body,
        grid=(N // BR,),
        in_specs=[
            pl.BlockSpec((2, BR, DEG_W), lambda i: (0, i, 0)),
            pl.BlockSpec((BR, D), lambda i: (i, 0)),
            pl.BlockSpec((D, D), lambda i: (0, 0)),
        ],
        out_specs=pl.BlockSpec((BR, D), lambda i: (i, 0)),
        out_shape=jax.ShapeDtypeStruct((N, D), jnp.float32),
    )(p, X, W)


def _tc_mid(p, m, Y1, b1, W2):
    N, D = Y1.shape

    def body(p_ref, m_ref, y1_ref, b_ref, w_ref, y2_ref):
        dinv = _dinv_block(p_ref)
        h = jnp.maximum(dinv * (_psum(m_ref) + y1_ref[...]) + b_ref[...], 0.0)
        y2_ref[...] = dinv * jnp.dot(h, w_ref[...],
                                     preferred_element_type=jnp.float32)

    return pl.pallas_call(
        body,
        grid=(N // BR,),
        in_specs=[
            pl.BlockSpec((2, BR, DEG_W), lambda i: (0, i, 0)),
            pl.BlockSpec((2, BR, D), lambda i: (0, i, 0)),
            pl.BlockSpec((BR, D), lambda i: (i, 0)),
            pl.BlockSpec((1, D), lambda i: (0, 0)),
            pl.BlockSpec((D, D), lambda i: (0, 0)),
        ],
        out_specs=pl.BlockSpec((BR, D), lambda i: (i, 0)),
        out_shape=jax.ShapeDtypeStruct((N, D), jnp.float32),
    )(p, m, Y1, b1, W2)


def _tc_out(p, r, Y2, b2):
    N, D = Y2.shape

    def body(p_ref, r_ref, y2_ref, b_ref, o_ref):
        dinv = _dinv_block(p_ref)
        o_ref[...] = jnp.maximum(
            dinv * (_psum(r_ref) + y2_ref[...]) + b_ref[...], 0.0)

    return pl.pallas_call(
        body,
        grid=(N // BR,),
        in_specs=[
            pl.BlockSpec((2, BR, DEG_W), lambda i: (0, i, 0)),
            pl.BlockSpec((2, BR, D), lambda i: (0, i, 0)),
            pl.BlockSpec((BR, D), lambda i: (i, 0)),
            pl.BlockSpec((1, D), lambda i: (0, 0)),
        ],
        out_specs=pl.BlockSpec((BR, D), lambda i: (i, 0)),
        out_shape=jax.ShapeDtypeStruct((N, D), jnp.float32),
    )(p, r, Y2, b2)


def kernel(X, edge_index, edge_weight, W1, b1, W2, b2):
    N, D = X.shape
    E = edge_weight.shape[0]
    KCH = -(-E // (NW * CHUNK))
    EP = NW * KCH * CHUNK
    pad = EP - E

    src = jnp.pad(edge_index[0], (0, pad)).reshape(NW, KCH, CHUNK)
    dst = jnp.pad(edge_index[1], (0, pad)).reshape(NW, KCH, CHUNK)
    ew = jnp.pad(edge_weight, (0, pad)).reshape(NW, KCH, CHUNK)

    p = _deg_kernel(N, KCH)(dst, ew)
    Y1 = _tc_y(p, X, W1)
    m = _msg_kernel(N, D, KCH)(Y1, src, dst, ew)
    Y2 = _tc_mid(p, m, Y1, b1.reshape(1, D), W2)
    r = _msg_kernel(N, D, KCH)(Y2, src, dst, ew)
    return _tc_out(p, r, Y2, b2.reshape(1, D))

# --- scband reference (transcript-rebuilt; emitter-appended) ---
"""Pipeline reference for scband-single-module-22016002359900 (READ-ONLY COPY).

The authoritative reference and input builder live on the scoring server;
editing this copy changes nothing except your own understanding.
"""

import jax, jax.numpy as jnp
import numpy as np

N = 10000
E = 320000
D = 128


def _gcn_conv(X, W, b, edge_index, edge_weight):
    num_nodes = X.shape[0]
    src = edge_index[0]
    dst = edge_index[1]
    loop = jnp.arange(num_nodes, dtype=edge_index.dtype)
    src = jnp.concatenate([src, loop])
    dst = jnp.concatenate([dst, loop])
    ew = jnp.concatenate([edge_weight, jnp.ones((num_nodes,), dtype=edge_weight.dtype)])
    deg = jnp.zeros((num_nodes,), dtype=X.dtype).at[dst].add(ew)
    dinv = jnp.where(deg > 0, jax.lax.rsqrt(jnp.where(deg > 0, deg, 1.0)), 0.0)
    norm = dinv[src] * ew * dinv[dst]
    Xw = X @ W
    msg = Xw[src] * norm[:, None]
    out = jnp.zeros((num_nodes, W.shape[1]), dtype=X.dtype).at[dst].add(msg)
    return out + b


def setup_inputs(seed: int = 0) -> dict:
    key = jax.random.key(seed)
    ks = jax.random.split(key, 8)
    X = jax.random.normal(ks[0], (N, D), dtype=jnp.float32)
    edge_index = jax.random.randint(ks[1], (2, E), 0, N, dtype=jnp.int32)
    edge_weight = jax.random.uniform(ks[2], (E,), dtype=jnp.float32)
    s = 1.0 / np.sqrt(D)
    W1 = jax.random.uniform(ks[3], (D, D), dtype=jnp.float32, minval=-s, maxval=s)
    b1 = jnp.zeros((D,), dtype=jnp.float32)
    W2 = jax.random.uniform(ks[4], (D, D), dtype=jnp.float32, minval=-s, maxval=s)
    b2 = jnp.zeros((D,), dtype=jnp.float32)
    return {"X": X, "edge_index": edge_index, "edge_weight": edge_weight,
            "W1": W1, "b1": b1, "W2": W2, "b2": b2}


def reference(X, edge_index, edge_weight, W1, b1, W2, b2):
    # dropout_adj with p=0.2 is stochastic edge dropout; in eval mode it is
    # the identity, so we keep all edges for a deterministic reference.
    h = jax.nn.relu(_gcn_conv(X, W1, b1, edge_index, edge_weight))
    out = jax.nn.relu(_gcn_conv(h, W2, b2, edge_index, edge_weight))
    return out

if __name__ == "__main__":
    import jax
    _d = setup_inputs()
    print(jax.jit(kernel)(*tuple(_d.values())))

</pallas_src>

<mosaic_0001>
#map = affine_map<(d0, d1) -> (0, 0)>
#map1 = affine_map<(d0, d1) -> (0, 0, 0)>
module attributes {stable_mosaic.version = 14 : i64} {
  func.func @msg_kernel(%arg0: i32, %arg1: i32, %arg2: memref<10000x128xf32, #tpu.memory_space<hbm>>, %arg3: memref<32x79x128xi32, #tpu.memory_space<hbm>>, %arg4: memref<32x79x128xi32, #tpu.memory_space<hbm>>, %arg5: memref<32x79x128xf32, #tpu.memory_space<hbm>>, %arg6: memref<2x10000x128xf32, #tpu.memory_space<hbm>>, %arg7: memref<79x128xi32, #tpu.memory_space<vmem>>, %arg8: memref<79x128xi32, #tpu.memory_space<vmem>>, %arg9: memref<79x128xf32, #tpu.memory_space<vmem>>, %arg10: memref<128x128xf32, #tpu.memory_space<vmem>>, %arg11: memref<10000x128xf32, #tpu.memory_space<vmem_shared>>, %arg12: memref<!tpu.dma_semaphore, #tpu.memory_space<semaphore_mem>>) attributes {dimension_semantics = [#tpu.dimension_semantics<core_parallel>, #tpu.dimension_semantics<subcore_parallel>], iteration_bounds = array<i64: 2, 16>, scalar_prefetch = 0 : i64, scratch_operands = 6 : i64, tpu.core_type = #tpu.core_type<sc_vector_subcore>, window_params = [{transform_indices = #map}, {transform_indices = #map1}, {transform_indices = #map1}, {transform_indices = #map1}, {transform_indices = #map1}]} {
    %mul3A = arith.constant 2 : i32
    %mul3A_0 = arith.muli %arg1, %mul3A : i32
    %add3A = arith.addi %mul3A_0, %arg0 : i32
    %broadcast_in_dim3A = arith.constant 0.000000e+00 : f32
    %broadcast_in_dim3A_1 = vector.broadcast %broadcast_in_dim3A : f32 to vector<16xf32>
    %scan3A = arith.constant 0 : i32
    %scan3A_2 = arith.constant 0 : i32
    %scan3A_3 = arith.constant 128 : i32
    %scan3A_4 = arith.addi %scan3A_2, %scan3A_3 : i32
    %scan3A_5 = arith.constant 1 : i32
    scf.for %scan3A_26 = %scan3A_2 to %scan3A_4 step %scan3A_5  : i32 {
      %swap3A = arith.index_cast %scan3A_26 : i32 to index
      %swap3A_27 = arith.constant 0 : index
      %swap3A_28 = tpu.vector_load %arg10[%swap3A, %swap3A_27] {strides = array<i32>} : memref<128x128xf32, #tpu.memory_space<vmem>>, vector<16xf32>,
      tpu.vector_store %arg10[%swap3A, %swap3A_27], %broadcast_in_dim3A_1 {strides = array<i32>} : memref<128x128xf32, #tpu.memory_space<vmem>>, vector<16xf32>,
      %swap3A_29 = arith.index_cast %scan3A_26 : i32 to index
      %swap3A_30 = arith.constant 16 : index
      %swap3A_31 = tpu.vector_load %arg10[%swap3A_29, %swap3A_30] {strides = array<i32>} : memref<128x128xf32, #tpu.memory_space<vmem>>, vector<16xf32>,
      tpu.vector_store %arg10[%swap3A_29, %swap3A_30], %broadcast_in_dim3A_1 {strides = array<i32>} : memref<128x128xf32, #tpu.memory_space<vmem>>, vector<16xf32>,
      %swap3A_32 = arith.index_cast %scan3A_26 : i32 to index
      %swap3A_33 = arith.constant 32 : index
      %swap3A_34 = tpu.vector_load %arg10[%swap3A_32, %swap3A_33] {strides = array<i32>} : memref<128x128xf32, #tpu.memory_space<vmem>>, vector<16xf32>,
      tpu.vector_store %arg10[%swap3A_32, %swap3A_33], %broadcast_in_dim3A_1 {strides = array<i32>} : memref<128x128xf32, #tpu.memory_space<vmem>>, vector<16xf32>,
      %swap3A_35 = arith.index_cast %scan3A_26 : i32 to index
      %swap3A_36 = arith.constant 48 : index
      %swap3A_37 = tpu.vector_load %arg10[%swap3A_35, %swap3A_36] {strides = array<i32>} : memref<128x128xf32, #tpu.memory_space<vmem>>, vector<16xf32>,
      tpu.vector_store %arg10[%swap3A_35, %swap3A_36], %broadcast_in_dim3A_1 {strides = array<i32>} : memref<128x128xf32, #tpu.memory_space<vmem>>, vector<16xf32>,
      %swap3A_38 = arith.index_cast %scan3A_26 : i32 to index
      %swap3A_39 = arith.constant 64 : index
      %swap3A_40 = tpu.vector_load %arg10[%swap3A_38, %swap3A_39] {strides = array<i32>} : memref<128x128xf32, #tpu.memory_space<vmem>>, vector<16xf32>,
      tpu.vector_store %arg10[%swap3A_38, %swap3A_39], %broadcast_in_dim3A_1 {strides = array<i32>} : memref<128x128xf32, #tpu.memory_space<vmem>>, vector<16xf32>,
      %swap3A_41 = arith.index_cast %scan3A_26 : i32 to index
      %swap3A_42 = arith.constant 80 : index
      %swap3A_43 = tpu.vector_load %arg10[%swap3A_41, %swap3A_42] {strides = array<i32>} : memref<128x128xf32, #tpu.memory_space<vmem>>, vector<16xf32>,
      tpu.vector_store %arg10[%swap3A_41, %swap3A_42], %broadcast_in_dim3A_1 {strides = array<i32>} : memref<128x128xf32, #tpu.memory_space<vmem>>, vector<16xf32>,
      %swap3A_44 = arith.index_cast %scan3A_26 : i32 to index
      %swap3A_45 = arith.constant 96 : index
      %swap3A_46 = tpu.vector_load %arg10[%swap3A_44, %swap3A_45] {strides = array<i32>} : memref<128x128xf32, #tpu.memory_space<vmem>>, vector<16xf32>,
      tpu.vector_store %arg10[%swap3A_44, %swap3A_45], %broadcast_in_dim3A_1 {strides = array<i32>} : memref<128x128xf32, #tpu.memory_space<vmem>>, vector<16xf32>,
      %swap3A_47 = arith.index_cast %scan3A_26 : i32 to index
      %swap3A_48 = arith.constant 112 : index
      %swap3A_49 = tpu.vector_load %arg10[%swap3A_47, %swap3A_48] {strides = array<i32>} : memref<128x128xf32, #tpu.memory_space<vmem>>, vector<16xf32>,
      tpu.vector_store %arg10[%swap3A_47, %swap3A_48], %broadcast_in_dim3A_1 {strides = array<i32>} : memref<128x128xf32, #tpu.memory_space<vmem>>, vector<16xf32>,
    }
    %scan3A_6 = arith.constant 128 : i32
    %mul3A_7 = arith.constant 625 : i32
    %mul3A_8 = arith.muli %arg1, %mul3A_7 : i32
    %add3A_9 = arith.constant 0 : i32
    %add3A_10 = arith.addi %mul3A_8, %add3A_9 : i32
    "tpu.region"() ({
      %run_scoped3A = tpu.sem_alloc : memref<!tpu.dma_semaphore, #tpu.memory_space<semaphore_mem>>
      %dma_start3A = arith.constant 0 : i32
      %dma_start3A_26 = tpu.memref_slice %arg11[%add3A_10, %dma_start3A] : memref<10000x128xf32, #tpu.memory_space<vmem_shared>> -> memref<128x128xf32, #tpu.memory_space<vmem_shared>>
      %dma_start3A_27 = arith.constant 0 : i32
      %dma_start3A_28 = tpu.memref_slice %arg11[%add3A_10, %dma_start3A_27] : memref<10000x128xf32, #tpu.memory_space<vmem_shared>> -> memref<128x128xf32, #tpu.memory_space<vmem_shared>>
      tpu.enqueue_dma source(%arg10 : memref<128x128xf32, #tpu.memory_space<vmem>>) target(%dma_start3A_28 : memref<128x128xf32, #tpu.memory_space<vmem_shared>>) target_semaphore(%run_scoped3A : memref<!tpu.dma_semaphore, #tpu.memory_space<semaphore_mem>>)
      %dma_wait3A = arith.constant 0 : i32
      %dma_wait3A_29 = tpu.memref_slice %arg11[%add3A_10, %dma_wait3A] : memref<10000x128xf32, #tpu.memory_space<vmem_shared>> -> memref<128x128xf32, #tpu.memory_space<vmem_shared>>
      %dma_wait3A_30 = arith.constant 0 : i32
      %dma_wait3A_31 = tpu.memref_slice %arg11[%add3A_10, %dma_wait3A_30] : memref<10000x128xf32, #tpu.memory_space<vmem_shared>> -> memref<128x128xf32, #tpu.memory_space<vmem_shared>>
      tpu.wait_dma2 semaphore(%run_scoped3A : memref<!tpu.dma_semaphore, #tpu.memory_space<semaphore_mem>>) src(%arg10 : memref<128x128xf32, #tpu.memory_space<vmem>>) dst(%dma_wait3A_31 : memref<128x128xf32, #tpu.memory_space<vmem_shared>>)
      tpu.yield
    }) : () -> ()
    %add3A_11 = arith.constant 128 : i32
    %add3A_12 = arith.addi %mul3A_8, %add3A_11 : i32
    "tpu.region"() ({
      %run_scoped3A = tpu.sem_alloc : memref<!tpu.dma_semaphore, #tpu.memory_space<semaphore_mem>>
      %dma_start3A = arith.constant 0 : i32
      %dma_start3A_26 = tpu.memref_slice %arg11[%add3A_12, %dma_start3A] : memref<10000x128xf32, #tpu.memory_space<vmem_shared>> -> memref<128x128xf32, #tpu.memory_space<vmem_shared>>
      %dma_start3A_27 = arith.constant 0 : i32
      %dma_start3A_28 = tpu.memref_slice %arg11[%add3A_12, %dma_start3A_27] : memref<10000x128xf32, #tpu.memory_space<vmem_shared>> -> memref<128x128xf32, #tpu.memory_space<vmem_shared>>
      tpu.enqueue_dma source(%arg10 : memref<128x128xf32, #tpu.memory_space<vmem>>) target(%dma_start3A_28 : memref<128x128xf32, #tpu.memory_space<vmem_shared>>) target_semaphore(%run_scoped3A : memref<!tpu.dma_semaphore, #tpu.memory_space<semaphore_mem>>)
      %dma_wait3A = arith.constant 0 : i32
      %dma_wait3A_29 = tpu.memref_slice %arg11[%add3A_12, %dma_wait3A] : memref<10000x128xf32, #tpu.memory_space<vmem_shared>> -> memref<128x128xf32, #tpu.memory_space<vmem_shared>>
      %dma_wait3A_30 = arith.constant 0 : i32
      %dma_wait3A_31 = tpu.memref_slice %arg11[%add3A_12, %dma_wait3A_30] : memref<10000x128xf32, #tpu.memory_space<vmem_shared>> -> memref<128x128xf32, #tpu.memory_space<vmem_shared>>
      tpu.wait_dma2 semaphore(%run_scoped3A : memref<!tpu.dma_semaphore, #tpu.memory_space<semaphore_mem>>) src(%arg10 : memref<128x128xf32, #tpu.memory_space<vmem>>) dst(%dma_wait3A_31 : memref<128x128xf32, #tpu.memory_space<vmem_shared>>)
      tpu.yield
    }) : () -> ()
    %add3A_13 = arith.constant 256 : i32
    %add3A_14 = arith.addi %mul3A_8, %add3A_13 : i32
    "tpu.region"() ({
      %run_scoped3A = tpu.sem_alloc : memref<!tpu.dma_semaphore, #tpu.memory_space<semaphore_mem>>
      %dma_start3A = arith.constant 0 : i32
      %dma_start3A_26 = tpu.memref_slice %arg11[%add3A_14, %dma_start3A] : memref<10000x128xf32, #tpu.memory_space<vmem_shared>> -> memref<128x128xf32, #tpu.memory_space<vmem_shared>>
      %dma_start3A_27 = arith.constant 0 : i32
      %dma_start3A_28 = tpu.memref_slice %arg11[%add3A_14, %dma_start3A_27] : memref<10000x128xf32, #tpu.memory_space<vmem_shared>> -> memref<128x128xf32, #tpu.memory_space<vmem_shared>>
      tpu.enqueue_dma source(%arg10 : memref<128x128xf32, #tpu.memory_space<vmem>>) target(%dma_start3A_28 : memref<128x128xf32, #tpu.memory_space<vmem_shared>>) target_semaphore(%run_scoped3A : memref<!tpu.dma_semaphore, #tpu.memory_space<semaphore_mem>>)
      %dma_wait3A = arith.constant 0 : i32
      %dma_wait3A_29 = tpu.memref_slice %arg11[%add3A_14, %dma_wait3A] : memref<10000x128xf32, #tpu.memory_space<vmem_shared>> -> memref<128x128xf32, #tpu.memory_space<vmem_shared>>
      %dma_wait3A_30 = arith.constant 0 : i32
      %dma_wait3A_31 = tpu.memref_slice %arg11[%add3A_14, %dma_wait3A_30] : memref<10000x128xf32, #tpu.memory_space<vmem_shared>> -> memref<128x128xf32, #tpu.memory_space<vmem_shared>>
      tpu.wait_dma2 semaphore(%run_scoped3A : memref<!tpu.dma_semaphore, #tpu.memory_space<semaphore_mem>>) src(%arg10 : memref<128x128xf32, #tpu.memory_space<vmem>>) dst(%dma_wait3A_31 : memref<128x128xf32, #tpu.memory_space<vmem_shared>>)
      tpu.yield
    }) : () -> ()
    %add3A_15 = arith.constant 384 : i32
    %add3A_16 = arith.addi %mul3A_8, %add3A_15 : i32
    "tpu.region"() ({
      %run_scoped3A = tpu.sem_alloc : memref<!tpu.dma_semaphore, #tpu.memory_space<semaphore_mem>>
      %dma_start3A = arith.constant 0 : i32
      %dma_start3A_26 = tpu.memref_slice %arg11[%add3A_16, %dma_start3A] : memref<10000x128xf32, #tpu.memory_space<vmem_shared>> -> memref<128x128xf32, #tpu.memory_space<vmem_shared>>
      %dma_start3A_27 = arith.constant 0 : i32
      %dma_start3A_28 = tpu.memref_slice %arg11[%add3A_16, %dma_start3A_27] : memref<10000x128xf32, #tpu.memory_space<vmem_shared>> -> memref<128x128xf32, #tpu.memory_space<vmem_shared>>
      tpu.enqueue_dma source(%arg10 : memref<128x128xf32, #tpu.memory_space<vmem>>) target(%dma_start3A_28 : memref<128x128xf32, #tpu.memory_space<vmem_shared>>) target_semaphore(%run_scoped3A : memref<!tpu.dma_semaphore, #tpu.memory_space<semaphore_mem>>)
      %dma_wait3A = arith.constant 0 : i32
      %dma_wait3A_29 = tpu.memref_slice %arg11[%add3A_16, %dma_wait3A] : memref<10000x128xf32, #tpu.memory_space<vmem_shared>> -> memref<128x128xf32, #tpu.memory_space<vmem_shared>>
      %dma_wait3A_30 = arith.constant 0 : i32
      %dma_wait3A_31 = tpu.memref_slice %arg11[%add3A_16, %dma_wait3A_30] : memref<10000x128xf32, #tpu.memory_space<vmem_shared>> -> memref<128x128xf32, #tpu.memory_space<vmem_shared>>
      tpu.wait_dma2 semaphore(%run_scoped3A : memref<!tpu.dma_semaphore, #tpu.memory_space<semaphore_mem>>) src(%arg10 : memref<128x128xf32, #tpu.memory_space<vmem>>) dst(%dma_wait3A_31 : memref<128x128xf32, #tpu.memory_space<vmem_shared>>)
      tpu.yield
    }) : () -> ()
    %add3A_17 = arith.constant 512 : i32
    %add3A_18 = arith.addi %mul3A_8, %add3A_17 : i32
    "tpu.region"() ({
      %run_scoped3A = tpu.sem_alloc : memref<!tpu.dma_semaphore, #tpu.memory_space<semaphore_mem>>
      %dma_start3A = arith.constant 0 : i32
      %dma_start3A_26 = arith.constant 0 : i32
      %dma_start3A_27 = tpu.memref_slice %arg10[%dma_start3A, %dma_start3A_26] : memref<128x128xf32, #tpu.memory_space<vmem>> -> memref<113x128xf32, #tpu.memory_space<vmem>>
      %dma_start3A_28 = arith.constant 0 : i32
      %dma_start3A_29 = tpu.memref_slice %arg11[%add3A_18, %dma_start3A_28] : memref<10000x128xf32, #tpu.memory_space<vmem_shared>> -> memref<113x128xf32, #tpu.memory_space<vmem_shared>>
      %dma_start3A_30 = arith.constant 0 : i32
      %dma_start3A_31 = tpu.memref_slice %arg11[%add3A_18, %dma_start3A_30] : memref<10000x128xf32, #tpu.memory_space<vmem_shared>> -> memref<113x128xf32, #tpu.memory_space<vmem_shared>>
      %dma_start3A_32 = arith.constant 0 : i32
      %dma_start3A_33 = arith.constant 0 : i32
      %dma_start3A_34 = tpu.memref_slice %arg10[%dma_start3A_32, %dma_start3A_33] : memref<128x128xf32, #tpu.memory_space<vmem>> -> memref<113x128xf32, #tpu.memory_space<vmem>>
      tpu.enqueue_dma source(%dma_start3A_34 : memref<113x128xf32, #tpu.memory_space<vmem>>) target(%dma_start3A_31 : memref<113x128xf32, #tpu.memory_space<vmem_shared>>) target_semaphore(%run_scoped3A : memref<!tpu.dma_semaphore, #tpu.memory_space<semaphore_mem>>)
      %dma_wait3A = arith.constant 0 : i32
      %dma_wait3A_35 = arith.constant 0 : i32
      %dma_wait3A_36 = tpu.memref_slice %arg10[%dma_wait3A, %dma_wait3A_35] : memref<128x128xf32, #tpu.memory_space<vmem>> -> memref<113x128xf32, #tpu.memory_space<vmem>>
      %dma_wait3A_37 = arith.constant 0 : i32
      %dma_wait3A_38 = tpu.memref_slice %arg11[%add3A_18, %dma_wait3A_37] : memref<10000x128xf32, #tpu.memory_space<vmem_shared>> -> memref<113x128xf32, #tpu.memory_space<vmem_shared>>
      %dma_wait3A_39 = arith.constant 0 : i32
      %dma_wait3A_40 = tpu.memref_slice %arg11[%add3A_18, %dma_wait3A_39] : memref<10000x128xf32, #tpu.memory_space<vmem_shared>> -> memref<113x128xf32, #tpu.memory_space<vmem_shared>>
      %dma_wait3A_41 = arith.constant 0 : i32
      %dma_wait3A_42 = arith.constant 0 : i32
      %dma_wait3A_43 = tpu.memref_slice %arg10[%dma_wait3A_41, %dma_wait3A_42] : memref<128x128xf32, #tpu.memory_space<vmem>> -> memref<113x128xf32, #tpu.memory_space<vmem>>
      tpu.wait_dma2 semaphore(%run_scoped3A : memref<!tpu.dma_semaphore, #tpu.memory_space<semaphore_mem>>) src(%dma_wait3A_43 : memref<113x128xf32, #tpu.memory_space<vmem>>) dst(%dma_wait3A_40 : memref<113x128xf32, #tpu.memory_space<vmem_shared>>)
      tpu.yield
    }) : () -> ()
    "tpu.region"() ({
      %run_scoped3A = tpu.sem_alloc : memref<!tpu.dma_semaphore, #tpu.memory_space<semaphore_mem>>
      %dma_start3A = arith.constant 0 : i32
      %dma_start3A_26 = arith.constant 0 : i32
      %dma_start3A_27 = tpu.memref_slice %arg3[%add3A, %dma_start3A, %dma_start3A_26] : memref<32x79x128xi32, #tpu.memory_space<hbm>> -> memref<1x79x128xi32, #tpu.memory_space<hbm>>
      %dma_start3A_28 = tpu.memref_squeeze %dma_start3A_27 : memref<1x79x128xi32, #tpu.memory_space<hbm>> -> memref<79x128xi32, #tpu.memory_space<hbm>>
      %dma_start3A_29 = arith.constant 0 : i32
      %dma_start3A_30 = arith.constant 0 : i32
      %dma_start3A_31 = tpu.memref_slice %arg3[%add3A, %dma_start3A_29, %dma_start3A_30] : memref<32x79x128xi32, #tpu.memory_space<hbm>> -> memref<1x79x128xi32, #tpu.memory_space<hbm>>
      %dma_start3A_32 = tpu.memref_squeeze %dma_start3A_31 : memref<1x79x128xi32, #tpu.memory_space<hbm>> -> memref<79x128xi32, #tpu.memory_space<hbm>>
      tpu.enqueue_dma source(%dma_start3A_32 : memref<79x128xi32, #tpu.memory_space<hbm>>) target(%arg7 : memref<79x128xi32, #tpu.memory_space<vmem>>) target_semaphore(%run_scoped3A : memref<!tpu.dma_semaphore, #tpu.memory_space<semaphore_mem>>)
      %dma_wait3A = arith.constant 0 : i32
      %dma_wait3A_33 = arith.constant 0 : i32
      %dma_wait3A_34 = tpu.memref_slice %arg3[%add3A, %dma_wait3A, %dma_wait3A_33] : memref<32x79x128xi32, #tpu.memory_space<hbm>> -> memref<1x79x128xi32, #tpu.memory_space<hbm>>
      %dma_wait3A_35 = tpu.memref_squeeze %dma_wait3A_34 : memref<1x79x128xi32, #tpu.memory_space<hbm>> -> memref<79x128xi32, #tpu.memory_space<hbm>>
      %dma_wait3A_36 = arith.constant 0 : i32
      %dma_wait3A_37 = arith.constant 0 : i32
      %dma_wait3A_38 = tpu.memref_slice %arg3[%add3A, %dma_wait3A_36, %dma_wait3A_37] : memref<32x79x128xi32, #tpu.memory_space<hbm>> -> memref<1x79x128xi32, #tpu.memory_space<hbm>>
      %dma_wait3A_39 = tpu.memref_squeeze %dma_wait3A_38 : memref<1x79x128xi32, #tpu.memory_space<hbm>> -> memref<79x128xi32, #tpu.memory_space<hbm>>
      tpu.wait_dma2 semaphore(%run_scoped3A : memref<!tpu.dma_semaphore, #tpu.memory_space<semaphore_mem>>) src(%dma_wait3A_39 : memref<79x128xi32, #tpu.memory_space<hbm>>) dst(%arg7 : memref<79x128xi32, #tpu.memory_space<vmem>>)
      tpu.yield
    }) : () -> ()
    "tpu.region"() ({
      %run_scoped3A = tpu.sem_alloc : memref<!tpu.dma_semaphore, #tpu.memory_space<semaphore_mem>>
      %dma_start3A = arith.constant 0 : i32
      %dma_start3A_26 = arith.constant 0 : i32
      %dma_start3A_27 = tpu.memref_slice %arg4[%add3A, %dma_start3A, %dma_start3A_26] : memref<32x79x128xi32, #tpu.memory_space<hbm>> -> memref<1x79x128xi32, #tpu.memory_space<hbm>>
      %dma_start3A_28 = tpu.memref_squeeze %dma_start3A_27 : memref<1x79x128xi32, #tpu.memory_space<hbm>> -> memref<79x128xi32, #tpu.memory_space<hbm>>
      %dma_start3A_29 = arith.constant 0 : i32
      %dma_start3A_30 = arith.constant 0 : i32
      %dma_start3A_31 = tpu.memref_slice %arg4[%add3A, %dma_start3A_29, %dma_start3A_30] : memref<32x79x128xi32, #tpu.memory_space<hbm>> -> memref<1x79x128xi32, #tpu.memory_space<hbm>>
      %dma_start3A_32 = tpu.memref_squeeze %dma_start3A_31 : memref<1x79x128xi32, #tpu.memory_space<hbm>> -> memref<79x128xi32, #tpu.memory_space<hbm>>
      tpu.enqueue_dma source(%dma_start3A_32 : memref<79x128xi32, #tpu.memory_space<hbm>>) target(%arg8 : memref<79x128xi32, #tpu.memory_space<vmem>>) target_semaphore(%run_scoped3A : memref<!tpu.dma_semaphore, #tpu.memory_space<semaphore_mem>>)
      %dma_wait3A = arith.constant 0 : i32
      %dma_wait3A_33 = arith.constant 0 : i32
      %dma_wait3A_34 = tpu.memref_slice %arg4[%add3A, %dma_wait3A, %dma_wait3A_33] : memref<32x79x128xi32, #tpu.memory_space<hbm>> -> memref<1x79x128xi32, #tpu.memory_space<hbm>>
      %dma_wait3A_35 = tpu.memref_squeeze %dma_wait3A_34 : memref<1x79x128xi32, #tpu.memory_space<hbm>> -> memref<79x128xi32, #tpu.memory_space<hbm>>
      %dma_wait3A_36 = arith.constant 0 : i32
      %dma_wait3A_37 = arith.constant 0 : i32
      %dma_wait3A_38 = tpu.memref_slice %arg4[%add3A, %dma_wait3A_36, %dma_wait3A_37] : memref<32x79x128xi32, #tpu.memory_space<hbm>> -> memref<1x79x128xi32, #tpu.memory_space<hbm>>
      %dma_wait3A_39 = tpu.memref_squeeze %dma_wait3A_38 : memref<1x79x128xi32, #tpu.memory_space<hbm>> -> memref<79x128xi32, #tpu.memory_space<hbm>>
      tpu.wait_dma2 semaphore(%run_scoped3A : memref<!tpu.dma_semaphore, #tpu.memory_space<semaphore_mem>>) src(%dma_wait3A_39 : memref<79x128xi32, #tpu.memory_space<hbm>>) dst(%arg8 : memref<79x128xi32, #tpu.memory_space<vmem>>)
      tpu.yield
    }) : () -> ()
    "tpu.region"() ({
      %run_scoped3A = tpu.sem_alloc : memref<!tpu.dma_semaphore, #tpu.memory_space<semaphore_mem>>
      %dma_start3A = arith.constant 0 : i32
      %dma_start3A_26 = arith.constant 0 : i32
      %dma_start3A_27 = tpu.memref_slice %arg5[%add3A, %dma_start3A, %dma_start3A_26] : memref<32x79x128xf32, #tpu.memory_space<hbm>> -> memref<1x79x128xf32, #tpu.memory_space<hbm>>
      %dma_start3A_28 = tpu.memref_squeeze %dma_start3A_27 : memref<1x79x128xf32, #tpu.memory_space<hbm>> -> memref<79x128xf32, #tpu.memory_space<hbm>>
      %dma_start3A_29 = arith.constant 0 : i32
      %dma_start3A_30 = arith.constant 0 : i32
      %dma_start3A_31 = tpu.memref_slice %arg5[%add3A, %dma_start3A_29, %dma_start3A_30] : memref<32x79x128xf32, #tpu.memory_space<hbm>> -> memref<1x79x128xf32, #tpu.memory_space<hbm>>
      %dma_start3A_32 = tpu.memref_squeeze %dma_start3A_31 : memref<1x79x128xf32, #tpu.memory_space<hbm>> -> memref<79x128xf32, #tpu.memory_space<hbm>>
      tpu.enqueue_dma source(%dma_start3A_32 : memref<79x128xf32, #tpu.memory_space<hbm>>) target(%arg9 : memref<79x128xf32, #tpu.memory_space<vmem>>) target_semaphore(%run_scoped3A : memref<!tpu.dma_semaphore, #tpu.memory_space<semaphore_mem>>)
      %dma_wait3A = arith.constant 0 : i32
      %dma_wait3A_33 = arith.constant 0 : i32
      %dma_wait3A_34 = tpu.memref_slice %arg5[%add3A, %dma_wait3A, %dma_wait3A_33] : memref<32x79x128xf32, #tpu.memory_space<hbm>> -> memref<1x79x128xf32, #tpu.memory_space<hbm>>
      %dma_wait3A_35 = tpu.memref_squeeze %dma_wait3A_34 : memref<1x79x128xf32, #tpu.memory_space<hbm>> -> memref<79x128xf32, #tpu.memory_space<hbm>>
      %dma_wait3A_36 = arith.constant 0 : i32
      %dma_wait3A_37 = arith.constant 0 : i32
      %dma_wait3A_38 = tpu.memref_slice %arg5[%add3A, %dma_wait3A_36, %dma_wait3A_37] : memref<32x79x128xf32, #tpu.memory_space<hbm>> -> memref<1x79x128xf32, #tpu.memory_space<hbm>>
      %dma_wait3A_39 = tpu.memref_squeeze %dma_wait3A_38 : memref<1x79x128xf32, #tpu.memory_space<hbm>> -> memref<79x128xf32, #tpu.memory_space<hbm>>
      tpu.wait_dma2 semaphore(%run_scoped3A : memref<!tpu.dma_semaphore, #tpu.memory_space<semaphore_mem>>) src(%dma_wait3A_39 : memref<79x128xf32, #tpu.memory_space<hbm>>) dst(%arg9 : memref<79x128xf32, #tpu.memory_space<vmem>>)
      tpu.yield
    }) : () -> ()
    %barrier3A = arith.constant 0 : index
    tpu.barrier barrier_id(%barrier3A)
    %scan3A_19 = arith.constant 0 : i32
    %scan3A_20 = arith.constant 0 : i32
    %scan3A_21 = arith.constant 79 : i32
    %scan3A_22 = arith.addi %scan3A_20, %scan3A_21 : i32
    %scan3A_23 = arith.constant 1 : i32
    scf.for %scan3A_26 = %scan3A_20 to %scan3A_22 step %scan3A_23  : i32 {
      %dma_start3A = arith.constant 0 : i32
      %dma_start3A_27 = tpu.memref_slice %arg7[%scan3A_26, %dma_start3A] : memref<79x128xi32, #tpu.memory_space<vmem>> -> memref<1x128xi32, #tpu.memory_space<vmem>>
      %dma_start3A_28 = tpu.memref_squeeze %dma_start3A_27 : memref<1x128xi32, #tpu.memory_space<vmem>> -> memref<128xi32, #tpu.memory_space<vmem>>
      %dma_start3A_29 = arith.constant 0 : i32
      %dma_start3A_30 = arith.constant 0 : i32
      %dma_start3A_31 = tpu.memref_slice %arg2[%dma_start3A_29, %dma_start3A_30] : memref<10000x128xf32, #tpu.memory_space<hbm>> -> memref<10000x128xf32, #tpu.memory_space<hbm>>
      tpu.enqueue_indirect_dma source(%dma_start3A_31 : memref<10000x128xf32, #tpu.memory_space<hbm>>) target(%arg10 : memref<128x128xf32, #tpu.memory_space<vmem>>) offsets(%dma_start3A_28 : memref<128xi32, #tpu.memory_space<vmem>>) semaphore(%arg12 : memref<!tpu.dma_semaphore, #tpu.memory_space<semaphore_mem>>)
      %dma_wait3A = arith.constant 0 : i32
      %dma_wait3A_32 = tpu.memref_slice %arg7[%scan3A_26, %dma_wait3A] : memref<79x128xi32, #tpu.memory_space<vmem>> -> memref<1x128xi32, #tpu.memory_space<vmem>>
      %dma_wait3A_33 = tpu.memref_squeeze %dma_wait3A_32 : memref<1x128xi32, #tpu.memory_space<vmem>> -> memref<128xi32, #tpu.memory_space<vmem>>
      %dma_wait3A_34 = arith.constant 0 : i32
      %dma_wait3A_35 = arith.constant 0 : i32
      %dma_wait3A_36 = tpu.memref_slice %arg2[%dma_wait3A_34, %dma_wait3A_35] : memref<10000x128xf32, #tpu.memory_space<hbm>> -> memref<10000x128xf32, #tpu.memory_space<hbm>>
      tpu.wait_indirect_dma semaphore(%arg12 : memref<!tpu.dma_semaphore, #tpu.memory_space<semaphore_mem>>) src(%dma_wait3A_36 : memref<10000x128xf32, #tpu.memory_space<hbm>>) dst(%arg10 : memref<128x128xf32, #tpu.memory_space<vmem>>)
      %broadcast_in_dim3A_37 = vector.broadcast %scan3A_26 : i32 to vector<16xi32>
      %scan3A_38 = arith.constant 0 : i32
      %scan3A_39 = arith.constant 0 : i32
      %scan3A_40 = arith.constant 16 : i32
      %scan3A_41 = arith.addi %scan3A_39, %scan3A_40 : i32
      %scan3A_42 = arith.constant 1 : i32
      scf.for %scan3A_44 = %scan3A_39 to %scan3A_41 step %scan3A_42  : i32 {
        %mul3A_45 = arith.constant 8 : i32
        %mul3A_46 = arith.muli %scan3A_44, %mul3A_45 : i32
        %add3A_47 = arith.constant 0 : i32
        %add3A_48 = arith.addi %mul3A_46, %add3A_47 : i32
        %broadcast_in_dim3A_49 = vector.broadcast %add3A_48 : i32 to vector<16xi32>
        %gather3A = tpu.vector_load_idx %arg9[%broadcast_in_dim3A_37, %broadcast_in_dim3A_49] : memref<79x128xf32, #tpu.memory_space<vmem>>[vector<16xi32>, vector<16xi32>], vector<16xf32>,
        %get3A = arith.index_cast %add3A_48 : i32 to index
        %get3A_50 = arith.constant 0 : index
        %get3A_51 = tpu.vector_load %arg10[%get3A, %get3A_50] {strides = array<i32>} : memref<128x128xf32, #tpu.memory_space<vmem>>, vector<16xf32>,
        %mul3A_52 = arith.mulf %get3A_51, %gather3A : vector<16xf32>
        %swap3A = arith.index_cast %add3A_48 : i32 to index
        %swap3A_53 = arith.constant 0 : index
        %swap3A_54 = tpu.vector_load %arg10[%swap3A, %swap3A_53] {strides = array<i32>} : memref<128x128xf32, #tpu.memory_space<vmem>>, vector<16xf32>,
        tpu.vector_store %arg10[%swap3A, %swap3A_53], %mul3A_52 {strides = array<i32>} : memref<128x128xf32, #tpu.memory_space<vmem>>, vector<16xf32>,
        %get3A_55 = arith.index_cast %add3A_48 : i32 to index
        %get3A_56 = arith.constant 16 : index
        %get3A_57 = tpu.vector_load %arg10[%get3A_55, %get3A_56] {strides = array<i32>} : memref<128x128xf32, #tpu.memory_space<vmem>>, vector<16xf32>,
        %mul3A_58 = arith.mulf %get3A_57, %gather3A : vector<16xf32>
        %swap3A_59 = arith.index_cast %add3A_48 : i32 to index
        %swap3A_60 = arith.constant 16 : index
        %swap3A_61 = tpu.vector_load %arg10[%swap3A_59, %swap3A_60] {strides = array<i32>} : memref<128x128xf32, #tpu.memory_space<vmem>>, vector<16xf32>,
        tpu.vector_store %arg10[%swap3A_59, %swap3A_60], %mul3A_58 {strides = array<i32>} : memref<128x128xf32, #tpu.memory_space<vmem>>, vector<16xf32>,
        %get3A_62 = arith.index_cast %add3A_48 : i32 to index
        %get3A_63 = arith.constant 32 : index
        %get3A_64 = tpu.vector_load %arg10[%get3A_62, %get3A_63] {strides = array<i32>} : memref<128x128xf32, #tpu.memory_space<vmem>>, vector<16xf32>,
        %mul3A_65 = arith.mulf %get3A_64, %gather3A : vector<16xf32>
        %swap3A_66 = arith.index_cast %add3A_48 : i32 to index
        %swap3A_67 = arith.constant 32 : index
        %swap3A_68 = tpu.vector_load %arg10[%swap3A_66, %swap3A_67] {strides = array<i32>} : memref<128x128xf32, #tpu.memory_space<vmem>>, vector<16xf32>,
        tpu.vector_store %arg10[%swap3A_66, %swap3A_67], %mul3A_65 {strides = array<i32>} : memref<128x128xf32, #tpu.memory_space<vmem>>, vector<16xf32>,
        %get3A_69 = arith.index_cast %add3A_48 : i32 to index
        %get3A_70 = arith.constant 48 : index
        %get3A_71 = tpu.vector_load %arg10[%get3A_69, %get3A_70] {strides = array<i32>} : memref<128x128xf32, #tpu.memory_space<vmem>>, vector<16xf32>,
        %mul3A_72 = arith.mulf %get3A_71, %gather3A : vector<16xf32>
        %swap3A_73 = arith.index_cast %add3A_48 : i32 to index
        %swap3A_74 = arith.constant 48 : index
        %swap3A_75 = tpu.vector_load %arg10[%swap3A_73, %swap3A_74] {strides = array<i32>} : memref<128x128xf32, #tpu.memory_space<vmem>>, vector<16xf32>,
        tpu.vector_store %arg10[%swap3A_73, %swap3A_74], %mul3A_72 {strides = array<i32>} : memref<128x128xf32, #tpu.memory_space<vmem>>, vector<16xf32>,
        %get3A_76 = arith.index_cast %add3A_48 : i32 to index
        %get3A_77 = arith.constant 64 : index
        %get3A_78 = tpu.vector_load %arg10[%get3A_76, %get3A_77] {strides = array<i32>} : memref<128x128xf32, #tpu.memory_space<vmem>>, vector<16xf32>,
        %mul3A_79 = arith.mulf %get3A_78, %gather3A : vector<16xf32>
        %swap3A_80 = arith.index_cast %add3A_48 : i32 to index
        %swap3A_81 = arith.constant 64 : index
        %swap3A_82 = tpu.vector_load %arg10[%swap3A_80, %swap3A_81] {strides = array<i32>} : memref<128x128xf32, #tpu.memory_space<vmem>>, vector<16xf32>,
        tpu.vector_store %arg10[%swap3A_80, %swap3A_81], %mul3A_79 {strides = array<i32>} : memref<128x128xf32, #tpu.memory_space<vmem>>, vector<16xf32>,
        %get3A_83 = arith.index_cast %add3A_48 : i32 to index
        %get3A_84 = arith.constant 80 : index
        %get3A_85 = tpu.vector_load %arg10[%get3A_83, %get3A_84] {strides = array<i32>} : memref<128x128xf32, #tpu.memory_space<vmem>>, vector<16xf32>,
        %mul3A_86 = arith.mulf %get3A_85, %gather3A : vector<16xf32>
        %swap3A_87 = arith.index_cast %add3A_48 : i32 to index
        %swap3A_88 = arith.constant 80 : index
        %swap3A_89 = tpu.vector_load %arg10[%swap3A_87, %swap3A_88] {strides = array<i32>} : memref<128x128xf32, #tpu.memory_space<vmem>>, vector<16xf32>,
        tpu.vector_store %arg10[%swap3A_87, %swap3A_88], %mul3A_86 {strides = array<i32>} : memref<128x128xf32, #tpu.memory_space<vmem>>, vector<16xf32>,
        %get3A_90 = arith.index_cast %add3A_48 : i32 to index
        %get3A_91 = arith.constant 96 : index
        %get3A_92 = tpu.vector_load %arg10[%get3A_90, %get3A_91] {strides = array<i32>} : memref<128x128xf32, #tpu.memory_space<vmem>>, vector<16xf32>,
        %mul3A_93 = arith.mulf %get3A_92, %gather3A : vector<16xf32>
        %swap3A_94 = arith.index_cast %add3A_48 : i32 to index
        %swap3A_95 = arith.constant 96 : index
        %swap3A_96 = tpu.vector_load %arg10[%swap3A_94, %swap3A_95] {strides = array<i32>} : memref<128x128xf32, #tpu.memory_space<vmem>>, vector<16xf32>,
        tpu.vector_store %arg10[%swap3A_94, %swap3A_95], %mul3A_93 {strides = array<i32>} : memref<128x128xf32, #tpu.memory_space<vmem>>, vector<16xf32>,
        %get3A_97 = arith.index_cast %add3A_48 : i32 to index
        %get3A_98 = arith.constant 112 : index
        %get3A_99 = tpu.vector_load %arg10[%get3A_97, %get3A_98] {strides = array<i32>} : memref<128x128xf32, #tpu.memory_space<vmem>>, vector<16xf32>,
        %mul3A_100 = arith.mulf %get3A_99, %gather3A : vector<16xf32>
        %swap3A_101 = arith.index_cast %add3A_48 : i32 to index
        %swap3A_102 = arith.constant 112 : index
        %swap3A_103 = tpu.vector_load %arg10[%swap3A_101, %swap3A_102] {strides = array<i32>} : memref<128x128xf32, #tpu.memory_space<vmem>>, vector<16xf32>,
        tpu.vector_store %arg10[%swap3A_101, %swap3A_102], %mul3A_100 {strides = array<i32>} : memref<128x128xf32, #tpu.memory_space<vmem>>, vector<16xf32>,
        %mul3A_104 = arith.constant 8 : i32
        %mul3A_105 = arith.muli %scan3A_44, %mul3A_104 : i32
        %add3A_106 = arith.constant 1 : i32
        %add3A_107 = arith.addi %mul3A_105, %add3A_106 : i32
        %broadcast_in_dim3A_108 = vector.broadcast %add3A_107 : i32 to vector<16xi32>
        %gather3A_109 = tpu.vector_load_idx %arg9[%broadcast_in_dim3A_37, %broadcast_in_dim3A_108] : memref<79x128xf32, #tpu.memory_space<vmem>>[vector<16xi32>, vector<16xi32>], vector<16xf32>,
        %get3A_110 = arith.index_cast %add3A_107 : i32 to index
        %get3A_111 = arith.constant 0 : index
        %get3A_112 = tpu.vector_load %arg10[%get3A_110, %get3A_111] {strides = array<i32>} : memref<128x128xf32, #tpu.memory_space<vmem>>, vector<16xf32>,
        %mul3A_113 = arith.mulf %get3A_112, %gather3A_109 : vector<16xf32>
        %swap3A_114 = arith.index_cast %add3A_107 : i32 to index
        %swap3A_115 = arith.constant 0 : index
        %swap3A_116 = tpu.vector_load %arg10[%swap3A_114, %swap3A_115] {strides = array<i32>} : memref<128x128xf32, #tpu.memory_space<vmem>>, vector<16xf32>,
        tpu.vector_store %arg10[%swap3A_114, %swap3A_115], %mul3A_113 {strides = array<i32>} : memref<128x128xf32, #tpu.memory_space<vmem>>, vector<16xf32>,
        %get3A_117 = arith.index_cast %add3A_107 : i32 to index
        %get3A_118 = arith.constant 16 : index
        %get3A_119 = tpu.vector_load %arg10[%get3A_117, %get3A_118] {strides = array<i32>} : memref<128x128xf32, #tpu.memory_space<vmem>>, vector<16xf32>,
        %mul3A_120 = arith.mulf %get3A_119, %gather3A_109 : vector<16xf32>
        %swap3A_121 = arith.index_cast %add3A_107 : i32 to index
        %swap3A_122 = arith.constant 16 : index
        %swap3A_123 = tpu.vector_load %arg10[%swap3A_121, %swap3A_122] {strides = array<i32>} : memref<128x128xf32, #tpu.memory_space<vmem>>, vector<16xf32>,
        tpu.vector_store %arg10[%swap3A_121, %swap3A_122], %mul3A_120 {strides = array<i32>} : memref<128x128xf32, #tpu.memory_space<vmem>>, vector<16xf32>,
        %get3A_124 = arith.index_cast %add3A_107 : i32 to index
        %get3A_125 = arith.constant 32 : index
        %get3A_126 = tpu.vector_load %arg10[%get3A_124, %get3A_125] {strides = array<i32>} : memref<128x128xf32, #tpu.memory_space<vmem>>, vector<16xf32>,
        %mul3A_127 = arith.mulf %get3A_126, %gather3A_109 : vector<16xf32>
        %swap3A_128 = arith.index_cast %add3A_107 : i32 to index
        %swap3A_129 = arith.constant 32 : index
        %swap3A_130 = tpu.vector_load %arg10[%swap3A_128, %swap3A_129] {strides = array<i32>} : memref<128x128xf32, #tpu.memory_space<vmem>>, vector<16xf32>,
        tpu.vector_store %arg10[%swap3A_128, %swap3A_129], %mul3A_127 {strides = array<i32>} : memref<128x128xf32, #tpu.memory_space<vmem>>, vector<16xf32>,
        %get3A_131 = arith.index_cast %add3A_107 : i32 to index
        %get3A_132 = arith.constant 48 : index
        %get3A_133 = tpu.vector_load %arg10[%get3A_131, %get3A_132] {strides = array<i32>} : memref<128x128xf32, #tpu.memory_space<vmem>>, vector<16xf32>,
        %mul3A_134 = arith.mulf %get3A_133, %gather3A_109 : vector<16xf32>
        %swap3A_135 = arith.index_cast %add3A_107 : i32 to index
        %swap3A_136 = arith.constant 48 : index
        %swap3A_137 = tpu.vector_load %arg10[%swap3A_135, %swap3A_136] {strides = array<i32>} : memref<128x128xf32, #tpu.memory_space<vmem>>, vector<16xf32>,
        tpu.vector_store %arg10[%swap3A_135, %swap3A_136], %mul3A_134 {strides = array<i32>} : memref<128x128xf32, #tpu.memory_space<vmem>>, vector<16xf32>,
        %get3A_138 = arith.index_cast %add3A_107 : i32 to index
        %get3A_139 = arith.constant 64 : index
        %get3A_140 = tpu.vector_load %arg10[%get3A_138, %get3A_139] {strides = array<i32>} : memref<128x128xf32, #tpu.memory_space<vmem>>, vector<16xf32>,
        %mul3A_141 = arith.mulf %get3A_140, %gather3A_109 : vector<16xf32>
        %swap3A_142 = arith.index_cast %add3A_107 : i32 to index
        %swap3A_143 = arith.constant 64 : index
        %swap3A_144 = tpu.vector_load %arg10[%swap3A_142, %swap3A_143] {strides = array<i32>} : memref<128x128xf32, #tpu.memory_space<vmem>>, vector<16xf32>,
        tpu.vector_store %arg10[%swap3A_142, %swap3A_143], %mul3A_141 {strides = array<i32>} : memref<128x128xf32, #tpu.memory_space<vmem>>, vector<16xf32>,
        %get3A_145 = arith.index_cast %add3A_107 : i32 to index
        %get3A_146 = arith.constant 80 : index
        %get3A_147 = tpu.vector_load %arg10[%get3A_145, %get3A_146] {strides = array<i32>} : memref<128x128xf32, #tpu.memory_space<vmem>>, vector<16xf32>,
        %mul3A_148 = arith.mulf %get3A_147, %gather3A_109 : vector<16xf32>
        %swap3A_149 = arith.index_cast %add3A_107 : i32 to index
        %swap3A_150 = arith.constant 80 : index
        %swap3A_151 = tpu.vector_load %arg10[%swap3A_149, %swap3A_150] {strides = array<i32>} : memref<128x128xf32, #tpu.memory_space<vmem>>, vector<16xf32>,
        tpu.vector_store %arg10[%swap3A_149, %swap3A_150], %mul3A_148 {strides = array<i32>} : memref<128x128xf32, #tpu.memory_space<vmem>>, vector<16xf32>,
        %get3A_152 = arith.index_cast %add3A_107 : i32 to index
        %get3A_153 = arith.constant 96 : index
        %get3A_154 = tpu.vector_load %arg10[%get3A_152, %get3A_153] {strides = array<i32>} : memref<128x128xf32, #tpu.memory_space<vmem>>, vector<16xf32>,
        %mul3A_155 = arith.mulf %get3A_154, %gather3A_109 : vector<16xf32>
        %swap3A_156 = arith.index_cast %add3A_107 : i32 to index
        %swap3A_157 = arith.constant 96 : index
        %swap3A_158 = tpu.vector_load %arg10[%swap3A_156, %swap3A_157] {strides = array<i32>} : memref<128x128xf32, #tpu.memory_space<vmem>>, vector<16xf32>,
        tpu.vector_store %arg10[%swap3A_156, %swap3A_157], %mul3A_155 {strides = array<i32>} : memref<128x128xf32, #tpu.memory_space<vmem>>, vector<16xf32>,
        %get3A_159 = arith.index_cast %add3A_107 : i32 to index
        %get3A_160 = arith.constant 112 : index
        %get3A_161 = tpu.vector_load %arg10[%get3A_159, %get3A_160] {strides = array<i32>} : memref<128x128xf32, #tpu.memory_space<vmem>>, vector<16xf32>,
        %mul3A_162 = arith.mulf %get3A_161, %gather3A_109 : vector<16xf32>
        %swap3A_163 = arith.index_cast %add3A_107 : i32 to index
        %swap3A_164 = arith.constant 112 : index
        %swap3A_165 = tpu.vector_load %arg10[%swap3A_163, %swap3A_164] {strides = array<i32>} : memref<128x128xf32, #tpu.memory_space<vmem>>, vector<16xf32>,
        tpu.vector_store %arg10[%swap3A_163, %swap3A_164], %mul3A_162 {strides = array<i32>} : memref<128x128xf32, #tpu.memory_space<vmem>>, vector<16xf32>,
        %mul3A_166 = arith.constant 8 : i32
        %mul3A_167 = arith.muli %scan3A_44, %mul3A_166 : i32
        %add3A_168 = arith.constant 2 : i32
        %add3A_169 = arith.addi %mul3A_167, %add3A_168 : i32
        %broadcast_in_dim3A_170 = vector.broadcast %add3A_169 : i32 to vector<16xi32>
        %gather3A_171 = tpu.vector_load_idx %arg9[%broadcast_in_dim3A_37, %broadcast_in_dim3A_170] : memref<79x128xf32, #tpu.memory_space<vmem>>[vector<16xi32>, vector<16xi32>], vector<16xf32>,
        %get3A_172 = arith.index_cast %add3A_169 : i32 to index
        %get3A_173 = arith.constant 0 : index
        %get3A_174 = tpu.vector_load %arg10[%get3A_172, %get3A_173] {strides = array<i32>} : memref<128x128xf32, #tpu.memory_space<vmem>>, vector<16xf32>,
        %mul3A_175 = arith.mulf %get3A_174, %gather3A_171 : vector<16xf32>
        %swap3A_176 = arith.index_cast %add3A_169 : i32 to index
        %swap3A_177 = arith.constant 0 : index
        %swap3A_178 = tpu.vector_load %arg10[%swap3A_176, %swap3A_177] {strides = array<i32>} : memref<128x128xf32, #tpu.memory_space<vmem>>, vector<16xf32>,
        tpu.vector_store %arg10[%swap3A_176, %swap3A_177], %mul3A_175 {strides = array<i32>} : memref<128x128xf32, #tpu.memory_space<vmem>>, vector<16xf32>,
        %get3A_179 = arith.index_cast %add3A_169 : i32 to index
        %get3A_180 = arith.constant 16 : index
        %get3A_181 = tpu.vector_load %arg10[%get3A_179, %get3A_180] {strides = array<i32>} : memref<128x128xf32, #tpu.memory_space<vmem>>, vector<16xf32>,
        %mul3A_182 = arith.mulf %get3A_181, %gather3A_171 : vector<16xf32>
        %swap3A_183 = arith.index_cast %add3A_169 : i32 to index
        %swap3A_184 = arith.constant 16 : index
        %swap3A_185 = tpu.vector_load %arg10[%swap3A_183, %swap3A_184] {strides = array<i32>} : memref<128x128xf32, #tpu.memory_space<vmem>>, vector<16xf32>,
        tpu.vector_store %arg10[%swap3A_183, %swap3A_184], %mul3A_182 {strides = array<i32>} : memref<128x128xf32, #tpu.memory_space<vmem>>, vector<16xf32>,
        %get3A_186 = arith.index_cast %add3A_169 : i32 to index
        %get3A_187 = arith.constant 32 : index
        %get3A_188 = tpu.vector_load %arg10[%get3A_186, %get3A_187] {strides = array<i32>} : memref<128x128xf32, #tpu.memory_space<vmem>>, vector<16xf32>,
        %mul3A_189 = arith.mulf %get3A_188, %gather3A_171 : vector<16xf32>
        %swap3A_190 = arith.index_cast %add3A_169 : i32 to index
        %swap3A_191 = arith.constant 32 : index
        %swap3A_192 = tpu.vector_load %arg10[%swap3A_190, %swap3A_191] {strides = array<i32>} : memref<128x128xf32, #tpu.memory_space<vmem>>, vector<16xf32>,
        tpu.vector_store %arg10[%swap3A_190, %swap3A_191], %mul3A_189 {strides = array<i32>} : memref<128x128xf32, #tpu.memory_space<vmem>>, vector<16xf32>,
        %get3A_193 = arith.index_cast %add3A_169 : i32 to index
        %get3A_194 = arith.constant 48 : index
        %get3A_195 = tpu.vector_load %arg10[%get3A_193, %get3A_194] {strides = array<i32>} : memref<128x128xf32, #tpu.memory_space<vmem>>, vector<16xf32>,
        %mul3A_196 = arith.mulf %get3A_195, %gather3A_171 : vector<16xf32>
        %swap3A_197 = arith.index_cast %add3A_169 : i32 to index
        %swap3A_198 = arith.constant 48 : index
        %swap3A_199 = tpu.vector_load %arg10[%swap3A_197, %swap3A_198] {strides = array<i32>} : memref<128x128xf32, #tpu.memory_space<vmem>>, vector<16xf32>,
        tpu.vector_store %arg10[%swap3A_197, %swap3A_198], %mul3A_196 {strides = array<i32>} : memref<128x128xf32, #tpu.memory_space<vmem>>, vector<16xf32>,
        %get3A_200 = arith.index_cast %add3A_169 : i32 to index
        %get3A_201 = arith.constant 64 : index
        %get3A_202 = tpu.vector_load %arg10[%get3A_200, %get3A_201] {strides = array<i32>} : memref<128x128xf32, #tpu.memory_space<vmem>>, vector<16xf32>,
        %mul3A_203 = arith.mulf %get3A_202, %gather3A_171 : vector<16xf32>
        %swap3A_204 = arith.index_cast %add3A_169 : i32 to index
        %swap3A_205 = arith.constant 64 : index
        %swap3A_206 = tpu.vector_load %arg10[%swap3A_204, %swap3A_205] {strides = array<i32>} : memref<128x128xf32, #tpu.memory_space<vmem>>, vector<16xf32>,
        tpu.vector_store %arg10[%swap3A_204, %swap3A_205], %mul3A_203 {strides = array<i32>} : memref<128x128xf32, #tpu.memory_space<vmem>>, vector<16xf32>,
        %get3A_207 = arith.index_cast %add3A_169 : i32 to index
        %get3A_208 = arith.constant 80 : index
        %get3A_209 = tpu.vector_load %arg10[%get3A_207, %get3A_208] {strides = array<i32>} : memref<128x128xf32, #tpu.memory_space<vmem>>, vector<16xf32>,
        %mul3A_210 = arith.mulf %get3A_209, %gather3A_171 : vector<16xf32>
        %swap3A_211 = arith.index_cast %add3A_169 : i32 to index
        %swap3A_212 = arith.constant 80 : index
        %swap3A_213 = tpu.vector_load %arg10[%swap3A_211, %swap3A_212] {strides = array<i32>} : memref<128x128xf32, #tpu.memory_space<vmem>>, vector<16xf32>,
        tpu.vector_store %arg10[%swap3A_211, %swap3A_212], %mul3A_210 {strides = array<i32>} : memref<128x128xf32, #tpu.memory_space<vmem>>, vector<16xf32>,
        %get3A_214 = arith.index_cast %add3A_169 : i32 to index
        %get3A_215 = arith.constant 96 : index
        %get3A_216 = tpu.vector_load %arg10[%get3A_214, %get3A_215] {strides = array<i32>} : memref<128x128xf32, #tpu.memory_space<vmem>>, vector<16xf32>,
        %mul3A_217 = arith.mulf %get3A_216, %gather3A_171 : vector<16xf32>
        %swap3A_218 = arith.index_cast %add3A_169 : i32 to index
        %swap3A_219 = arith.constant 96 : index
        %swap3A_220 = tpu.vector_load %arg10[%swap3A_218, %swap3A_219] {strides = array<i32>} : memref<128x128xf32, #tpu.memory_space<vmem>>, vector<16xf32>,
        tpu.vector_store %arg10[%swap3A_218, %swap3A_219], %mul3A_217 {strides = array<i32>} : memref<128x128xf32, #tpu.memory_space<vmem>>, vector<16xf32>,
        %get3A_221 = arith.index_cast %add3A_169 : i32 to index
        %get3A_222 = arith.constant 112 : index
        %get3A_223 = tpu.vector_load %arg10[%get3A_221, %get3A_222] {strides = array<i32>} : memref<128x128xf32, #tpu.memory_space<vmem>>, vector<16xf32>,
        %mul3A_224 = arith.mulf %get3A_223, %gather3A_171 : vector<16xf32>
        %swap3A_225 = arith.index_cast %add3A_169 : i32 to index
        %swap3A_226 = arith.constant 112 : index
        %swap3A_227 = tpu.vector_load %arg10[%swap3A_225, %swap3A_226] {strides = array<i32>} : memref<128x128xf32, #tpu.memory_space<vmem>>, vector<16xf32>,
        tpu.vector_store %arg10[%swap3A_225, %swap3A_226], %mul3A_224 {strides = array<i32>} : memref<128x128xf32, #tpu.memory_space<vmem>>, vector<16xf32>,
        %mul3A_228 = arith.constant 8 : i32
        %mul3A_229 = arith.muli %scan3A_44, %mul3A_228 : i32
        %add3A_230 = arith.constant 3 : i32
        %add3A_231 = arith.addi %mul3A_229, %add3A_230 : i32
        %broadcast_in_dim3A_232 = vector.broadcast %add3A_231 : i32 to vector<16xi32>
        %gather3A_233 = tpu.vector_load_idx %arg9[%broadcast_in_dim3A_37, %broadcast_in_dim3A_232] : memref<79x128xf32, #tpu.memory_space<vmem>>[vector<16xi32>, vector<16xi32>], vector<16xf32>,
        %get3A_234 = arith.index_cast %add3A_231 : i32 to index
        %get3A_235 = arith.constant 0 : index
        %get3A_236 = tpu.vector_load %arg10[%get3A_234, %get3A_235] {strides = array<i32>} : memref<128x128xf32, #tpu.memory_space<vmem>>, vector<16xf32>,
        %mul3A_237 = arith.mulf %get3A_236, %gather3A_233 : vector<16xf32>
        %swap3A_238 = arith.index_cast %add3A_231 : i32 to index
        %swap3A_239 = arith.constant 0 : index
        %swap3A_240 = tpu.vector_load %arg10[%swap3A_238, %swap3A_239] {strides = array<i32>} : memref<128x128xf32, #tpu.memory_space<vmem>>, vector<16xf32>,
        tpu.vector_store %arg10[%swap3A_238, %swap3A_239], %mul3A_237 {strides = array<i32>} : memref<128x128xf32, #tpu.memory_space<vmem>>, vector<16xf32>,
        %get3A_241 = arith.index_cast %add3A_231 : i32 to index
        %get3A_242 = arith.constant 16 : index
        %get3A_243 = tpu.vector_load %arg10[%get3A_241, %get3A_242] {strides = array<i32>} : memref<128x128xf32, #tpu.memory_space<vmem>>, vector<16xf32>,
        %mul3A_244 = arith.mulf %get3A_243, %gather3A_233 : vector<16xf32>
        %swap3A_245 = arith.index_cast %add3A_231 : i32 to index
        %swap3A_246 = arith.constant 16 : index
        %swap3A_247 = tpu.vector_load %arg10[%swap3A_245, %swap3A_246] {strides = array<i32>} : memref<128x128xf32, #tpu.memory_space<vmem>>, vector<16xf32>,
        tpu.vector_store %arg10[%swap3A_245, %swap3A_246], %mul3A_244 {strides = array<i32>} : memref<128x128xf32, #tpu.memory_space<vmem>>, vector<16xf32>,
        %get3A_248 = arith.index_cast %add3A_231 : i32 to index
        %get3A_249 = arith.constant 32 : index
        %get3A_250 = tpu.vector_load %arg10[%get3A_248, %get3A_249] {strides = array<i32>} : memref<128x128xf32, #tpu.memory_space<vmem>>, vector<16xf32>,
        %mul3A_251 = arith.mulf %get3A_250, %gather3A_233 : vector<16xf32>
        %swap3A_252 = arith.index_cast %add3A_231 : i32 to index
        %swap3A_253 = arith.constant 32 : index
        %swap3A_254 = tpu.vector_load %arg10[%swap3A_252, %swap3A_253] {strides = array<i32>} : memref<128x128xf32, #tpu.memory_space<vmem>>, vector<16xf32>,
        tpu.vector_store %arg10[%swap3A_252, %swap3A_253], %mul3A_251 {strides = array<i32>} : memref<128x128xf32, #tpu.memory_space<vmem>>, vector<16xf32>,
        %get3A_255 = arith.index_cast %add3A_231 : i32 to index
        %get3A_256 = arith.constant 48 : index
        %get3A_257 = tpu.vector_load %arg10[%get3A_255, %get3A_256] {strides = array<i32>} : memref<128x128xf32, #tpu.memory_space<vmem>>, vector<16xf32>,
        %mul3A_258 = arith.mulf %get3A_257, %gather3A_233 : vector<16xf32>
        %swap3A_259 = arith.index_cast %add3A_231 : i32 to index
        %swap3A_260 = arith.constant 48 : index
        %swap3A_261 = tpu.vector_load %arg10[%swap3A_259, %swap3A_260] {strides = array<i32>} : memref<128x128xf32, #tpu.memory_space<vmem>>, vector<16xf32>,
        tpu.vector_store %arg10[%swap3A_259, %swap3A_260], %mul3A_258 {strides = array<i32>} : memref<128x128xf32, #tpu.memory_space<vmem>>, vector<16xf32>,
        %get3A_262 = arith.index_cast %add3A_231 : i32 to index
        %get3A_263 = arith.constant 64 : index
        %get3A_264 = tpu.vector_load %arg10[%get3A_262, %get3A_263] {strides = array<i32>} : memref<128x128xf32, #tpu.memory_space<vmem>>, vector<16xf32>,
        %mul3A_265 = arith.mulf %get3A_264, %gather3A_233 : vector<16xf32>
        %swap3A_266 = arith.index_cast %add3A_231 : i32 to index
        %swap3A_267 = arith.constant 64 : index
        %swap3A_268 = tpu.vector_load %arg10[%swap3A_266, %swap3A_267] {strides = array<i32>} : memref<128x128xf32, #tpu.memory_space<vmem>>, vector<16xf32>,
        tpu.vector_store %arg10[%swap3A_266, %swap3A_267], %mul3A_265 {strides = array<i32>} : memref<128x128xf32, #tpu.memory_space<vmem>>, vector<16xf32>,
        %get3A_269 = arith.index_cast %add3A_231 : i32 to index
        %get3A_270 = arith.constant 80 : index
        %get3A_271 = tpu.vector_load %arg10[%get3A_269, %get3A_270] {strides = array<i32>} : memref<128x128xf32, #tpu.memory_space<vmem>>, vector<16xf32>,
        %mul3A_272 = arith.mulf %get3A_271, %gather3A_233 : vector<16xf32>
        %swap3A_273 = arith.index_cast %add3A_231 : i32 to index
        %swap3A_274 = arith.constant 80 : index
        %swap3A_275 = tpu.vector_load %arg10[%swap3A_273, %swap3A_274] {strides = array<i32>} : memref<128x128xf32, #tpu.memory_space<vmem>>, vector<16xf32>,
        tpu.vector_store %arg10[%swap3A_273, %swap3A_274], %mul3A_272 {strides = array<i32>} : memref<128x128xf32, #tpu.memory_space<vmem>>, vector<16xf32>,
        %get3A_276 = arith.index_cast %add3A_231 : i32 to index
        %get3A_277 = arith.constant 96 : index
        %get3A_278 = tpu.vector_load %arg10[%get3A_276, %get3A_277] {strides = array<i32>} : memref<128x128xf32, #tpu.memory_space<vmem>>, vector<16xf32>,
        %mul3A_279 = arith.mulf %get3A_278, %gather3A_233 : vector<16xf32>
        %swap3A_280 = arith.index_cast %add3A_231 : i32 to index
        %swap3A_281 = arith.constant 96 : index
        %swap3A_282 = tpu.vector_load %arg10[%swap3A_280, %swap3A_281] {strides = array<i32>} : memref<128x128xf32, #tpu.memory_space<vmem>>, vector<16xf32>,
        tpu.vector_store %arg10[%swap3A_280, %swap3A_281], %mul3A_279 {strides = array<i32>} : memref<128x128xf32, #tpu.memory_space<vmem>>, vector<16xf32>,
        %get3A_283 = arith.index_cast %add3A_231 : i32 to index
        %get3A_284 = arith.constant 112 : index
        %get3A_285 = tpu.vector_load %arg10[%get3A_283, %get3A_284] {strides = array<i32>} : memref<128x128xf32, #tpu.memory_space<vmem>>, vector<16xf32>,
        %mul3A_286 = arith.mulf %get3A_285, %gather3A_233 : vector<16xf32>
        %swap3A_287 = arith.index_cast %add3A_231 : i32 to index
        %swap3A_288 = arith.constant 112 : index
        %swap3A_289 = tpu.vector_load %arg10[%swap3A_287, %swap3A_288] {strides = array<i32>} : memref<128x128xf32, #tpu.memory_space<vmem>>, vector<16xf32>,
        tpu.vector_store %arg10[%swap3A_287, %swap3A_288], %mul3A_286 {strides = array<i32>} : memref<128x128xf32, #tpu.memory_space<vmem>>, vector<16xf32>,
        %mul3A_290 = arith.constant 8 : i32
        %mul3A_291 = arith.muli %scan3A_44, %mul3A_290 : i32
        %add3A_292 = arith.constant 4 : i32
        %add3A_293 = arith.addi %mul3A_291, %add3A_292 : i32
        %broadcast_in_dim3A_294 = vector.broadcast %add3A_293 : i32 to vector<16xi32>
        %gather3A_295 = tpu.vector_load_idx %arg9[%broadcast_in_dim3A_37, %broadcast_in_dim3A_294] : memref<79x128xf32, #tpu.memory_space<vmem>>[vector<16xi32>, vector<16xi32>], vector<16xf32>,
        %get3A_296 = arith.index_cast %add3A_293 : i32 to index
        %get3A_297 = arith.constant 0 : index
        %get3A_298 = tpu.vector_load %arg10[%get3A_296, %get3A_297] {strides = array<i32>} : memref<128x128xf32, #tpu.memory_space<vmem>>, vector<16xf32>,
        %mul3A_299 = arith.mulf %get3A_298, %gather3A_295 : vector<16xf32>
        %swap3A_300 = arith.index_cast %add3A_293 : i32 to index
        %swap3A_301 = arith.constant 0 : index
        %swap3A_302 = tpu.vector_load %arg10[%swap3A_300, %swap3A_301] {strides = array<i32>} : memref<128x128xf32, #tpu.memory_space<vmem>>, vector<16xf32>,
        tpu.vector_store %arg10[%swap3A_300, %swap3A_301], %mul3A_299 {strides = array<i32>} : memref<128x128xf32, #tpu.memory_space<vmem>>, vector<16xf32>,
        %get3A_303 = arith.index_cast %add3A_293 : i32 to index
        %get3A_304 = arith.constant 16 : index
        %get3A_305 = tpu.vector_load %arg10[%get3A_303, %get3A_304] {strides = array<i32>} : memref<128x128xf32, #tpu.memory_space<vmem>>, vector<16xf32>,
        %mul3A_306 = arith.mulf %get3A_305, %gather3A_295 : vector<16xf32>
        %swap3A_307 = arith.index_cast %add3A_293 : i32 to index
        %swap3A_308 = arith.constant 16 : index
        %swap3A_309 = tpu.vector_load %arg10[%swap3A_307, %swap3A_308] {strides = array<i32>} : memref<128x128xf32, #tpu.memory_space<vmem>>, vector<16xf32>,
        tpu.vector_store %arg10[%swap3A_307, %swap3A_308], %mul3A_306 {strides = array<i32>} : memref<128x128xf32, #tpu.memory_space<vmem>>, vector<16xf32>,
        %get3A_310 = arith.index_cast %add3A_293 : i32 to index
        %get3A_311 = arith.constant 32 : index
        %get3A_312 = tpu.vector_load %arg10[%get3A_310, %get3A_311] {strides = array<i32>} : memref<128x128xf32, #tpu.memory_space<vmem>>, vector<16xf32>,
        %mul3A_313 = arith.mulf %get3A_312, %gather3A_295 : vector<16xf32>
        %swap3A_314 = arith.index_cast %add3A_293 : i32 to index
        %swap3A_315 = arith.constant 32 : index
        %swap3A_316 = tpu.vector_load %arg10[%swap3A_314, %swap3A_315] {strides = array<i32>} : memref<128x128xf32, #tpu.memory_space<vmem>>, vector<16xf32>,
        tpu.vector_store %arg10[%swap3A_314, %swap3A_315], %mul3A_313 {strides = array<i32>} : memref<128x128xf32, #tpu.memory_space<vmem>>, vector<16xf32>,
        %get3A_317 = arith.index_cast %add3A_293 : i32 to index
        %get3A_318 = arith.constant 48 : index
        %get3A_319 = tpu.vector_load %arg10[%get3A_317, %get3A_318] {strides = array<i32>} : memref<128x128xf32, #tpu.memory_space<vmem>>, vector<16xf32>,
        %mul3A_320 = arith.mulf %get3A_319, %gather3A_295 : vector<16xf32>
        %swap3A_321 = arith.index_cast %add3A_293 : i32 to index
        %swap3A_322 = arith.constant 48 : index
        %swap3A_323 = tpu.vector_load %arg10[%swap3A_321, %swap3A_322] {strides = array<i32>} : memref<128x128xf32, #tpu.memory_space<vmem>>, vector<16xf32>,
        tpu.vector_store %arg10[%swap3A_321, %swap3A_322], %mul3A_320 {strides = array<i32>} : memref<128x128xf32, #tpu.memory_space<vmem>>, vector<16xf32>,
        %get3A_324 = arith.index_cast %add3A_293 : i32 to index
        %get3A_325 = arith.constant 64 : index
        %get3A_326 = tpu.vector_load %arg10[%get3A_324, %get3A_325] {strides = array<i32>} : memref<128x128xf32, #tpu.memory_space<vmem>>, vector<16xf32>,
        %mul3A_327 = arith.mulf %get3A_326, %gather3A_295 : vector<16xf32>
        %swap3A_328 = arith.index_cast %add3A_293 : i32 to index
        %swap3A_329 = arith.constant 64 : index
        %swap3A_330 = tpu.vector_load %arg10[%swap3A_328, %swap3A_329] {strides = array<i32>} : memref<128x128xf32, #tpu.memory_space<vmem>>, vector<16xf32>,
        tpu.vector_store %arg10[%swap3A_328, %swap3A_329], %mul3A_327 {strides = array<i32>} : memref<128x128xf32, #tpu.memory_space<vmem>>, vector<16xf32>,
        %get3A_331 = arith.index_cast %add3A_293 : i32 to index
        %get3A_332 = arith.constant 80 : index
        %get3A_333 = tpu.vector_load %arg10[%get3A_331, %get3A_332] {strides = array<i32>} : memref<128x128xf32, #tpu.memory_space<vmem>>, vector<16xf32>,
        %mul3A_334 = arith.mulf %get3A_333, %gather3A_295 : vector<16xf32>
        %swap3A_335 = arith.index_cast %add3A_293 : i32 to index
        %swap3A_336 = arith.constant 80 : index
        %swap3A_337 = tpu.vector_load %arg10[%swap3A_335, %swap3A_336] {strides = array<i32>} : memref<128x128xf32, #tpu.memory_space<vmem>>, vector<16xf32>,
        tpu.vector_store %arg10[%swap3A_335, %swap3A_336], %mul3A_334 {strides = array<i32>} : memref<128x128xf32, #tpu.memory_space<vmem>>, vector<16xf32>,
        %get3A_338 = arith.index_cast %add3A_293 : i32 to index
        %get3A_339 = arith.constant 96 : index
        %get3A_340 = tpu.vector_load %arg10[%get3A_338, %get3A_339] {strides = array<i32>} : memref<128x128xf32, #tpu.memory_space<vmem>>, vector<16xf32>,
        %mul3A_341 = arith.mulf %get3A_340, %gather3A_295 : vector<16xf32>
        %swap3A_342 = arith.index_cast %add3A_293 : i32 to index
        %swap3A_343 = arith.constant 96 : index
        %swap3A_344 = tpu.vector_load %arg10[%swap3A_342, %swap3A_343] {strides = array<i32>} : memref<128x128xf32, #tpu.memory_space<vmem>>, vector<16xf32>,
        tpu.vector_store %arg10[%swap3A_342, %swap3A_343], %mul3A_341 {strides = array<i32>} : memref<128x128xf32, #tpu.memory_space<vmem>>, vector<16xf32>,
        %get3A_345 = arith.index_cast %add3A_293 : i32 to index
        %get3A_346 = arith.constant 112 : index
        %get3A_347 = tpu.vector_load %arg10[%get3A_345, %get3A_346] {strides = array<i32>} : memref<128x128xf32, #tpu.memory_space<vmem>>, vector<16xf32>,
        %mul3A_348 = arith.mulf %get3A_347, %gather3A_295 : vector<16xf32>
        %swap3A_349 = arith.index_cast %add3A_293 : i32 to index
        %swap3A_350 = arith.constant 112 : index
        %swap3A_351 = tpu.vector_load %arg10[%swap3A_349, %swap3A_350] {strides = array<i32>} : memref<128x128xf32, #tpu.memory_space<vmem>>, vector<16xf32>,
        tpu.vector_store %arg10[%swap3A_349, %swap3A_350], %mul3A_348 {strides = array<i32>} : memref<128x128xf32, #tpu.memory_space<vmem>>, vector<16xf32>,
        %mul3A_352 = arith.constant 8 : i32
        %mul3A_353 = arith.muli %scan3A_44, %mul3A_352 : i32
        %add3A_354 = arith.constant 5 : i32
        %add3A_355 = arith.addi %mul3A_353, %add3A_354 : i32
        %broadcast_in_dim3A_356 = vector.broadcast %add3A_355 : i32 to vector<16xi32>
        %gather3A_357 = tpu.vector_load_idx %arg9[%broadcast_in_dim3A_37, %broadcast_in_dim3A_356] : memref<79x128xf32, #tpu.memory_space<vmem>>[vector<16xi32>, vector<16xi32>], vector<16xf32>,
        %get3A_358 = arith.index_cast %add3A_355 : i32 to index
        %get3A_359 = arith.constant 0 : index
        %get3A_360 = tpu.vector_load %arg10[%get3A_358, %get3A_359] {strides = array<i32>} : memref<128x128xf32, #tpu.memory_space<vmem>>, vector<16xf32>,
        %mul3A_361 = arith.mulf %get3A_360, %gather3A_357 : vector<16xf32>
        %swap3A_362 = arith.index_cast %add3A_355 : i32 to index
        %swap3A_363 = arith.constant 0 : index
        %swap3A_364 = tpu.vector_load %arg10[%swap3A_362, %swap3A_363] {strides = array<i32>} : memref<128x128xf32, #tpu.memory_space<vmem>>, vector<16xf32>,
        tpu.vector_store %arg10[%swap3A_362, %swap3A_363], %mul3A_361 {strides = array<i32>} : memref<128x128xf32, #tpu.memory_space<vmem>>, vector<16xf32>,
        %get3A_365 = arith.index_cast %add3A_355 : i32 to index
        %get3A_366 = arith.constant 16 : index
        %get3A_367 = tpu.vector_load %arg10[%get3A_365, %get3A_366] {strides = array<i32>} : memref<128x128xf32, #tpu.memory_space<vmem>>, vector<16xf32>,
        %mul3A_368 = arith.mulf %get3A_367, %gather3A_357 : vector<16xf32>
        %swap3A_369 = arith.index_cast %add3A_355 : i32 to index
        %swap3A_370 = arith.constant 16 : index
        %swap3A_371 = tpu.vector_load %arg10[%swap3A_369, %swap3A_370] {strides = array<i32>} : memref<128x128xf32, #tpu.memory_space<vmem>>, vector<16xf32>,
        tpu.vector_store %arg10[%swap3A_369, %swap3A_370], %mul3A_368 {strides = array<i32>} : memref<128x128xf32, #tpu.memory_space<vmem>>, vector<16xf32>,
        %get3A_372 = arith.index_cast %add3A_355 : i32 to index
        %get3A_373 = arith.constant 32 : index
        %get3A_374 = tpu.vector_load %arg10[%get3A_372, %get3A_373] {strides = array<i32>} : memref<128x128xf32, #tpu.memory_space<vmem>>, vector<16xf32>,
        %mul3A_375 = arith.mulf %get3A_374, %gather3A_357 : vector<16xf32>
        %swap3A_376 = arith.index_cast %add3A_355 : i32 to index
        %swap3A_377 = arith.constant 32 : index
        %swap3A_378 = tpu.vector_load %arg10[%swap3A_376, %swap3A_377] {strides = array<i32>} : memref<128x128xf32, #tpu.memory_space<vmem>>, vector<16xf32>,
        tpu.vector_store %arg10[%swap3A_376, %swap3A_377], %mul3A_375 {strides = array<i32>} : memref<128x128xf32, #tpu.memory_space<vmem>>, vector<16xf32>,
        %get3A_379 = arith.index_cast %add3A_355 : i32 to index
        %get3A_380 = arith.constant 48 : index
        %get3A_381 = tpu.vector_load %arg10[%get3A_379, %get3A_380] {strides = array<i32>} : memref<128x128xf32, #tpu.memory_space<vmem>>, vector<16xf32>,
        %mul3A_382 = arith.mulf %get3A_381, %gather3A_357 : vector<16xf32>
        %swap3A_383 = arith.index_cast %add3A_355 : i32 to index
        %swap3A_384 = arith.constant 48 : index
        %swap3A_385 = tpu.vector_load %arg10[%swap3A_383, %swap3A_384] {strides = array<i32>} : memref<128x128xf32, #tpu.memory_space<vmem>>, vector<16xf32>,
        tpu.vector_store %arg10[%swap3A_383, %swap3A_384], %mul3A_382 {strides = array<i32>} : memref<128x128xf32, #tpu.memory_space<vmem>>, vector<16xf32>,
        %get3A_386 = arith.index_cast %add3A_355 : i32 to index
        %get3A_387 = arith.constant 64 : index
        %get3A_388 = tpu.vector_load %arg10[%get3A_386, %get3A_387] {strides = array<i32>} : memref<128x128xf32, #tpu.memory_space<vmem>>, vector<16xf32>,
        %mul3A_389 = arith.mulf %get3A_388, %gather3A_357 : vector<16xf32>
        %swap3A_390 = arith.index_cast %add3A_355 : i32 to index
        %swap3A_391 = arith.constant 64 : index
        %swap3A_392 = tpu.vector_load %arg10[%swap3A_390, %swap3A_391] {strides = array<i32>} : memref<128x128xf32, #tpu.memory_space<vmem>>, vector<16xf32>,
        tpu.vector_store %arg10[%swap3A_390, %swap3A_391], %mul3A_389 {strides = array<i32>} : memref<128x128xf32, #tpu.memory_space<vmem>>, vector<16xf32>,
        %get3A_393 = arith.index_cast %add3A_355 : i32 to index
        %get3A_394 = arith.constant 80 : index
        %get3A_395 = tpu.vector_load %arg10[%get3A_393, %get3A_394] {strides = array<i32>} : memref<128x128xf32, #tpu.memory_space<vmem>>, vector<16xf32>,
        %mul3A_396 = arith.mulf %get3A_395, %gather3A_357 : vector<16xf32>
        %swap3A_397 = arith.index_cast %add3A_355 : i32 to index
        %swap3A_398 = arith.constant 80 : index
        %swap3A_399 = tpu.vector_load %arg10[%swap3A_397, %swap3A_398] {strides = array<i32>} : memref<128x128xf32, #tpu.memory_space<vmem>>, vector<16xf32>,
        tpu.vector_store %arg10[%swap3A_397, %swap3A_398], %mul3A_396 {strides = array<i32>} : memref<128x128xf32, #tpu.memory_space<vmem>>, vector<16xf32>,
        %get3A_400 = arith.index_cast %add3A_355 : i32 to index
        %get3A_401 = arith.constant 96 : index
        %get3A_402 = tpu.vector_load %arg10[%get3A_400, %get3A_401] {strides = array<i32>} : memref<128x128xf32, #tpu.memory_space<vmem>>, vector<16xf32>,
        %mul3A_403 = arith.mulf %get3A_402, %gather3A_357 : vector<16xf32>
        %swap3A_404 = arith.index_cast %add3A_355 : i32 to index
        %swap3A_405 = arith.constant 96 : index
        %swap3A_406 = tpu.vector_load %arg10[%swap3A_404, %swap3A_405] {strides = array<i32>} : memref<128x128xf32, #tpu.memory_space<vmem>>, vector<16xf32>,
        tpu.vector_store %arg10[%swap3A_404, %swap3A_405], %mul3A_403 {strides = array<i32>} : memref<128x128xf32, #tpu.memory_space<vmem>>, vector<16xf32>,
        %get3A_407 = arith.index_cast %add3A_355 : i32 to index
        %get3A_408 = arith.constant 112 : index
        %get3A_409 = tpu.vector_load %arg10[%get3A_407, %get3A_408] {strides = array<i32>} : memref<128x128xf32, #tpu.memory_space<vmem>>, vector<16xf32>,
        %mul3A_410 = arith.mulf %get3A_409, %gather3A_357 : vector<16xf32>
        %swap3A_411 = arith.index_cast %add3A_355 : i32 to index
        %swap3A_412 = arith.constant 112 : index
        %swap3A_413 = tpu.vector_load %arg10[%swap3A_411, %swap3A_412] {strides = array<i32>} : memref<128x128xf32, #tpu.memory_space<vmem>>, vector<16xf32>,
        tpu.vector_store %arg10[%swap3A_411, %swap3A_412], %mul3A_410 {strides = array<i32>} : memref<128x128xf32, #tpu.memory_space<vmem>>, vector<16xf32>,
        %mul3A_414 = arith.constant 8 : i32
        %mul3A_415 = arith.muli %scan3A_44, %mul3A_414 : i32
        %add3A_416 = arith.constant 6 : i32
        %add3A_417 = arith.addi %mul3A_415, %add3A_416 : i32
        %broadcast_in_dim3A_418 = vector.broadcast %add3A_417 : i32 to vector<16xi32>
        %gather3A_419 = tpu.vector_load_idx %arg9[%broadcast_in_dim3A_37, %broadcast_in_dim3A_418] : memref<79x128xf32, #tpu.memory_space<vmem>>[vector<16xi32>, vector<16xi32>], vector<16xf32>,
        %get3A_420 = arith.index_cast %add3A_417 : i32 to index
        %get3A_421 = arith.constant 0 : index
        %get3A_422 = tpu.vector_load %arg10[%get3A_420, %get3A_421] {strides = array<i32>} : memref<128x128xf32, #tpu.memory_space<vmem>>, vector<16xf32>,
        %mul3A_423 = arith.mulf %get3A_422, %gather3A_419 : vector<16xf32>
        %swap3A_424 = arith.index_cast %add3A_417 : i32 to index
        %swap3A_425 = arith.constant 0 : index
        %swap3A_426 = tpu.vector_load %arg10[%swap3A_424, %swap3A_425] {strides = array<i32>} : memref<128x128xf32, #tpu.memory_space<vmem>>, vector<16xf32>,
        tpu.vector_store %arg10[%swap3A_424, %swap3A_425], %mul3A_423 {strides = array<i32>} : memref<128x128xf32, #tpu.memory_space<vmem>>, vector<16xf32>,
        %get3A_427 = arith.index_cast %add3A_417 : i32 to index
        %get3A_428 = arith.constant 16 : index
        %get3A_429 = tpu.vector_load %arg10[%get3A_427, %get3A_428] {strides = array<i32>} : memref<128x128xf32, #tpu.memory_space<vmem>>, vector<16xf32>,
        %mul3A_430 = arith.mulf %get3A_429, %gather3A_419 : vector<16xf32>
        %swap3A_431 = arith.index_cast %add3A_417 : i32 to index
        %swap3A_432 = arith.constant 16 : index
        %swap3A_433 = tpu.vector_load %arg10[%swap3A_431, %swap3A_432] {strides = array<i32>} : memref<128x128xf32, #tpu.memory_space<vmem>>, vector<16xf32>,
        tpu.vector_store %arg10[%swap3A_431, %swap3A_432], %mul3A_430 {strides = array<i32>} : memref<128x128xf32, #tpu.memory_space<vmem>>, vector<16xf32>,
        %get3A_434 = arith.index_cast %add3A_417 : i32 to index
        %get3A_435 = arith.constant 32 : index
        %get3A_436 = tpu.vector_load %arg10[%get3A_434, %get3A_435] {strides = array<i32>} : memref<128x128xf32, #tpu.memory_space<vmem>>, vector<16xf32>,
        %mul3A_437 = arith.mulf %get3A_436, %gather3A_419 : vector<16xf32>
        %swap3A_438 = arith.index_cast %add3A_417 : i32 to index
        %swap3A_439 = arith.constant 32 : index
        %swap3A_440 = tpu.vector_load %arg10[%swap3A_438, %swap3A_439] {strides = array<i32>} : memref<128x128xf32, #tpu.memory_space<vmem>>, vector<16xf32>,
        tpu.vector_store %arg10[%swap3A_438, %swap3A_439], %mul3A_437 {strides = array<i32>} : memref<128x128xf32, #tpu.memory_space<vmem>>, vector<16xf32>,
        %get3A_441 = arith.index_cast %add3A_417 : i32 to index
        %get3A_442 = arith.constant 48 : index
        %get3A_443 = tpu.vector_load %arg10[%get3A_441, %get3A_442] {strides = array<i32>} : memref<128x128xf32, #tpu.memory_space<vmem>>, vector<16xf32>,
        %mul3A_444 = arith.mulf %get3A_443, %gather3A_419 : vector<16xf32>
        %swap3A_445 = arith.index_cast %add3A_417 : i32 to index
        %swap3A_446 = arith.constant 48 : index
        %swap3A_447 = tpu.vector_load %arg10[%swap3A_445, %swap3A_446] {strides = array<i32>} : memref<128x128xf32, #tpu.memory_space<vmem>>, vector<16xf32>,
        tpu.vector_store %arg10[%swap3A_445, %swap3A_446], %mul3A_444 {strides = array<i32>} : memref<128x128xf32, #tpu.memory_space<vmem>>, vector<16xf32>,
        %get3A_448 = arith.index_cast %add3A_417 : i32 to index
        %get3A_449 = arith.constant 64 : index
        %get3A_450 = tpu.vector_load %arg10[%get3A_448, %get3A_449] {strides = array<i32>} : memref<128x128xf32, #tpu.memory_space<vmem>>, vector<16xf32>,
        %mul3A_451 = arith.mulf %get3A_450, %gather3A_419 : vector<16xf32>
        %swap3A_452 = arith.index_cast %add3A_417 : i32 to index
        %swap3A_453 = arith.constant 64 : index
        %swap3A_454 = tpu.vector_load %arg10[%swap3A_452, %swap3A_453] {strides = array<i32>} : memref<128x128xf32, #tpu.memory_space<vmem>>, vector<16xf32>,
        tpu.vector_store %arg10[%swap3A_452, %swap3A_453], %mul3A_451 {strides = array<i32>} : memref<128x128xf32, #tpu.memory_space<vmem>>, vector<16xf32>,
        %get3A_455 = arith.index_cast %add3A_417 : i32 to index
        %get3A_456 = arith.constant 80 : index
        %get3A_457 = tpu.vector_load %arg10[%get3A_455, %get3A_456] {strides = array<i32>} : memref<128x128xf32, #tpu.memory_space<vmem>>, vector<16xf32>,
        %mul3A_458 = arith.mulf %get3A_457, %gather3A_419 : vector<16xf32>
        %swap3A_459 = arith.index_cast %add3A_417 : i32 to index
        %swap3A_460 = arith.constant 80 : index
        %swap3A_461 = tpu.vector_load %arg10[%swap3A_459, %swap3A_460] {strides = array<i32>} : memref<128x128xf32, #tpu.memory_space<vmem>>, vector<16xf32>,
        tpu.vector_store %arg10[%swap3A_459, %swap3A_460], %mul3A_458 {strides = array<i32>} : memref<128x128xf32, #tpu.memory_space<vmem>>, vector<16xf32>,
        %get3A_462 = arith.index_cast %add3A_417 : i32 to index
        %get3A_463 = arith.constant 96 : index
        %get3A_464 = tpu.vector_load %arg10[%get3A_462, %get3A_463] {strides = array<i32>} : memref<128x128xf32, #tpu.memory_space<vmem>>, vector<16xf32>,
        %mul3A_465 = arith.mulf %get3A_464, %gather3A_419 : vector<16xf32>
        %swap3A_466 = arith.index_cast %add3A_417 : i32 to index
        %swap3A_467 = arith.constant 96 : index
        %swap3A_468 = tpu.vector_load %arg10[%swap3A_466, %swap3A_467] {strides = array<i32>} : memref<128x128xf32, #tpu.memory_space<vmem>>, vector<16xf32>,
        tpu.vector_store %arg10[%swap3A_466, %swap3A_467], %mul3A_465 {strides = array<i32>} : memref<128x128xf32, #tpu.memory_space<vmem>>, vector<16xf32>,
        %get3A_469 = arith.index_cast %add3A_417 : i32 to index
        %get3A_470 = arith.constant 112 : index
        %get3A_471 = tpu.vector_load %arg10[%get3A_469, %get3A_470] {strides = array<i32>} : memref<128x128xf32, #tpu.memory_space<vmem>>, vector<16xf32>,
        %mul3A_472 = arith.mulf %get3A_471, %gather3A_419 : vector<16xf32>
        %swap3A_473 = arith.index_cast %add3A_417 : i32 to index
        %swap3A_474 = arith.constant 112 : index
        %swap3A_475 = tpu.vector_load %arg10[%swap3A_473, %swap3A_474] {strides = array<i32>} : memref<128x128xf32, #tpu.memory_space<vmem>>, vector<16xf32>,
        tpu.vector_store %arg10[%swap3A_473, %swap3A_474], %mul3A_472 {strides = array<i32>} : memref<128x128xf32, #tpu.memory_space<vmem>>, vector<16xf32>,
        %mul3A_476 = arith.constant 8 : i32
        %mul3A_477 = arith.muli %scan3A_44, %mul3A_476 : i32
        %add3A_478 = arith.constant 7 : i32
        %add3A_479 = arith.addi %mul3A_477, %add3A_478 : i32
        %broadcast_in_dim3A_480 = vector.broadcast %add3A_479 : i32 to vector<16xi32>
        %gather3A_481 = tpu.vector_load_idx %arg9[%broadcast_in_dim3A_37, %broadcast_in_dim3A_480] : memref<79x128xf32, #tpu.memory_space<vmem>>[vector<16xi32>, vector<16xi32>], vector<16xf32>,
        %get3A_482 = arith.index_cast %add3A_479 : i32 to index
        %get3A_483 = arith.constant 0 : index
        %get3A_484 = tpu.vector_load %arg10[%get3A_482, %get3A_483] {strides = array<i32>} : memref<128x128xf32, #tpu.memory_space<vmem>>, vector<16xf32>,
        %mul3A_485 = arith.mulf %get3A_484, %gather3A_481 : vector<16xf32>
        %swap3A_486 = arith.index_cast %add3A_479 : i32 to index
        %swap3A_487 = arith.constant 0 : index
        %swap3A_488 = tpu.vector_load %arg10[%swap3A_486, %swap3A_487] {strides = array<i32>} : memref<128x128xf32, #tpu.memory_space<vmem>>, vector<16xf32>,
        tpu.vector_store %arg10[%swap3A_486, %swap3A_487], %mul3A_485 {strides = array<i32>} : memref<128x128xf32, #tpu.memory_space<vmem>>, vector<16xf32>,
        %get3A_489 = arith.index_cast %add3A_479 : i32 to index
        %get3A_490 = arith.constant 16 : index
        %get3A_491 = tpu.vector_load %arg10[%get3A_489, %get3A_490] {strides = array<i32>} : memref<128x128xf32, #tpu.memory_space<vmem>>, vector<16xf32>,
        %mul3A_492 = arith.mulf %get3A_491, %gather3A_481 : vector<16xf32>
        %swap3A_493 = arith.index_cast %add3A_479 : i32 to index
        %swap3A_494 = arith.constant 16 : index
        %swap3A_495 = tpu.vector_load %arg10[%swap3A_493, %swap3A_494] {strides = array<i32>} : memref<128x128xf32, #tpu.memory_space<vmem>>, vector<16xf32>,
        tpu.vector_store %arg10[%swap3A_493, %swap3A_494], %mul3A_492 {strides = array<i32>} : memref<128x128xf32, #tpu.memory_space<vmem>>, vector<16xf32>,
        %get3A_496 = arith.index_cast %add3A_479 : i32 to index
        %get3A_497 = arith.constant 32 : index
        %get3A_498 = tpu.vector_load %arg10[%get3A_496, %get3A_497] {strides = array<i32>} : memref<128x128xf32, #tpu.memory_space<vmem>>, vector<16xf32>,
        %mul3A_499 = arith.mulf %get3A_498, %gather3A_481 : vector<16xf32>
        %swap3A_500 = arith.index_cast %add3A_479 : i32 to index
        %swap3A_501 = arith.constant 32 : index
        %swap3A_502 = tpu.vector_load %arg10[%swap3A_500, %swap3A_501] {strides = array<i32>} : memref<128x128xf32, #tpu.memory_space<vmem>>, vector<16xf32>,
        tpu.vector_store %arg10[%swap3A_500, %swap3A_501], %mul3A_499 {strides = array<i32>} : memref<128x128xf32, #tpu.memory_space<vmem>>, vector<16xf32>,
        %get3A_503 = arith.index_cast %add3A_479 : i32 to index
        %get3A_504 = arith.constant 48 : index
        %get3A_505 = tpu.vector_load %arg10[%get3A_503, %get3A_504] {strides = array<i32>} : memref<128x128xf32, #tpu.memory_space<vmem>>, vector<16xf32>,
        %mul3A_506 = arith.mulf %get3A_505, %gather3A_481 : vector<16xf32>
        %swap3A_507 = arith.index_cast %add3A_479 : i32 to index
        %swap3A_508 = arith.constant 48 : index
        %swap3A_509 = tpu.vector_load %arg10[%swap3A_507, %swap3A_508] {strides = array<i32>} : memref<128x128xf32, #tpu.memory_space<vmem>>, vector<16xf32>,
        tpu.vector_store %arg10[%swap3A_507, %swap3A_508], %mul3A_506 {strides = array<i32>} : memref<128x128xf32, #tpu.memory_space<vmem>>, vector<16xf32>,
        %get3A_510 = arith.index_cast %add3A_479 : i32 to index
        %get3A_511 = arith.constant 64 : index
        %get3A_512 = tpu.vector_load %arg10[%get3A_510, %get3A_511] {strides = array<i32>} : memref<128x128xf32, #tpu.memory_space<vmem>>, vector<16xf32>,
        %mul3A_513 = arith.mulf %get3A_512, %gather3A_481 : vector<16xf32>
        %swap3A_514 = arith.index_cast %add3A_479 : i32 to index
        %swap3A_515 = arith.constant 64 : index
        %swap3A_516 = tpu.vector_load %arg10[%swap3A_514, %swap3A_515] {strides = array<i32>} : memref<128x128xf32, #tpu.memory_space<vmem>>, vector<16xf32>,
        tpu.vector_store %arg10[%swap3A_514, %swap3A_515], %mul3A_513 {strides = array<i32>} : memref<128x128xf32, #tpu.memory_space<vmem>>, vector<16xf32>,
        %get3A_517 = arith.index_cast %add3A_479 : i32 to index
        %get3A_518 = arith.constant 80 : index
        %get3A_519 = tpu.vector_load %arg10[%get3A_517, %get3A_518] {strides = array<i32>} : memref<128x128xf32, #tpu.memory_space<vmem>>, vector<16xf32>,
        %mul3A_520 = arith.mulf %get3A_519, %gather3A_481 : vector<16xf32>
        %swap3A_521 = arith.index_cast %add3A_479 : i32 to index
        %swap3A_522 = arith.constant 80 : index
        %swap3A_523 = tpu.vector_load %arg10[%swap3A_521, %swap3A_522] {strides = array<i32>} : memref<128x128xf32, #tpu.memory_space<vmem>>, vector<16xf32>,
        tpu.vector_store %arg10[%swap3A_521, %swap3A_522], %mul3A_520 {strides = array<i32>} : memref<128x128xf32, #tpu.memory_space<vmem>>, vector<16xf32>,
        %get3A_524 = arith.index_cast %add3A_479 : i32 to index
        %get3A_525 = arith.constant 96 : index
        %get3A_526 = tpu.vector_load %arg10[%get3A_524, %get3A_525] {strides = array<i32>} : memref<128x128xf32, #tpu.memory_space<vmem>>, vector<16xf32>,
        %mul3A_527 = arith.mulf %get3A_526, %gather3A_481 : vector<16xf32>
        %swap3A_528 = arith.index_cast %add3A_479 : i32 to index
        %swap3A_529 = arith.constant 96 : index
        %swap3A_530 = tpu.vector_load %arg10[%swap3A_528, %swap3A_529] {strides = array<i32>} : memref<128x128xf32, #tpu.memory_space<vmem>>, vector<16xf32>,
        tpu.vector_store %arg10[%swap3A_528, %swap3A_529], %mul3A_527 {strides = array<i32>} : memref<128x128xf32, #tpu.memory_space<vmem>>, vector<16xf32>,
        %get3A_531 = arith.index_cast %add3A_479 : i32 to index
        %get3A_532 = arith.constant 112 : index
        %get3A_533 = tpu.vector_load %arg10[%get3A_531, %get3A_532] {strides = array<i32>} : memref<128x128xf32, #tpu.memory_space<vmem>>, vector<16xf32>,
        %mul3A_534 = arith.mulf %get3A_533, %gather3A_481 : vector<16xf32>
        %swap3A_535 = arith.index_cast %add3A_479 : i32 to index
        %swap3A_536 = arith.constant 112 : index
        %swap3A_537 = tpu.vector_load %arg10[%swap3A_535, %swap3A_536] {strides = array<i32>} : memref<128x128xf32, #tpu.memory_space<vmem>>, vector<16xf32>,
        tpu.vector_store %arg10[%swap3A_535, %swap3A_536], %mul3A_534 {strides = array<i32>} : memref<128x128xf32, #tpu.memory_space<vmem>>, vector<16xf32>,
      }
      %scan3A_43 = arith.constant 16 : i32
      "tpu.region"() ({
        %run_scoped3A = tpu.sem_alloc : memref<!tpu.dma_semaphore, #tpu.memory_space<semaphore_mem>>
        %dma_start3A_44 = arith.constant 0 : i32
        %dma_start3A_45 = tpu.memref_slice %arg8[%scan3A_26, %dma_start3A_44] : memref<79x128xi32, #tpu.memory_space<vmem>> -> memref<1x128xi32, #tpu.memory_space<vmem>>
        %dma_start3A_46 = tpu.memref_squeeze %dma_start3A_45 : memref<1x128xi32, #tpu.memory_space<vmem>> -> memref<128xi32, #tpu.memory_space<vmem>>
        %dma_start3A_47 = arith.constant 0 : i32
        %dma_start3A_48 = arith.constant 0 : i32
        %dma_start3A_49 = tpu.memref_slice %arg11[%dma_start3A_47, %dma_start3A_48] : memref<10000x128xf32, #tpu.memory_space<vmem_shared>> -> memref<10000x128xf32, #tpu.memory_space<vmem_shared>>
        tpu.enqueue_indirect_dma source(%arg10 : memref<128x128xf32, #tpu.memory_space<vmem>>) target(%dma_start3A_49 : memref<10000x128xf32, #tpu.memory_space<vmem_shared>>) offsets(%dma_start3A_46 : memref<128xi32, #tpu.memory_space<vmem>>) semaphore(%run_scoped3A : memref<!tpu.dma_semaphore, #tpu.memory_space<semaphore_mem>>) {add = true}
        %dma_wait3A_50 = arith.constant 0 : i32
        %dma_wait3A_51 = tpu.memref_slice %arg8[%scan3A_26, %dma_wait3A_50] : memref<79x128xi32, #tpu.memory_space<vmem>> -> memref<1x128xi32, #tpu.memory_space<vmem>>
        %dma_wait3A_52 = tpu.memref_squeeze %dma_wait3A_51 : memref<1x128xi32, #tpu.memory_space<vmem>> -> memref<128xi32, #tpu.memory_space<vmem>>
        %dma_wait3A_53 = arith.constant 0 : i32
        %dma_wait3A_54 = arith.constant 0 : i32
        %dma_wait3A_55 = tpu.memref_slice %arg11[%dma_wait3A_53, %dma_wait3A_54] : memref<10000x128xf32, #tpu.memory_space<vmem_shared>> -> memref<10000x128xf32, #tpu.memory_space<vmem_shared>>
        tpu.wait_indirect_dma semaphore(%run_scoped3A : memref<!tpu.dma_semaphore, #tpu.memory_space<semaphore_mem>>) src(%arg10 : memref<128x128xf32, #tpu.memory_space<vmem>>) dst(%dma_wait3A_55 : memref<10000x128xf32, #tpu.memory_space<vmem_shared>>)
        tpu.yield
      }) : () -> ()
    }
    %scan3A_24 = arith.constant 79 : i32
    %barrier3A_25 = arith.constant 0 : index
    tpu.barrier barrier_id(%barrier3A_25)
    "tpu.region"() ({
      %run_scoped3A = tpu.sem_alloc : memref<!tpu.dma_semaphore, #tpu.memory_space<semaphore_mem>>
      %dma_start3A = arith.constant 0 : i32
      %dma_start3A_26 = tpu.memref_slice %arg6[%arg0, %mul3A_8, %dma_start3A] : memref<2x10000x128xf32, #tpu.memory_space<hbm>> -> memref<1x625x128xf32, #tpu.memory_space<hbm>>
      %dma_start3A_27 = tpu.memref_squeeze %dma_start3A_26 : memref<1x625x128xf32, #tpu.memory_space<hbm>> -> memref<625x128xf32, #tpu.memory_space<hbm>>
      %dma_start3A_28 = arith.constant 0 : i32
      %dma_start3A_29 = tpu.memref_slice %arg11[%mul3A_8, %dma_start3A_28] : memref<10000x128xf32, #tpu.memory_space<vmem_shared>> -> memref<625x128xf32, #tpu.memory_space<vmem_shared>>
      tpu.enqueue_dma source(%dma_start3A_29 : memref<625x128xf32, #tpu.memory_space<vmem_shared>>) target(%dma_start3A_27 : memref<625x128xf32, #tpu.memory_space<hbm>>) target_semaphore(%run_scoped3A : memref<!tpu.dma_semaphore, #tpu.memory_space<semaphore_mem>>)
      %dma_wait3A = arith.constant 0 : i32
      %dma_wait3A_30 = tpu.memref_slice %arg6[%arg0, %mul3A_8, %dma_wait3A] : memref<2x10000x128xf32, #tpu.memory_space<hbm>> -> memref<1x625x128xf32, #tpu.memory_space<hbm>>
      %dma_wait3A_31 = tpu.memref_squeeze %dma_wait3A_30 : memref<1x625x128xf32, #tpu.memory_space<hbm>> -> memref<625x128xf32, #tpu.memory_space<hbm>>
      %dma_wait3A_32 = arith.constant 0 : i32
      %dma_wait3A_33 = tpu.memref_slice %arg11[%mul3A_8, %dma_wait3A_32] : memref<10000x128xf32, #tpu.memory_space<vmem_shared>> -> memref<625x128xf32, #tpu.memory_space<vmem_shared>>
      tpu.wait_dma2 semaphore(%run_scoped3A : memref<!tpu.dma_semaphore, #tpu.memory_space<semaphore_mem>>) src(%dma_wait3A_33 : memref<625x128xf32, #tpu.memory_space<vmem_shared>>) dst(%dma_wait3A_31 : memref<625x128xf32, #tpu.memory_space<hbm>>)
      tpu.yield
    }) : () -> ()
    return
  }
}

#map = affine_map<(d0, d1) -> (0, 0)>
#map1 = affine_map<(d0, d1) -> (0, 0, 0)>
module attributes {stable_mosaic.version = 14 : i64} {
  func.func @msg_kernel(%arg0: i32, %arg1: i32, %arg2: memref<10000x128xf32, #tpu.memory_space<hbm>>, %arg3: memref<32x79x128xi32, #tpu.memory_space<hbm>>, %arg4: memref<32x79x128xi32, #tpu.memory_space<hbm>>, %arg5: memref<32x79x128xf32, #tpu.memory_space<hbm>>, %arg6: memref<2x10000x128xf32, #tpu.memory_space<hbm>>, %arg7: memref<79x128xi32, #tpu.memory_space<vmem>>, %arg8: memref<79x128xi32, #tpu.memory_space<vmem>>, %arg9: memref<79x128xf32, #tpu.memory_space<vmem>>, %arg10: memref<128x128xf32, #tpu.memory_space<vmem>>, %arg11: memref<10000x128xf32, #tpu.memory_space<vmem_shared>>, %arg12: memref<!tpu.dma_semaphore, #tpu.memory_space<semaphore_mem>>) attributes {dimension_semantics = [#tpu.dimension_semantics<core_parallel>, #tpu.dimension_semantics<subcore_parallel>], iteration_bounds = array<i64: 2, 16>, scalar_prefetch = 0 : i64, scratch_operands = 6 : i64, tpu.core_type = #tpu.core_type<sc_vector_subcore>, window_params = [{transform_indices = #map}, {transform_indices = #map1}, {transform_indices = #map1}, {transform_indices = #map1}, {transform_indices = #map1}]} {
    %mul3A = arith.constant 2 : i32
    %mul3A_0 = arith.muli %arg1, %mul3A : i32
    %add3A = arith.addi %mul3A_0, %arg0 : i32
    %broadcast_in_dim3A = arith.constant 0.000000e+00 : f32
    %broadcast_in_dim3A_1 = vector.broadcast %broadcast_in_dim3A : f32 to vector<16xf32>
    %scan3A = arith.constant 0 : i32
    %scan3A_2 = arith.constant 0 : i32
    %scan3A_3 = arith.constant 128 : i32
    %scan3A_4 = arith.addi %scan3A_2, %scan3A_3 : i32
    %scan3A_5 = arith.constant 1 : i32
    scf.for %scan3A_26 = %scan3A_2 to %scan3A_4 step %scan3A_5  : i32 {
      %swap3A = arith.index_cast %scan3A_26 : i32 to index
      %swap3A_27 = arith.constant 0 : index
      %swap3A_28 = tpu.vector_load %arg10[%swap3A, %swap3A_27] {strides = array<i32>} : memref<128x128xf32, #tpu.memory_space<vmem>>, vector<16xf32>,
      tpu.vector_store %arg10[%swap3A, %swap3A_27], %broadcast_in_dim3A_1 {strides = array<i32>} : memref<128x128xf32, #tpu.memory_space<vmem>>, vector<16xf32>,
      %swap3A_29 = arith.index_cast %scan3A_26 : i32 to index
      %swap3A_30 = arith.constant 16 : index
      %swap3A_31 = tpu.vector_load %arg10[%swap3A_29, %swap3A_30] {strides = array<i32>} : memref<128x128xf32, #tpu.memory_space<vmem>>, vector<16xf32>,
      tpu.vector_store %arg10[%swap3A_29, %swap3A_30], %broadcast_in_dim3A_1 {strides = array<i32>} : memref<128x128xf32, #tpu.memory_space<vmem>>, vector<16xf32>,
      %swap3A_32 = arith.index_cast %scan3A_26 : i32 to index
      %swap3A_33 = arith.constant 32 : index
      %swap3A_34 = tpu.vector_load %arg10[%swap3A_32, %swap3A_33] {strides = array<i32>} : memref<128x128xf32, #tpu.memory_space<vmem>>, vector<16xf32>,
      tpu.vector_store %arg10[%swap3A_32, %swap3A_33], %broadcast_in_dim3A_1 {strides = array<i32>} : memref<128x128xf32, #tpu.memory_space<vmem>>, vector<16xf32>,
      %swap3A_35 = arith.index_cast %scan3A_26 : i32 to index
      %swap3A_36 = arith.constant 48 : index
      %swap3A_37 = tpu.vector_load %arg10[%swap3A_35, %swap3A_36] {strides = array<i32>} : memref<128x128xf32, #tpu.memory_space<vmem>>, vector<16xf32>,
      tpu.vector_store %arg10[%swap3A_35, %swap3A_36], %broadcast_in_dim3A_1 {strides = array<i32>} : memref<128x128xf32, #tpu.memory_space<vmem>>, vector<16xf32>,
      %swap3A_38 = arith.index_cast %scan3A_26 : i32 to index
      %swap3A_39 = arith.constant 64 : index
      %swap3A_40 = tpu.vector_load %arg10[%swap3A_38, %swap3A_39] {strides = array<i32>} : memref<128x128xf32, #tpu.memory_space<vmem>>, vector<16xf32>,
      tpu.vector_store %arg10[%swap3A_38, %swap3A_39], %broadcast_in_dim3A_1 {strides = array<i32>} : memref<128x128xf32, #tpu.memory_space<vmem>>, vector<16xf32>,
      %swap3A_41 = arith.index_cast %scan3A_26 : i32 to index
      %swap3A_42 = arith.constant 80 : index
      %swap3A_43 = tpu.vector_load %arg10[%swap3A_41, %swap3A_42] {strides = array<i32>} : memref<128x128xf32, #tpu.memory_space<vmem>>, vector<16xf32>,
      tpu.vector_store %arg10[%swap3A_41, %swap3A_42], %broadcast_in_dim3A_1 {strides = array<i32>} : memref<128x128xf32, #tpu.memory_space<vmem>>, vector<16xf32>,
      %swap3A_44 = arith.index_cast %scan3A_26 : i32 to index
      %swap3A_45 = arith.constant 96 : index
      %swap3A_46 = tpu.vector_load %arg10[%swap3A_44, %swap3A_45] {strides = array<i32>} : memref<128x128xf32, #tpu.memory_space<vmem>>, vector<16xf32>,
      tpu.vector_store %arg10[%swap3A_44, %swap3A_45], %broadcast_in_dim3A_1 {strides = array<i32>} : memref<128x128xf32, #tpu.memory_space<vmem>>, vector<16xf32>,
      %swap3A_47 = arith.index_cast %scan3A_26 : i32 to index
      %swap3A_48 = arith.constant 112 : index
      %swap3A_49 = tpu.vector_load %arg10[%swap3A_47, %swap3A_48] {strides = array<i32>} : memref<128x128xf32, #tpu.memory_space<vmem>>, vector<16xf32>,
      tpu.vector_store %arg10[%swap3A_47, %swap3A_48], %broadcast_in_dim3A_1 {strides = array<i32>} : memref<128x128xf32, #tpu.memory_space<vmem>>, vector<16xf32>,
    }
    %scan3A_6 = arith.constant 128 : i32
    %mul3A_7 = arith.constant 625 : i32
    %mul3A_8 = arith.muli %arg1, %mul3A_7 : i32
    %add3A_9 = arith.constant 0 : i32
    %add3A_10 = arith.addi %mul3A_8, %add3A_9 : i32
    "tpu.region"() ({
      %run_scoped3A = tpu.sem_alloc : memref<!tpu.dma_semaphore, #tpu.memory_space<semaphore_mem>>
      %dma_start3A = arith.constant 0 : i32
      %dma_start3A_26 = tpu.memref_slice %arg11[%add3A_10, %dma_start3A] : memref<10000x128xf32, #tpu.memory_space<vmem_shared>> -> memref<128x128xf32, #tpu.memory_space<vmem_shared>>
      %dma_start3A_27 = arith.constant 0 : i32
      %dma_start3A_28 = tpu.memref_slice %arg11[%add3A_10, %dma_start3A_27] : memref<10000x128xf32, #tpu.memory_space<vmem_shared>> -> memref<128x128xf32, #tpu.memory_space<vmem_shared>>
      tpu.enqueue_dma source(%arg10 : memref<128x128xf32, #tpu.memory_space<vmem>>) target(%dma_start3A_28 : memref<128x128xf32, #tpu.memory_space<vmem_shared>>) target_semaphore(%run_scoped3A : memref<!tpu.dma_semaphore, #tpu.memory_space<semaphore_mem>>)
      %dma_wait3A = arith.constant 0 : i32
      %dma_wait3A_29 = tpu.memref_slice %arg11[%add3A_10, %dma_wait3A] : memref<10000x128xf32, #tpu.memory_space<vmem_shared>> -> memref<128x128xf32, #tpu.memory_space<vmem_shared>>
      %dma_wait3A_30 = arith.constant 0 : i32
      %dma_wait3A_31 = tpu.memref_slice %arg11[%add3A_10, %dma_wait3A_30] : memref<10000x128xf32, #tpu.memory_space<vmem_shared>> -> memref<128x128xf32, #tpu.memory_space<vmem_shared>>
      tpu.wait_dma2 semaphore(%run_scoped3A : memref<!tpu.dma_semaphore, #tpu.memory_space<semaphore_mem>>) src(%arg10 : memref<128x128xf32, #tpu.memory_space<vmem>>) dst(%dma_wait3A_31 : memref<128x128xf32, #tpu.memory_space<vmem_shared>>)
      tpu.yield
    }) : () -> ()
    %add3A_11 = arith.constant 128 : i32
    %add3A_12 = arith.addi %mul3A_8, %add3A_11 : i32
    "tpu.region"() ({
      %run_scoped3A = tpu.sem_alloc : memref<!tpu.dma_semaphore, #tpu.memory_space<semaphore_mem>>
      %dma_start3A = arith.constant 0 : i32
      %dma_start3A_26 = tpu.memref_slice %arg11[%add3A_12, %dma_start3A] : memref<10000x128xf32, #tpu.memory_space<vmem_shared>> -> memref<128x128xf32, #tpu.memory_space<vmem_shared>>
      %dma_start3A_27 = arith.constant 0 : i32
      %dma_start3A_28 = tpu.memref_slice %arg11[%add3A_12, %dma_start3A_27] : memref<10000x128xf32, #tpu.memory_space<vmem_shared>> -> memref<128x128xf32, #tpu.memory_space<vmem_shared>>
      tpu.enqueue_dma source(%arg10 : memref<128x128xf32, #tpu.memory_space<vmem>>) target(%dma_start3A_28 : memref<128x128xf32, #tpu.memory_space<vmem_shared>>) target_semaphore(%run_scoped3A : memref<!tpu.dma_semaphore, #tpu.memory_space<semaphore_mem>>)
      %dma_wait3A = arith.constant 0 : i32
      %dma_wait3A_29 = tpu.memref_slice %arg11[%add3A_12, %dma_wait3A] : memref<10000x128xf32, #tpu.memory_space<vmem_shared>> -> memref<128x128xf32, #tpu.memory_space<vmem_shared>>
      %dma_wait3A_30 = arith.constant 0 : i32
      %dma_wait3A_31 = tpu.memref_slice %arg11[%add3A_12, %dma_wait3A_30] : memref<10000x128xf32, #tpu.memory_space<vmem_shared>> -> memref<128x128xf32, #tpu.memory_space<vmem_shared>>
      tpu.wait_dma2 semaphore(%run_scoped3A : memref<!tpu.dma_semaphore, #tpu.memory_space<semaphore_mem>>) src(%arg10 : memref<128x128xf32, #tpu.memory_space<vmem>>) dst(%dma_wait3A_31 : memref<128x128xf32, #tpu.memory_space<vmem_shared>>)
      tpu.yield
    }) : () -> ()
    %add3A_13 = arith.constant 256 : i32
    %add3A_14 = arith.addi %mul3A_8, %add3A_13 : i32
    "tpu.region"() ({
      %run_scoped3A = tpu.sem_alloc : memref<!tpu.dma_semaphore, #tpu.memory_space<semaphore_mem>>
      %dma_start3A = arith.constant 0 : i32
      %dma_start3A_26 = tpu.memref_slice %arg11[%add3A_14, %dma_start3A] : memref<10000x128xf32, #tpu.memory_space<vmem_shared>> -> memref<128x128xf32, #tpu.memory_space<vmem_shared>>
      %dma_start3A_27 = arith.constant 0 : i32
      %dma_start3A_28 = tpu.memref_slice %arg11[%add3A_14, %dma_start3A_27] : memref<10000x128xf32, #tpu.memory_space<vmem_shared>> -> memref<128x128xf32, #tpu.memory_space<vmem_shared>>
      tpu.enqueue_dma source(%arg10 : memref<128x128xf32, #tpu.memory_space<vmem>>) target(%dma_start3A_28 : memref<128x128xf32, #tpu.memory_space<vmem_shared>>) target_semaphore(%run_scoped3A : memref<!tpu.dma_semaphore, #tpu.memory_space<semaphore_mem>>)
      %dma_wait3A = arith.constant 0 : i32
      %dma_wait3A_29 = tpu.memref_slice %arg11[%add3A_14, %dma_wait3A] : memref<10000x128xf32, #tpu.memory_space<vmem_shared>> -> memref<128x128xf32, #tpu.memory_space<vmem_shared>>
      %dma_wait3A_30 = arith.constant 0 : i32
      %dma_wait3A_31 = tpu.memref_slice %arg11[%add3A_14, %dma_wait3A_30] : memref<10000x128xf32, #tpu.memory_space<vmem_shared>> -> memref<128x128xf32, #tpu.memory_space<vmem_shared>>
      tpu.wait_dma2 semaphore(%run_scoped3A : memref<!tpu.dma_semaphore, #tpu.memory_space<semaphore_mem>>) src(%arg10 : memref<128x128xf32, #tpu.memory_space<vmem>>) dst(%dma_wait3A_31 : memref<128x128xf32, #tpu.memory_space<vmem_shared>>)
      tpu.yield
    }) : () -> ()
    %add3A_15 = arith.constant 384 : i32
    %add3A_16 = arith.addi %mul3A_8, %add3A_15 : i32
    "tpu.region"() ({
      %run_scoped3A = tpu.sem_alloc : memref<!tpu.dma_semaphore, #tpu.memory_space<semaphore_mem>>
      %dma_start3A = arith.constant 0 : i32
      %dma_start3A_26 = tpu.memref_slice %arg11[%add3A_16, %dma_start3A] : memref<10000x128xf32, #tpu.memory_space<vmem_shared>> -> memref<128x128xf32, #tpu.memory_space<vmem_shared>>
      %dma_start3A_27 = arith.constant 0 : i32
      %dma_start3A_28 = tpu.memref_slice %arg11[%add3A_16, %dma_start3A_27] : memref<10000x128xf32, #tpu.memory_space<vmem_shared>> -> memref<128x128xf32, #tpu.memory_space<vmem_shared>>
      tpu.enqueue_dma source(%arg10 : memref<128x128xf32, #tpu.memory_space<vmem>>) target(%dma_start3A_28 : memref<128x128xf32, #tpu.memory_space<vmem_shared>>) target_semaphore(%run_scoped3A : memref<!tpu.dma_semaphore, #tpu.memory_space<semaphore_mem>>)
      %dma_wait3A = arith.constant 0 : i32
      %dma_wait3A_29 = tpu.memref_slice %arg11[%add3A_16, %dma_wait3A] : memref<10000x128xf32, #tpu.memory_space<vmem_shared>> -> memref<128x128xf32, #tpu.memory_space<vmem_shared>>
      %dma_wait3A_30 = arith.constant 0 : i32
      %dma_wait3A_31 = tpu.memref_slice %arg11[%add3A_16, %dma_wait3A_30] : memref<10000x128xf32, #tpu.memory_space<vmem_shared>> -> memref<128x128xf32, #tpu.memory_space<vmem_shared>>
      tpu.wait_dma2 semaphore(%run_scoped3A : memref<!tpu.dma_semaphore, #tpu.memory_space<semaphore_mem>>) src(%arg10 : memref<128x128xf32, #tpu.memory_space<vmem>>) dst(%dma_wait3A_31 : memref<128x128xf32, #tpu.memory_space<vmem_shared>>)
      tpu.yield
    }) : () -> ()
    %add3A_17 = arith.constant 512 : i32
    %add3A_18 = arith.addi %mul3A_8, %add3A_17 : i32
    "tpu.region"() ({
      %run_scoped3A = tpu.sem_alloc : memref<!tpu.dma_semaphore, #tpu.memory_space<semaphore_mem>>
      %dma_start3A = arith.constant 0 : i32
      %dma_start3A_26 = arith.constant 0 : i32
      %dma_start3A_27 = tpu.memref_slice %arg10[%dma_start3A, %dma_start3A_26] : memref<128x128xf32, #tpu.memory_space<vmem>> -> memref<113x128xf32, #tpu.memory_space<vmem>>
      %dma_start3A_28 = arith.constant 0 : i32
      %dma_start3A_29 = tpu.memref_slice %arg11[%add3A_18, %dma_start3A_28] : memref<10000x128xf32, #tpu.memory_space<vmem_shared>> -> memref<113x128xf32, #tpu.memory_space<vmem_shared>>
      %dma_start3A_30 = arith.constant 0 : i32
      %dma_start3A_31 = tpu.memref_slice %arg11[%add3A_18, %dma_start3A_30] : memref<10000x128xf32, #tpu.memory_space<vmem_shared>> -> memref<113x128xf32, #tpu.memory_space<vmem_shared>>
      %dma_start3A_32 = arith.constant 0 : i32
      %dma_start3A_33 = arith.constant 0 : i32
      %dma_start3A_34 = tpu.memref_slice %arg10[%dma_start3A_32, %dma_start3A_33] : memref<128x128xf32, #tpu.memory_space<vmem>> -> memref<113x128xf32, #tpu.memory_space<vmem>>
      tpu.enqueue_dma source(%dma_start3A_34 : memref<113x128xf32, #tpu.memory_space<vmem>>) target(%dma_start3A_31 : memref<113x128xf32, #tpu.memory_space<vmem_shared>>) target_semaphore(%run_scoped3A : memref<!tpu.dma_semaphore, #tpu.memory_space<semaphore_mem>>)
      %dma_wait3A = arith.constant 0 : i32
      %dma_wait3A_35 = arith.constant 0 : i32
      %dma_wait3A_36 = tpu.memref_slice %arg10[%dma_wait3A, %dma_wait3A_35] : memref<128x128xf32, #tpu.memory_space<vmem>> -> memref<113x128xf32, #tpu.memory_space<vmem>>
      %dma_wait3A_37 = arith.constant 0 : i32
      %dma_wait3A_38 = tpu.memref_slice %arg11[%add3A_18, %dma_wait3A_37] : memref<10000x128xf32, #tpu.memory_space<vmem_shared>> -> memref<113x128xf32, #tpu.memory_space<vmem_shared>>
      %dma_wait3A_39 = arith.constant 0 : i32
      %dma_wait3A_40 = tpu.memref_slice %arg11[%add3A_18, %dma_wait3A_39] : memref<10000x128xf32, #tpu.memory_space<vmem_shared>> -> memref<113x128xf32, #tpu.memory_space<vmem_shared>>
      %dma_wait3A_41 = arith.constant 0 : i32
      %dma_wait3A_42 = arith.constant 0 : i32
      %dma_wait3A_43 = tpu.memref_slice %arg10[%dma_wait3A_41, %dma_wait3A_42] : memref<128x128xf32, #tpu.memory_space<vmem>> -> memref<113x128xf32, #tpu.memory_space<vmem>>
      tpu.wait_dma2 semaphore(%run_scoped3A : memref<!tpu.dma_semaphore, #tpu.memory_space<semaphore_mem>>) src(%dma_wait3A_43 : memref<113x128xf32, #tpu.memory_space<vmem>>) dst(%dma_wait3A_40 : memref<113x128xf32, #tpu.memory_space<vmem_shared>>)
      tpu.yield
    }) : () -> ()
    "tpu.region"() ({
      %run_scoped3A = tpu.sem_alloc : memref<!tpu.dma_semaphore, #tpu.memory_space<semaphore_mem>>
      %dma_start3A = arith.constant 0 : i32
      %dma_start3A_26 = arith.constant 0 : i32
      %dma_start3A_27 = tpu.memref_slice %arg3[%add3A, %dma_start3A, %dma_start3A_26] : memref<32x79x128xi32, #tpu.memory_space<hbm>> -> memref<1x79x128xi32, #tpu.memory_space<hbm>>
      %dma_start3A_28 = tpu.memref_squeeze %dma_start3A_27 : memref<1x79x128xi32, #tpu.memory_space<hbm>> -> memref<79x128xi32, #tpu.memory_space<hbm>>
      %dma_start3A_29 = arith.constant 0 : i32
      %dma_start3A_30 = arith.constant 0 : i32
      %dma_start3A_31 = tpu.memref_slice %arg3[%add3A, %dma_start3A_29, %dma_start3A_30] : memref<32x79x128xi32, #tpu.memory_space<hbm>> -> memref<1x79x128xi32, #tpu.memory_space<hbm>>
      %dma_start3A_32 = tpu.memref_squeeze %dma_start3A_31 : memref<1x79x128xi32, #tpu.memory_space<hbm>> -> memref<79x128xi32, #tpu.memory_space<hbm>>
      tpu.enqueue_dma source(%dma_start3A_32 : memref<79x128xi32, #tpu.memory_space<hbm>>) target(%arg7 : memref<79x128xi32, #tpu.memory_space<vmem>>) target_semaphore(%run_scoped3A : memref<!tpu.dma_semaphore, #tpu.memory_space<semaphore_mem>>)
      %dma_wait3A = arith.constant 0 : i32
      %dma_wait3A_33 = arith.constant 0 : i32
      %dma_wait3A_34 = tpu.memref_slice %arg3[%add3A, %dma_wait3A, %dma_wait3A_33] : memref<32x79x128xi32, #tpu.memory_space<hbm>> -> memref<1x79x128xi32, #tpu.memory_space<hbm>>
      %dma_wait3A_35 = tpu.memref_squeeze %dma_wait3A_34 : memref<1x79x128xi32, #tpu.memory_space<hbm>> -> memref<79x128xi32, #tpu.memory_space<hbm>>
      %dma_wait3A_36 = arith.constant 0 : i32
      %dma_wait3A_37 = arith.constant 0 : i32
      %dma_wait3A_38 = tpu.memref_slice %arg3[%add3A, %dma_wait3A_36, %dma_wait3A_37] : memref<32x79x128xi32, #tpu.memory_space<hbm>> -> memref<1x79x128xi32, #tpu.memory_space<hbm>>
      %dma_wait3A_39 = tpu.memref_squeeze %dma_wait3A_38 : memref<1x79x128xi32, #tpu.memory_space<hbm>> -> memref<79x128xi32, #tpu.memory_space<hbm>>
      tpu.wait_dma2 semaphore(%run_scoped3A : memref<!tpu.dma_semaphore, #tpu.memory_space<semaphore_mem>>) src(%dma_wait3A_39 : memref<79x128xi32, #tpu.memory_space<hbm>>) dst(%arg7 : memref<79x128xi32, #tpu.memory_space<vmem>>)
      tpu.yield
    }) : () -> ()
    "tpu.region"() ({
      %run_scoped3A = tpu.sem_alloc : memref<!tpu.dma_semaphore, #tpu.memory_space<semaphore_mem>>
      %dma_start3A = arith.constant 0 : i32
      %dma_start3A_26 = arith.constant 0 : i32
      %dma_start3A_27 = tpu.memref_slice %arg4[%add3A, %dma_start3A, %dma_start3A_26] : memref<32x79x128xi32, #tpu.memory_space<hbm>> -> memref<1x79x128xi32, #tpu.memory_space<hbm>>
      %dma_start3A_28 = tpu.memref_squeeze %dma_start3A_27 : memref<1x79x128xi32, #tpu.memory_space<hbm>> -> memref<79x128xi32, #tpu.memory_space<hbm>>
      %dma_start3A_29 = arith.constant 0 : i32
      %dma_start3A_30 = arith.constant 0 : i32
      %dma_start3A_31 = tpu.memref_slice %arg4[%add3A, %dma_start3A_29, %dma_start3A_30] : memref<32x79x128xi32, #tpu.memory_space<hbm>> -> memref<1x79x128xi32, #tpu.memory_space<hbm>>
      %dma_start3A_32 = tpu.memref_squeeze %dma_start3A_31 : memref<1x79x128xi32, #tpu.memory_space<hbm>> -> memref<79x128xi32, #tpu.memory_space<hbm>>
      tpu.enqueue_dma source(%dma_start3A_32 : memref<79x128xi32, #tpu.memory_space<hbm>>) target(%arg8 : memref<79x128xi32, #tpu.memory_space<vmem>>) target_semaphore(%run_scoped3A : memref<!tpu.dma_semaphore, #tpu.memory_space<semaphore_mem>>)
      %dma_wait3A = arith.constant 0 : i32
      %dma_wait3A_33 = arith.constant 0 : i32
      %dma_wait3A_34 = tpu.memref_slice %arg4[%add3A, %dma_wait3A, %dma_wait3A_33] : memref<32x79x128xi32, #tpu.memory_space<hbm>> -> memref<1x79x128xi32, #tpu.memory_space<hbm>>
      %dma_wait3A_35 = tpu.memref_squeeze %dma_wait3A_34 : memref<1x79x128xi32, #tpu.memory_space<hbm>> -> memref<79x128xi32, #tpu.memory_space<hbm>>
      %dma_wait3A_36 = arith.constant 0 : i32
      %dma_wait3A_37 = arith.constant 0 : i32
      %dma_wait3A_38 = tpu.memref_slice %arg4[%add3A, %dma_wait3A_36, %dma_wait3A_37] : memref<32x79x128xi32, #tpu.memory_space<hbm>> -> memref<1x79x128xi32, #tpu.memory_space<hbm>>
      %dma_wait3A_39 = tpu.memref_squeeze %dma_wait3A_38 : memref<1x79x128xi32, #tpu.memory_space<hbm>> -> memref<79x128xi32, #tpu.memory_space<hbm>>
      tpu.wait_dma2 semaphore(%run_scoped3A : memref<!tpu.dma_semaphore, #tpu.memory_space<semaphore_mem>>) src(%dma_wait3A_39 : memref<79x128xi32, #tpu.memory_space<hbm>>) dst(%arg8 : memref<79x128xi32, #tpu.memory_space<vmem>>)
      tpu.yield
    }) : () -> ()
    "tpu.region"() ({
      %run_scoped3A = tpu.sem_alloc : memref<!tpu.dma_semaphore, #tpu.memory_space<semaphore_mem>>
      %dma_start3A = arith.constant 0 : i32
      %dma_start3A_26 = arith.constant 0 : i32
      %dma_start3A_27 = tpu.memref_slice %arg5[%add3A, %dma_start3A, %dma_start3A_26] : memref<32x79x128xf32, #tpu.memory_space<hbm>> -> memref<1x79x128xf32, #tpu.memory_space<hbm>>
      %dma_start3A_28 = tpu.memref_squeeze %dma_start3A_27 : memref<1x79x128xf32, #tpu.memory_space<hbm>> -> memref<79x128xf32, #tpu.memory_space<hbm>>
      %dma_start3A_29 = arith.constant 0 : i32
      %dma_start3A_30 = arith.constant 0 : i32
      %dma_start3A_31 = tpu.memref_slice %arg5[%add3A, %dma_start3A_29, %dma_start3A_30] : memref<32x79x128xf32, #tpu.memory_space<hbm>> -> memref<1x79x128xf32, #tpu.memory_space<hbm>>
      %dma_start3A_32 = tpu.memref_squeeze %dma_start3A_31 : memref<1x79x128xf32, #tpu.memory_space<hbm>> -> memref<79x128xf32, #tpu.memory_space<hbm>>
      tpu.enqueue_dma source(%dma_start3A_32 : memref<79x128xf32, #tpu.memory_space<hbm>>) target(%arg9 : memref<79x128xf32, #tpu.memory_space<vmem>>) target_semaphore(%run_scoped3A : memref<!tpu.dma_semaphore, #tpu.memory_space<semaphore_mem>>)
      %dma_wait3A = arith.constant 0 : i32
      %dma_wait3A_33 = arith.constant 0 : i32
      %dma_wait3A_34 = tpu.memref_slice %arg5[%add3A, %dma_wait3A, %dma_wait3A_33] : memref<32x79x128xf32, #tpu.memory_space<hbm>> -> memref<1x79x128xf32, #tpu.memory_space<hbm>>
      %dma_wait3A_35 = tpu.memref_squeeze %dma_wait3A_34 : memref<1x79x128xf32, #tpu.memory_space<hbm>> -> memref<79x128xf32, #tpu.memory_space<hbm>>
      %dma_wait3A_36 = arith.constant 0 : i32
      %dma_wait3A_37 = arith.constant 0 : i32
      %dma_wait3A_38 = tpu.memref_slice %arg5[%add3A, %dma_wait3A_36, %dma_wait3A_37] : memref<32x79x128xf32, #tpu.memory_space<hbm>> -> memref<1x79x128xf32, #tpu.memory_space<hbm>>
      %dma_wait3A_39 = tpu.memref_squeeze %dma_wait3A_38 : memref<1x79x128xf32, #tpu.memory_space<hbm>> -> memref<79x128xf32, #tpu.memory_space<hbm>>
      tpu.wait_dma2 semaphore(%run_scoped3A : memref<!tpu.dma_semaphore, #tpu.memory_space<semaphore_mem>>) src(%dma_wait3A_39 : memref<79x128xf32, #tpu.memory_space<hbm>>) dst(%arg9 : memref<79x128xf32, #tpu.memory_space<vmem>>)
      tpu.yield
    }) : () -> ()
    %barrier3A = arith.constant 0 : index
    tpu.barrier barrier_id(%barrier3A)
    %scan3A_19 = arith.constant 0 : i32
    %scan3A_20 = arith.constant 0 : i32
    %scan3A_21 = arith.constant 79 : i32
    %scan3A_22 = arith.addi %scan3A_20, %scan3A_21 : i32
    %scan3A_23 = arith.constant 1 : i32
    scf.for %scan3A_26 = %scan3A_20 to %scan3A_22 step %scan3A_23  : i32 {
      %dma_start3A = arith.constant 0 : i32
      %dma_start3A_27 = tpu.memref_slice %arg7[%scan3A_26, %dma_start3A] : memref<79x128xi32, #tpu.memory_space<vmem>> -> memref<1x128xi32, #tpu.memory_space<vmem>>
      %dma_start3A_28 = tpu.memref_squeeze %dma_start3A_27 : memref<1x128xi32, #tpu.memory_space<vmem>> -> memref<128xi32, #tpu.memory_space<vmem>>
      %dma_start3A_29 = arith.constant 0 : i32
      %dma_start3A_30 = arith.constant 0 : i32
      %dma_start3A_31 = tpu.memref_slice %arg2[%dma_start3A_29, %dma_start3A_30] : memref<10000x128xf32, #tpu.memory_space<hbm>> -> memref<10000x128xf32, #tpu.memory_space<hbm>>
      tpu.enqueue_indirect_dma source(%dma_start3A_31 : memref<10000x128xf32, #tpu.memory_space<hbm>>) target(%arg10 : memref<128x128xf32, #tpu.memory_space<vmem>>) offsets(%dma_start3A_28 : memref<128xi32, #tpu.memory_space<vmem>>) semaphore(%arg12 : memref<!tpu.dma_semaphore, #tpu.memory_space<semaphore_mem>>)
      %dma_wait3A = arith.constant 0 : i32
      %dma_wait3A_32 = tpu.memref_slice %arg7[%scan3A_26, %dma_wait3A] : memref<79x128xi32, #tpu.memory_space<vmem>> -> memref<1x128xi32, #tpu.memory_space<vmem>>
      %dma_wait3A_33 = tpu.memref_squeeze %dma_wait3A_32 : memref<1x128xi32, #tpu.memory_space<vmem>> -> memref<128xi32, #tpu.memory_space<vmem>>
      %dma_wait3A_34 = arith.constant 0 : i32
      %dma_wait3A_35 = arith.constant 0 : i32
      %dma_wait3A_36 = tpu.memref_slice %arg2[%dma_wait3A_34, %dma_wait3A_35] : memref<10000x128xf32, #tpu.memory_space<hbm>> -> memref<10000x128xf32, #tpu.memory_space<hbm>>
      tpu.wait_indirect_dma semaphore(%arg12 : memref<!tpu.dma_semaphore, #tpu.memory_space<semaphore_mem>>) src(%dma_wait3A_36 : memref<10000x128xf32, #tpu.memory_space<hbm>>) dst(%arg10 : memref<128x128xf32, #tpu.memory_space<vmem>>)
      %broadcast_in_dim3A_37 = vector.broadcast %scan3A_26 : i32 to vector<16xi32>
      %scan3A_38 = arith.constant 0 : i32
      %scan3A_39 = arith.constant 0 : i32
      %scan3A_40 = arith.constant 16 : i32
      %scan3A_41 = arith.addi %scan3A_39, %scan3A_40 : i32
      %scan3A_42 = arith.constant 1 : i32
      scf.for %scan3A_44 = %scan3A_39 to %scan3A_41 step %scan3A_42  : i32 {
        %mul3A_45 = arith.constant 8 : i32
        %mul3A_46 = arith.muli %scan3A_44, %mul3A_45 : i32
        %add3A_47 = arith.constant 0 : i32
        %add3A_48 = arith.addi %mul3A_46, %add3A_47 : i32
        %broadcast_in_dim3A_49 = vector.broadcast %add3A_48 : i32 to vector<16xi32>
        %gather3A = tpu.vector_load_idx %arg9[%broadcast_in_dim3A_37, %broadcast_in_dim3A_49] : memref<79x128xf32, #tpu.memory_space<vmem>>[vector<16xi32>, vector<16xi32>], vector<16xf32>,
        %get3A = arith.index_cast %add3A_48 : i32 to index
        %get3A_50 = arith.constant 0 : index
        %get3A_51 = tpu.vector_load %arg10[%get3A, %get3A_50] {strides = array<i32>} : memref<128x128xf32, #tpu.memory_space<vmem>>, vector<16xf32>,
        %mul3A_52 = arith.mulf %get3A_51, %gather3A : vector<16xf32>
        %swap3A = arith.index_cast %add3A_48 : i32 to index
        %swap3A_53 = arith.constant 0 : index
        %swap3A_54 = tpu.vector_load %arg10[%swap3A, %swap3A_53] {strides = array<i32>} : memref<128x128xf32, #tpu.memory_space<vmem>>, vector<16xf32>,
        tpu.vector_store %arg10[%swap3A, %swap3A_53], %mul3A_52 {strides = array<i32>} : memref<128x128xf32, #tpu.memory_space<vmem>>, vector<16xf32>,
        %get3A_55 = arith.index_cast %add3A_48 : i32 to index
        %get3A_56 = arith.constant 16 : index
        %get3A_57 = tpu.vector_load %arg10[%get3A_55, %get3A_56] {strides = array<i32>} : memref<128x128xf32, #tpu.memory_space<vmem>>, vector<16xf32>,
        %mul3A_58 = arith.mulf %get3A_57, %gather3A : vector<16xf32>
        %swap3A_59 = arith.index_cast %add3A_48 : i32 to index
        %swap3A_60 = arith.constant 16 : index
        %swap3A_61 = tpu.vector_load %arg10[%swap3A_59, %swap3A_60] {strides = array<i32>} : memref<128x128xf32, #tpu.memory_space<vmem>>, vector<16xf32>,
        tpu.vector_store %arg10[%swap3A_59, %swap3A_60], %mul3A_58 {strides = array<i32>} : memref<128x128xf32, #tpu.memory_space<vmem>>, vector<16xf32>,
        %get3A_62 = arith.index_cast %add3A_48 : i32 to index
        %get3A_63 = arith.constant 32 : index
        %get3A_64 = tpu.vector_load %arg10[%get3A_62, %get3A_63] {strides = array<i32>} : memref<128x128xf32, #tpu.memory_space<vmem>>, vector<16xf32>,
        %mul3A_65 = arith.mulf %get3A_64, %gather3A : vector<16xf32>
        %swap3A_66 = arith.index_cast %add3A_48 : i32 to index
        %swap3A_67 = arith.constant 32 : index
        %swap3A_68 = tpu.vector_load %arg10[%swap3A_66, %swap3A_67] {strides = array<i32>} : memref<128x128xf32, #tpu.memory_space<vmem>>, vector<16xf32>,
        tpu.vector_store %arg10[%swap3A_66, %swap3A_67], %mul3A_65 {strides = array<i32>} : memref<128x128xf32, #tpu.memory_space<vmem>>, vector<16xf32>,
        %get3A_69 = arith.index_cast %add3A_48 : i32 to index
        %get3A_70 = arith.constant 48 : index
        %get3A_71 = tpu.vector_load %arg10[%get3A_69, %get3A_70] {strides = array<i32>} : memref<128x128xf32, #tpu.memory_space<vmem>>, vector<16xf32>,
        %mul3A_72 = arith.mulf %get3A_71, %gather3A : vector<16xf32>
        %swap3A_73 = arith.index_cast %add3A_48 : i32 to index
        %swap3A_74 = arith.constant 48 : index
        %swap3A_75 = tpu.vector_load %arg10[%swap3A_73, %swap3A_74] {strides = array<i32>} : memref<128x128xf32, #tpu.memory_space<vmem>>, vector<16xf32>,
        tpu.vector_store %arg10[%swap3A_73, %swap3A_74], %mul3A_72 {strides = array<i32>} : memref<128x128xf32, #tpu.memory_space<vmem>>, vector<16xf32>,
        %get3A_76 = arith.index_cast %add3A_48 : i32 to index
        %get3A_77 = arith.constant 64 : index
        %get3A_78 = tpu.vector_load %arg10[%get3A_76, %get3A_77] {strides = array<i32>} : memref<128x128xf32, #tpu.memory_space<vmem>>, vector<16xf32>,
        %mul3A_79 = arith.mulf %get3A_78, %gather3A : vector<16xf32>
        %swap3A_80 = arith.index_cast %add3A_48 : i32 to index
        %swap3A_81 = arith.constant 64 : index
        %swap3A_82 = tpu.vector_load %arg10[%swap3A_80, %swap3A_81] {strides = array<i32>} : memref<128x128xf32, #tpu.memory_space<vmem>>, vector<16xf32>,
        tpu.vector_store %arg10[%swap3A_80, %swap3A_81], %mul3A_79 {strides = array<i32>} : memref<128x128xf32, #tpu.memory_space<vmem>>, vector<16xf32>,
        %get3A_83 = arith.index_cast %add3A_48 : i32 to index
        %get3A_84 = arith.constant 80 : index
        %get3A_85 = tpu.vector_load %arg10[%get3A_83, %get3A_84] {strides = array<i32>} : memref<128x128xf32, #tpu.memory_space<vmem>>, vector<16xf32>,
        %mul3A_86 = arith.mulf %get3A_85, %gather3A : vector<16xf32>
        %swap3A_87 = arith.index_cast %add3A_48 : i32 to index
        %swap3A_88 = arith.constant 80 : index
        %swap3A_89 = tpu.vector_load %arg10[%swap3A_87, %swap3A_88] {strides = array<i32>} : memref<128x128xf32, #tpu.memory_space<vmem>>, vector<16xf32>,
        tpu.vector_store %arg10[%swap3A_87, %swap3A_88], %mul3A_86 {strides = array<i32>} : memref<128x128xf32, #tpu.memory_space<vmem>>, vector<16xf32>,
        %get3A_90 = arith.index_cast %add3A_48 : i32 to index
        %get3A_91 = arith.constant 96 : index
        %get3A_92 = tpu.vector_load %arg10[%get3A_90, %get3A_91] {strides = array<i32>} : memref<128x128xf32, #tpu.memory_space<vmem>>, vector<16xf32>,
        %mul3A_93 = arith.mulf %get3A_92, %gather3A : vector<16xf32>
        %swap3A_94 = arith.index_cast %add3A_48 : i32 to index
        %swap3A_95 = arith.constant 96 : index
        %swap3A_96 = tpu.vector_load %arg10[%swap3A_94, %swap3A_95] {strides = array<i32>} : memref<128x128xf32, #tpu.memory_space<vmem>>, vector<16xf32>,
        tpu.vector_store %arg10[%swap3A_94, %swap3A_95], %mul3A_93 {strides = array<i32>} : memref<128x128xf32, #tpu.memory_space<vmem>>, vector<16xf32>,
        %get3A_97 = arith.index_cast %add3A_48 : i32 to index
        %get3A_98 = arith.constant 112 : index
        %get3A_99 = tpu.vector_load %arg10[%get3A_97, %get3A_98] {strides = array<i32>} : memref<128x128xf32, #tpu.memory_space<vmem>>, vector<16xf32>,
        %mul3A_100 = arith.mulf %get3A_99, %gather3A : vector<16xf32>
        %swap3A_101 = arith.index_cast %add3A_48 : i32 to index
        %swap3A_102 = arith.constant 112 : index
        %swap3A_103 = tpu.vector_load %arg10[%swap3A_101, %swap3A_102] {strides = array<i32>} : memref<128x128xf32, #tpu.memory_space<vmem>>, vector<16xf32>,
        tpu.vector_store %arg10[%swap3A_101, %swap3A_102], %mul3A_100 {strides = array<i32>} : memref<128x128xf32, #tpu.memory_space<vmem>>, vector<16xf32>,
        %mul3A_104 = arith.constant 8 : i32
        %mul3A_105 = arith.muli %scan3A_44, %mul3A_104 : i32
        %add3A_106 = arith.constant 1 : i32
        %add3A_107 = arith.addi %mul3A_105, %add3A_106 : i32
        %broadcast_in_dim3A_108 = vector.broadcast %add3A_107 : i32 to vector<16xi32>
        %gather3A_109 = tpu.vector_load_idx %arg9[%broadcast_in_dim3A_37, %broadcast_in_dim3A_108] : memref<79x128xf32, #tpu.memory_space<vmem>>[vector<16xi32>, vector<16xi32>], vector<16xf32>,
        %get3A_110 = arith.index_cast %add3A_107 : i32 to index
        %get3A_111 = arith.constant 0 : index
        %get3A_112 = tpu.vector_load %arg10[%get3A_110, %get3A_111] {strides = array<i32>} : memref<128x128xf32, #tpu.memory_space<vmem>>, vector<16xf32>,
        %mul3A_113 = arith.mulf %get3A_112, %gather3A_109 : vector<16xf32>
        %swap3A_114 = arith.index_cast %add3A_107 : i32 to index
        %swap3A_115 = arith.constant 0 : index
        %swap3A_116 = tpu.vector_load %arg10[%swap3A_114, %swap3A_115] {strides = array<i32>} : memref<128x128xf32, #tpu.memory_space<vmem>>, vector<16xf32>,
        tpu.vector_store %arg10[%swap3A_114, %swap3A_115], %mul3A_113 {strides = array<i32>} : memref<128x128xf32, #tpu.memory_space<vmem>>, vector<16xf32>,
        %get3A_117 = arith.index_cast %add3A_107 : i32 to index
        %get3A_118 = arith.constant 16 : index
        %get3A_119 = tpu.vector_load %arg10[%get3A_117, %get3A_118] {strides = array<i32>} : memref<128x128xf32, #tpu.memory_space<vmem>>, vector<16xf32>,
        %mul3A_120 = arith.mulf %get3A_119, %gather3A_109 : vector<16xf32>
        %swap3A_121 = arith.index_cast %add3A_107 : i32 to index
        %swap3A_122 = arith.constant 16 : index
        %swap3A_123 = tpu.vector_load %arg10[%swap3A_121, %swap3A_122] {strides = array<i32>} : memref<128x128xf32, #tpu.memory_space<vmem>>, vector<16xf32>,
        tpu.vector_store %arg10[%swap3A_121, %swap3A_122], %mul3A_120 {strides = array<i32>} : memref<128x128xf32, #tpu.memory_space<vmem>>, vector<16xf32>,
        %get3A_124 = arith.index_cast %add3A_107 : i32 to index
        %get3A_125 = arith.constant 32 : index
        %get3A_126 = tpu.vector_load %arg10[%get3A_124, %get3A_125] {strides = array<i32>} : memref<128x128xf32, #tpu.memory_space<vmem>>, vector<16xf32>,
        %mul3A_127 = arith.mulf %get3A_126, %gather3A_109 : vector<16xf32>
        %swap3A_128 = arith.index_cast %add3A_107 : i32 to index
        %swap3A_129 = arith.constant 32 : index
        %swap3A_130 = tpu.vector_load %arg10[%swap3A_128, %swap3A_129] {strides = array<i32>} : memref<128x128xf32, #tpu.memory_space<vmem>>, vector<16xf32>,
        tpu.vector_store %arg10[%swap3A_128, %swap3A_129], %mul3A_127 {strides = array<i32>} : memref<128x128xf32, #tpu.memory_space<vmem>>, vector<16xf32>,
        %get3A_131 = arith.index_cast %add3A_107 : i32 to index
        %get3A_132 = arith.constant 48 : index
        %get3A_133 = tpu.vector_load %arg10[%get3A_131, %get3A_132] {strides = array<i32>} : memref<128x128xf32, #tpu.memory_space<vmem>>, vector<16xf32>,
        %mul3A_134 = arith.mulf %get3A_133, %gather3A_109 : vector<16xf32>
        %swap3A_135 = arith.index_cast %add3A_107 : i32 to index
        %swap3A_136 = arith.constant 48 : index
        %swap3A_137 = tpu.vector_load %arg10[%swap3A_135, %swap3A_136] {strides = array<i32>} : memref<128x128xf32, #tpu.memory_space<vmem>>, vector<16xf32>,
        tpu.vector_store %arg10[%swap3A_135, %swap3A_136], %mul3A_134 {strides = array<i32>} : memref<128x128xf32, #tpu.memory_space<vmem>>, vector<16xf32>,
        %get3A_138 = arith.index_cast %add3A_107 : i32 to index
        %get3A_139 = arith.constant 64 : index
        %get3A_140 = tpu.vector_load %arg10[%get3A_138, %get3A_139] {strides = array<i32>} : memref<128x128xf32, #tpu.memory_space<vmem>>, vector<16xf32>,
        %mul3A_141 = arith.mulf %get3A_140, %gather3A_109 : vector<16xf32>
        %swap3A_142 = arith.index_cast %add3A_107 : i32 to index
        %swap3A_143 = arith.constant 64 : index
        %swap3A_144 = tpu.vector_load %arg10[%swap3A_142, %swap3A_143] {strides = array<i32>} : memref<128x128xf32, #tpu.memory_space<vmem>>, vector<16xf32>,
        tpu.vector_store %arg10[%swap3A_142, %swap3A_143], %mul3A_141 {strides = array<i32>} : memref<128x128xf32, #tpu.memory_space<vmem>>, vector<16xf32>,
        %get3A_145 = arith.index_cast %add3A_107 : i32 to index
        %get3A_146 = arith.constant 80 : index
        %get3A_147 = tpu.vector_load %arg10[%get3A_145, %get3A_146] {strides = array<i32>} : memref<128x128xf32, #tpu.memory_space<vmem>>, vector<16xf32>,
        %mul3A_148 = arith.mulf %get3A_147, %gather3A_109 : vector<16xf32>
        %swap3A_149 = arith.index_cast %add3A_107 : i32 to index
        %swap3A_150 = arith.constant 80 : index
        %swap3A_151 = tpu.vector_load %arg10[%swap3A_149, %swap3A_150] {strides = array<i32>} : memref<128x128xf32, #tpu.memory_space<vmem>>, vector<16xf32>,
        tpu.vector_store %arg10[%swap3A_149, %swap3A_150], %mul3A_148 {strides = array<i32>} : memref<128x128xf32, #tpu.memory_space<vmem>>, vector<16xf32>,
        %get3A_152 = arith.index_cast %add3A_107 : i32 to index
        %get3A_153 = arith.constant 96 : index
        %get3A_154 = tpu.vector_load %arg10[%get3A_152, %get3A_153] {strides = array<i32>} : memref<128x128xf32, #tpu.memory_space<vmem>>, vector<16xf32>,
        %mul3A_155 = arith.mulf %get3A_154, %gather3A_109 : vector<16xf32>
        %swap3A_156 = arith.index_cast %add3A_107 : i32 to index
        %swap3A_157 = arith.constant 96 : index
        %swap3A_158 = tpu.vector_load %arg10[%swap3A_156, %swap3A_157] {strides = array<i32>} : memref<128x128xf32, #tpu.memory_space<vmem>>, vector<16xf32>,
        tpu.vector_store %arg10[%swap3A_156, %swap3A_157], %mul3A_155 {strides = array<i32>} : memref<128x128xf32, #tpu.memory_space<vmem>>, vector<16xf32>,
        %get3A_159 = arith.index_cast %add3A_107 : i32 to index
        %get3A_160 = arith.constant 112 : index
        %get3A_161 = tpu.vector_load %arg10[%get3A_159, %get3A_160] {strides = array<i32>} : memref<128x128xf32, #tpu.memory_space<vmem>>, vector<16xf32>,
        %mul3A_162 = arith.mulf %get3A_161, %gather3A_109 : vector<16xf32>
        %swap3A_163 = arith.index_cast %add3A_107 : i32 to index
        %swap3A_164 = arith.constant 112 : index
        %swap3A_165 = tpu.vector_load %arg10[%swap3A_163, %swap3A_164] {strides = array<i32>} : memref<128x128xf32, #tpu.memory_space<vmem>>, vector<16xf32>,
        tpu.vector_store %arg10[%swap3A_163, %swap3A_164], %mul3A_162 {strides = array<i32>} : memref<128x128xf32, #tpu.memory_space<vmem>>, vector<16xf32>,
        %mul3A_166 = arith.constant 8 : i32
        %mul3A_167 = arith.muli %scan3A_44, %mul3A_166 : i32
        %add3A_168 = arith.constant 2 : i32
        %add3A_169 = arith.addi %mul3A_167, %add3A_168 : i32
        %broadcast_in_dim3A_170 = vector.broadcast %add3A_169 : i32 to vector<16xi32>
        %gather3A_171 = tpu.vector_load_idx %arg9[%broadcast_in_dim3A_37, %broadcast_in_dim3A_170] : memref<79x128xf32, #tpu.memory_space<vmem>>[vector<16xi32>, vector<16xi32>], vector<16xf32>,
        %get3A_172 = arith.index_cast %add3A_169 : i32 to index
        %get3A_173 = arith.constant 0 : index
        %get3A_174 = tpu.vector_load %arg10[%get3A_172, %get3A_173] {strides = array<i32>} : memref<128x128xf32, #tpu.memory_space<vmem>>, vector<16xf32>,
        %mul3A_175 = arith.mulf %get3A_174, %gather3A_171 : vector<16xf32>
        %swap3A_176 = arith.index_cast %add3A_169 : i32 to index
        %swap3A_177 = arith.constant 0 : index
        %swap3A_178 = tpu.vector_load %arg10[%swap3A_176, %swap3A_177] {strides = array<i32>} : memref<128x128xf32, #tpu.memory_space<vmem>>, vector<16xf32>,
        tpu.vector_store %arg10[%swap3A_176, %swap3A_177], %mul3A_175 {strides = array<i32>} : memref<128x128xf32, #tpu.memory_space<vmem>>, vector<16xf32>,
        %get3A_179 = arith.index_cast %add3A_169 : i32 to index
        %get3A_180 = arith.constant 16 : index
        %get3A_181 = tpu.vector_load %arg10[%get3A_179, %get3A_180] {strides = array<i32>} : memref<128x128xf32, #tpu.memory_space<vmem>>, vector<16xf32>,
        %mul3A_182 = arith.mulf %get3A_181, %gather3A_171 : vector<16xf32>
        %swap3A_183 = arith.index_cast %add3A_169 : i32 to index
        %swap3A_184 = arith.constant 16 : index
        %swap3A_185 = tpu.vector_load %arg10[%swap3A_183, %swap3A_184] {strides = array<i32>} : memref<128x128xf32, #tpu.memory_space<vmem>>, vector<16xf32>,
        tpu.vector_store %arg10[%swap3A_183, %swap3A_184], %mul3A_182 {strides = array<i32>} : memref<128x128xf32, #tpu.memory_space<vmem>>, vector<16xf32>,
        %get3A_186 = arith.index_cast %add3A_169 : i32 to index
        %get3A_187 = arith.constant 32 : index
        %get3A_188 = tpu.vector_load %arg10[%get3A_186, %get3A_187] {strides = array<i32>} : memref<128x128xf32, #tpu.memory_space<vmem>>, vector<16xf32>,
        %mul3A_189 = arith.mulf %get3A_188, %gather3A_171 : vector<16xf32>
        %swap3A_190 = arith.index_cast %add3A_169 : i32 to index
        %swap3A_191 = arith.constant 32 : index
        %swap3A_192 = tpu.vector_load %arg10[%swap3A_190, %swap3A_191] {strides = array<i32>} : memref<128x128xf32, #tpu.memory_space<vmem>>, vector<16xf32>,
        tpu.vector_store %arg10[%swap3A_190, %swap3A_191], %mul3A_189 {strides = array<i32>} : memref<128x128xf32, #tpu.memory_space<vmem>>, vector<16xf32>,
        %get3A_193 = arith.index_cast %add3A_169 : i32 to index
        %get3A_194 = arith.constant 48 : index
        %get3A_195 = tpu.vector_load %arg10[%get3A_193, %get3A_194] {strides = array<i32>} : memref<128x128xf32, #tpu.memory_space<vmem>>, vector<16xf32>,
        %mul3A_196 = arith.mulf %get3A_195, %gather3A_171 : vector<16xf32>
        %swap3A_197 = arith.index_cast %add3A_169 : i32 to index
        %swap3A_198 = arith.constant 48 : index
        %swap3A_199 = tpu.vector_load %arg10[%swap3A_197, %swap3A_198] {strides = array<i32>} : memref<128x128xf32, #tpu.memory_space<vmem>>, vector<16xf32>,
        tpu.vector_store %arg10[%swap3A_197, %swap3A_198], %mul3A_196 {strides = array<i32>} : memref<128x128xf32, #tpu.memory_space<vmem>>, vector<16xf32>,
        %get3A_200 = arith.index_cast %add3A_169 : i32 to index
        %get3A_201 = arith.constant 64 : index
        %get3A_202 = tpu.vector_load %arg10[%get3A_200, %get3A_201] {strides = array<i32>} : memref<128x128xf32, #tpu.memory_space<vmem>>, vector<16xf32>,
        %mul3A_203 = arith.mulf %get3A_202, %gather3A_171 : vector<16xf32>
        %swap3A_204 = arith.index_cast %add3A_169 : i32 to index
        %swap3A_205 = arith.constant 64 : index
        %swap3A_206 = tpu.vector_load %arg10[%swap3A_204, %swap3A_205] {strides = array<i32>} : memref<128x128xf32, #tpu.memory_space<vmem>>, vector<16xf32>,
        tpu.vector_store %arg10[%swap3A_204, %swap3A_205], %mul3A_203 {strides = array<i32>} : memref<128x128xf32, #tpu.memory_space<vmem>>, vector<16xf32>,
        %get3A_207 = arith.index_cast %add3A_169 : i32 to index
        %get3A_208 = arith.constant 80 : index
        %get3A_209 = tpu.vector_load %arg10[%get3A_207, %get3A_208] {strides = array<i32>} : memref<128x128xf32, #tpu.memory_space<vmem>>, vector<16xf32>,
        %mul3A_210 = arith.mulf %get3A_209, %gather3A_171 : vector<16xf32>
        %swap3A_211 = arith.index_cast %add3A_169 : i32 to index
        %swap3A_212 = arith.constant 80 : index
        %swap3A_213 = tpu.vector_load %arg10[%swap3A_211, %swap3A_212] {strides = array<i32>} : memref<128x128xf32, #tpu.memory_space<vmem>>, vector<16xf32>,
        tpu.vector_store %arg10[%swap3A_211, %swap3A_212], %mul3A_210 {strides = array<i32>} : memref<128x128xf32, #tpu.memory_space<vmem>>, vector<16xf32>,
        %get3A_214 = arith.index_cast %add3A_169 : i32 to index
        %get3A_215 = arith.constant 96 : index
        %get3A_216 = tpu.vector_load %arg10[%get3A_214, %get3A_215] {strides = array<i32>} : memref<128x128xf32, #tpu.memory_space<vmem>>, vector<16xf32>,
        %mul3A_217 = arith.mulf %get3A_216, %gather3A_171 : vector<16xf32>
        %swap3A_218 = arith.index_cast %add3A_169 : i32 to index
        %swap3A_219 = arith.constant 96 : index
        %swap3A_220 = tpu.vector_load %arg10[%swap3A_218, %swap3A_219] {strides = array<i32>} : memref<128x128xf32, #tpu.memory_space<vmem>>, vector<16xf32>,
        tpu.vector_store %arg10[%swap3A_218, %swap3A_219], %mul3A_217 {strides = array<i32>} : memref<128x128xf32, #tpu.memory_space<vmem>>, vector<16xf32>,
        %get3A_221 = arith.index_cast %add3A_169 : i32 to index
        %get3A_222 = arith.constant 112 : index
        %get3A_223 = tpu.vector_load %arg10[%get3A_221, %get3A_222] {strides = array<i32>} : memref<128x128xf32, #tpu.memory_space<vmem>>, vector<16xf32>,
        %mul3A_224 = arith.mulf %get3A_223, %gather3A_171 : vector<16xf32>
        %swap3A_225 = arith.index_cast %add3A_169 : i32 to index
        %swap3A_226 = arith.constant 112 : index
        %swap3A_227 = tpu.vector_load %arg10[%swap3A_225, %swap3A_226] {strides = array<i32>} : memref<128x128xf32, #tpu.memory_space<vmem>>, vector<16xf32>,
        tpu.vector_store %arg10[%swap3A_225, %swap3A_226], %mul3A_224 {strides = array<i32>} : memref<128x128xf32, #tpu.memory_space<vmem>>, vector<16xf32>,
        %mul3A_228 = arith.constant 8 : i32
        %mul3A_229 = arith.muli %scan3A_44, %mul3A_228 : i32
        %add3A_230 = arith.constant 3 : i32
        %add3A_231 = arith.addi %mul3A_229, %add3A_230 : i32
        %broadcast_in_dim3A_232 = vector.broadcast %add3A_231 : i32 to vector<16xi32>
        %gather3A_233 = tpu.vector_load_idx %arg9[%broadcast_in_dim3A_37, %broadcast_in_dim3A_232] : memref<79x128xf32, #tpu.memory_space<vmem>>[vector<16xi32>, vector<16xi32>], vector<16xf32>,
        %get3A_234 = arith.index_cast %add3A_231 : i32 to index
        %get3A_235 = arith.constant 0 : index
        %get3A_236 = tpu.vector_load %arg10[%get3A_234, %get3A_235] {strides = array<i32>} : memref<128x128xf32, #tpu.memory_space<vmem>>, vector<16xf32>,
        %mul3A_237 = arith.mulf %get3A_236, %gather3A_233 : vector<16xf32>
        %swap3A_238 = arith.index_cast %add3A_231 : i32 to index
        %swap3A_239 = arith.constant 0 : index
        %swap3A_240 = tpu.vector_load %arg10[%swap3A_238, %swap3A_239] {strides = array<i32>} : memref<128x128xf32, #tpu.memory_space<vmem>>, vector<16xf32>,
        tpu.vector_store %arg10[%swap3A_238, %swap3A_239], %mul3A_237 {strides = array<i32>} : memref<128x128xf32, #tpu.memory_space<vmem>>, vector<16xf32>,
        %get3A_241 = arith.index_cast %add3A_231 : i32 to index
        %get3A_242 = arith.constant 16 : index
        %get3A_243 = tpu.vector_load %arg10[%get3A_241, %get3A_242] {strides = array<i32>} : memref<128x128xf32, #tpu.memory_space<vmem>>, vector<16xf32>,
        %mul3A_244 = arith.mulf %get3A_243, %gather3A_233 : vector<16xf32>
        %swap3A_245 = arith.index_cast %add3A_231 : i32 to index
        %swap3A_246 = arith.constant 16 : index
        %swap3A_247 = tpu.vector_load %arg10[%swap3A_245, %swap3A_246] {strides = array<i32>} : memref<128x128xf32, #tpu.memory_space<vmem>>, vector<16xf32>,
        tpu.vector_store %arg10[%swap3A_245, %swap3A_246], %mul3A_244 {strides = array<i32>} : memref<128x128xf32, #tpu.memory_space<vmem>>, vector<16xf32>,
        %get3A_248 = arith.index_cast %add3A_231 : i32 to index
        %get3A_249 = arith.constant 32 : index
        %get3A_250 = tpu.vector_load %arg10[%get3A_248, %get3A_249] {strides = array<i32>} : memref<128x128xf32, #tpu.memory_space<vmem>>, vector<16xf32>,
        %mul3A_251 = arith.mulf %get3A_250, %gather3A_233 : vector<16xf32>
        %swap3A_252 = arith.index_cast %add3A_231 : i32 to index
        %swap3A_253 = arith.constant 32 : index
        %swap3A_254 = tpu.vector_load %arg10[%swap3A_252, %swap3A_253] {strides = array<i32>} : memref<128x128xf32, #tpu.memory_space<vmem>>, vector<16xf32>,
        tpu.vector_store %arg10[%swap3A_252, %swap3A_253], %mul3A_251 {strides = array<i32>} : memref<128x128xf32, #tpu.memory_space<vmem>>, vector<16xf32>,
        %get3A_255 = arith.index_cast %add3A_231 : i32 to index
        %get3A_256 = arith.constant 48 : index
        %get3A_257 = tpu.vector_load %arg10[%get3A_255, %get3A_256] {strides = array<i32>} : memref<128x128xf32, #tpu.memory_space<vmem>>, vector<16xf32>,
        %mul3A_258 = arith.mulf %get3A_257, %gather3A_233 : vector<16xf32>
        %swap3A_259 = arith.index_cast %add3A_231 : i32 to index
        %swap3A_260 = arith.constant 48 : index
        %swap3A_261 = tpu.vector_load %arg10[%swap3A_259, %swap3A_260] {strides = array<i32>} : memref<128x128xf32, #tpu.memory_space<vmem>>, vector<16xf32>,
        tpu.vector_store %arg10[%swap3A_259, %swap3A_260], %mul3A_258 {strides = array<i32>} : memref<128x128xf32, #tpu.memory_space<vmem>>, vector<16xf32>,
        %get3A_262 = arith.index_cast %add3A_231 : i32 to index
        %get3A_263 = arith.constant 64 : index
        %get3A_264 = tpu.vector_load %arg10[%get3A_262, %get3A_263] {strides = array<i32>} : memref<128x128xf32, #tpu.memory_space<vmem>>, vector<16xf32>,
        %mul3A_265 = arith.mulf %get3A_264, %gather3A_233 : vector<16xf32>
        %swap3A_266 = arith.index_cast %add3A_231 : i32 to index
        %swap3A_267 = arith.constant 64 : index
        %swap3A_268 = tpu.vector_load %arg10[%swap3A_266, %swap3A_267] {strides = array<i32>} : memref<128x128xf32, #tpu.memory_space<vmem>>, vector<16xf32>,
        tpu.vector_store %arg10[%swap3A_266, %swap3A_267], %mul3A_265 {strides = array<i32>} : memref<128x128xf32, #tpu.memory_space<vmem>>, vector<16xf32>,
        %get3A_269 = arith.index_cast %add3A_231 : i32 to index
        %get3A_270 = arith.constant 80 : index
        %get3A_271 = tpu.vector_load %arg10[%get3A_269, %get3A_270] {strides = array<i32>} : memref<128x128xf32, #tpu.memory_space<vmem>>, vector<16xf32>,
        %mul3A_272 = arith.mulf %get3A_271, %gather3A_233 : vector<16xf32>
        %swap3A_273 = arith.index_cast %add3A_231 : i32 to index
        %swap3A_274 = arith.constant 80 : index
        %swap3A_275 = tpu.vector_load %arg10[%swap3A_273, %swap3A_274] {strides = array<i32>} : memref<128x128xf32, #tpu.memory_space<vmem>>, vector<16xf32>,
        tpu.vector_store %arg10[%swap3A_273, %swap3A_274], %mul3A_272 {strides = array<i32>} : memref<128x128xf32, #tpu.memory_space<vmem>>, vector<16xf32>,
        %get3A_276 = arith.index_cast %add3A_231 : i32 to index
        %get3A_277 = arith.constant 96 : index
        %get3A_278 = tpu.vector_load %arg10[%get3A_276, %get3A_277] {strides = array<i32>} : memref<128x128xf32, #tpu.memory_space<vmem>>, vector<16xf32>,
        %mul3A_279 = arith.mulf %get3A_278, %gather3A_233 : vector<16xf32>
        %swap3A_280 = arith.index_cast %add3A_231 : i32 to index
        %swap3A_281 = arith.constant 96 : index
        %swap3A_282 = tpu.vector_load %arg10[%swap3A_280, %swap3A_281] {strides = array<i32>} : memref<128x128xf32, #tpu.memory_space<vmem>>, vector<16xf32>,
        tpu.vector_store %arg10[%swap3A_280, %swap3A_281], %mul3A_279 {strides = array<i32>} : memref<128x128xf32, #tpu.memory_space<vmem>>, vector<16xf32>,
        %get3A_283 = arith.index_cast %add3A_231 : i32 to index
        %get3A_284 = arith.constant 112 : index
        %get3A_285 = tpu.vector_load %arg10[%get3A_283, %get3A_284] {strides = array<i32>} : memref<128x128xf32, #tpu.memory_space<vmem>>, vector<16xf32>,
        %mul3A_286 = arith.mulf %get3A_285, %gather3A_233 : vector<16xf32>
        %swap3A_287 = arith.index_cast %add3A_231 : i32 to index
        %swap3A_288 = arith.constant 112 : index
        %swap3A_289 = tpu.vector_load %arg10[%swap3A_287, %swap3A_288] {strides = array<i32>} : memref<128x128xf32, #tpu.memory_space<vmem>>, vector<16xf32>,
        tpu.vector_store %arg10[%swap3A_287, %swap3A_288], %mul3A_286 {strides = array<i32>} : memref<128x128xf32, #tpu.memory_space<vmem>>, vector<16xf32>,
        %mul3A_290 = arith.constant 8 : i32
        %mul3A_291 = arith.muli %scan3A_44, %mul3A_290 : i32
        %add3A_292 = arith.constant 4 : i32
        %add3A_293 = arith.addi %mul3A_291, %add3A_292 : i32
        %broadcast_in_dim3A_294 = vector.broadcast %add3A_293 : i32 to vector<16xi32>
        %gather3A_295 = tpu.vector_load_idx %arg9[%broadcast_in_dim3A_37, %broadcast_in_dim3A_294] : memref<79x128xf32, #tpu.memory_space<vmem>>[vector<16xi32>, vector<16xi32>], vector<16xf32>,
        %get3A_296 = arith.index_cast %add3A_293 : i32 to index
        %get3A_297 = arith.constant 0 : index
        %get3A_298 = tpu.vector_load %arg10[%get3A_296, %get3A_297] {strides = array<i32>} : memref<128x128xf32, #tpu.memory_space<vmem>>, vector<16xf32>,
        %mul3A_299 = arith.mulf %get3A_298, %gather3A_295 : vector<16xf32>
        %swap3A_300 = arith.index_cast %add3A_293 : i32 to index
        %swap3A_301 = arith.constant 0 : index
        %swap3A_302 = tpu.vector_load %arg10[%swap3A_300, %swap3A_301] {strides = array<i32>} : memref<128x128xf32, #tpu.memory_space<vmem>>, vector<16xf32>,
        tpu.vector_store %arg10[%swap3A_300, %swap3A_301], %mul3A_299 {strides = array<i32>} : memref<128x128xf32, #tpu.memory_space<vmem>>, vector<16xf32>,
        %get3A_303 = arith.index_cast %add3A_293 : i32 to index
        %get3A_304 = arith.constant 16 : index
        %get3A_305 = tpu.vector_load %arg10[%get3A_303, %get3A_304] {strides = array<i32>} : memref<128x128xf32, #tpu.memory_space<vmem>>, vector<16xf32>,
        %mul3A_306 = arith.mulf %get3A_305, %gather3A_295 : vector<16xf32>
        %swap3A_307 = arith.index_cast %add3A_293 : i32 to index
        %swap3A_308 = arith.constant 16 : index
        %swap3A_309 = tpu.vector_load %arg10[%swap3A_307, %swap3A_308] {strides = array<i32>} : memref<128x128xf32, #tpu.memory_space<vmem>>, vector<16xf32>,
        tpu.vector_store %arg10[%swap3A_307, %swap3A_308], %mul3A_306 {strides = array<i32>} : memref<128x128xf32, #tpu.memory_space<vmem>>, vector<16xf32>,
        %get3A_310 = arith.index_cast %add3A_293 : i32 to index
        %get3A_311 = arith.constant 32 : index
        %get3A_312 = tpu.vector_load %arg10[%get3A_310, %get3A_311] {strides = array<i32>} : memref<128x128xf32, #tpu.memory_space<vmem>>, vector<16xf32>,
        %mul3A_313 = arith.mulf %get3A_312, %gather3A_295 : vector<16xf32>
        %swap3A_314 = arith.index_cast %add3A_293 : i32 to index
        %swap3A_315 = arith.constant 32 : index
        %swap3A_316 = tpu.vector_load %arg10[%swap3A_314, %swap3A_315] {strides = array<i32>} : memref<128x128xf32, #tpu.memory_space<vmem>>, vector<16xf32>,
        tpu.vector_store %arg10[%swap3A_314, %swap3A_315], %mul3A_313 {strides = array<i32>} : memref<128x128xf32, #tpu.memory_space<vmem>>, vector<16xf32>,
        %get3A_317 = arith.index_cast %add3A_293 : i32 to index
        %get3A_318 = arith.constant 48 : index
        %get3A_319 = tpu.vector_load %arg10[%get3A_317, %get3A_318] {strides = array<i32>} : memref<128x128xf32, #tpu.memory_space<vmem>>, vector<16xf32>,
        %mul3A_320 = arith.mulf %get3A_319, %gather3A_295 : vector<16xf32>
        %swap3A_321 = arith.index_cast %add3A_293 : i32 to index
        %swap3A_322 = arith.constant 48 : index
        %swap3A_323 = tpu.vector_load %arg10[%swap3A_321, %swap3A_322] {strides = array<i32>} : memref<128x128xf32, #tpu.memory_space<vmem>>, vector<16xf32>,
        tpu.vector_store %arg10[%swap3A_321, %swap3A_322], %mul3A_320 {strides = array<i32>} : memref<128x128xf32, #tpu.memory_space<vmem>>, vector<16xf32>,
        %get3A_324 = arith.index_cast %add3A_293 : i32 to index
        %get3A_325 = arith.constant 64 : index
        %get3A_326 = tpu.vector_load %arg10[%get3A_324, %get3A_325] {strides = array<i32>} : memref<128x128xf32, #tpu.memory_space<vmem>>, vector<16xf32>,
        %mul3A_327 = arith.mulf %get3A_326, %gather3A_295 : vector<16xf32>
        %swap3A_328 = arith.index_cast %add3A_293 : i32 to index
        %swap3A_329 = arith.constant 64 : index
        %swap3A_330 = tpu.vector_load %arg10[%swap3A_328, %swap3A_329] {strides = array<i32>} : memref<128x128xf32, #tpu.memory_space<vmem>>, vector<16xf32>,
        tpu.vector_store %arg10[%swap3A_328, %swap3A_329], %mul3A_327 {strides = array<i32>} : memref<128x128xf32, #tpu.memory_space<vmem>>, vector<16xf32>,
        %get3A_331 = arith.index_cast %add3A_293 : i32 to index
        %get3A_332 = arith.constant 80 : index
        %get3A_333 = tpu.vector_load %arg10[%get3A_331, %get3A_332] {strides = array<i32>} : memref<128x128xf32, #tpu.memory_space<vmem>>, vector<16xf32>,
        %mul3A_334 = arith.mulf %get3A_333, %gather3A_295 : vector<16xf32>
        %swap3A_335 = arith.index_cast %add3A_293 : i32 to index
        %swap3A_336 = arith.constant 80 : index
        %swap3A_337 = tpu.vector_load %arg10[%swap3A_335, %swap3A_336] {strides = array<i32>} : memref<128x128xf32, #tpu.memory_space<vmem>>, vector<16xf32>,
        tpu.vector_store %arg10[%swap3A_335, %swap3A_336], %mul3A_334 {strides = array<i32>} : memref<128x128xf32, #tpu.memory_space<vmem>>, vector<16xf32>,
        %get3A_338 = arith.index_cast %add3A_293 : i32 to index
        %get3A_339 = arith.constant 96 : index
        %get3A_340 = tpu.vector_load %arg10[%get3A_338, %get3A_339] {strides = array<i32>} : memref<128x128xf32, #tpu.memory_space<vmem>>, vector<16xf32>,
        %mul3A_341 = arith.mulf %get3A_340, %gather3A_295 : vector<16xf32>
        %swap3A_342 = arith.index_cast %add3A_293 : i32 to index
        %swap3A_343 = arith.constant 96 : index
        %swap3A_344 = tpu.vector_load %arg10[%swap3A_342, %swap3A_343] {strides = array<i32>} : memref<128x128xf32, #tpu.memory_space<vmem>>, vector<16xf32>,
        tpu.vector_store %arg10[%swap3A_342, %swap3A_343], %mul3A_341 {strides = array<i32>} : memref<128x128xf32, #tpu.memory_space<vmem>>, vector<16xf32>,
        %get3A_345 = arith.index_cast %add3A_293 : i32 to index
        %get3A_346 = arith.constant 112 : index
        %get3A_347 = tpu.vector_load %arg10[%get3A_345, %get3A_346] {strides = array<i32>} : memref<128x128xf32, #tpu.memory_space<vmem>>, vector<16xf32>,
        %mul3A_348 = arith.mulf %get3A_347, %gather3A_295 : vector<16xf32>
        %swap3A_349 = arith.index_cast %add3A_293 : i32 to index
        %swap3A_350 = arith.constant 112 : index
        %swap3A_351 = tpu.vector_load %arg10[%swap3A_349, %swap3A_350] {strides = array<i32>} : memref<128x128xf32, #tpu.memory_space<vmem>>, vector<16xf32>,
        tpu.vector_store %arg10[%swap3A_349, %swap3A_350], %mul3A_348 {strides = array<i32>} : memref<128x128xf32, #tpu.memory_space<vmem>>, vector<16xf32>,
        %mul3A_352 = arith.constant 8 : i32
        %mul3A_353 = arith.muli %scan3A_44, %mul3A_352 : i32
        %add3A_354 = arith.constant 5 : i32
        %add3A_355 = arith.addi %mul3A_353, %add3A_354 : i32
        %broadcast_in_dim3A_356 = vector.broadcast %add3A_355 : i32 to vector<16xi32>
        %gather3A_357 = tpu.vector_load_idx %arg9[%broadcast_in_dim3A_37, %broadcast_in_dim3A_356] : memref<79x128xf32, #tpu.memory_space<vmem>>[vector<16xi32>, vector<16xi32>], vector<16xf32>,
        %get3A_358 = arith.index_cast %add3A_355 : i32 to index
        %get3A_359 = arith.constant 0 : index
        %get3A_360 = tpu.vector_load %arg10[%get3A_358, %get3A_359] {strides = array<i32>} : memref<128x128xf32, #tpu.memory_space<vmem>>, vector<16xf32>,
        %mul3A_361 = arith.mulf %get3A_360, %gather3A_357 : vector<16xf32>
        %swap3A_362 = arith.index_cast %add3A_355 : i32 to index
        %swap3A_363 = arith.constant 0 : index
        %swap3A_364 = tpu.vector_load %arg10[%swap3A_362, %swap3A_363] {strides = array<i32>} : memref<128x128xf32, #tpu.memory_space<vmem>>, vector<16xf32>,
        tpu.vector_store %arg10[%swap3A_362, %swap3A_363], %mul3A_361 {strides = array<i32>} : memref<128x128xf32, #tpu.memory_space<vmem>>, vector<16xf32>,
        %get3A_365 = arith.index_cast %add3A_355 : i32 to index
        %get3A_366 = arith.constant 16 : index
        %get3A_367 = tpu.vector_load %arg10[%get3A_365, %get3A_366] {strides = array<i32>} : memref<128x128xf32, #tpu.memory_space<vmem>>, vector<16xf32>,
        %mul3A_368 = arith.mulf %get3A_367, %gather3A_357 : vector<16xf32>
        %swap3A_369 = arith.index_cast %add3A_355 : i32 to index
        %swap3A_370 = arith.constant 16 : index
        %swap3A_371 = tpu.vector_load %arg10[%swap3A_369, %swap3A_370] {strides = array<i32>} : memref<128x128xf32, #tpu.memory_space<vmem>>, vector<16xf32>,
        tpu.vector_store %arg10[%swap3A_369, %swap3A_370], %mul3A_368 {strides = array<i32>} : memref<128x128xf32, #tpu.memory_space<vmem>>, vector<16xf32>,
        %get3A_372 = arith.index_cast %add3A_355 : i32 to index
        %get3A_373 = arith.constant 32 : index
        %get3A_374 = tpu.vector_load %arg10[%get3A_372, %get3A_373] {strides = array<i32>} : memref<128x128xf32, #tpu.memory_space<vmem>>, vector<16xf32>,
        %mul3A_375 = arith.mulf %get3A_374, %gather3A_357 : vector<16xf32>
        %swap3A_376 = arith.index_cast %add3A_355 : i32 to index
        %swap3A_377 = arith.constant 32 : index
        %swap3A_378 = tpu.vector_load %arg10[%swap3A_376, %swap3A_377] {strides = array<i32>} : memref<128x128xf32, #tpu.memory_space<vmem>>, vector<16xf32>,
        tpu.vector_store %arg10[%swap3A_376, %swap3A_377], %mul3A_375 {strides = array<i32>} : memref<128x128xf32, #tpu.memory_space<vmem>>, vector<16xf32>,
        %get3A_379 = arith.index_cast %add3A_355 : i32 to index
        %get3A_380 = arith.constant 48 : index
        %get3A_381 = tpu.vector_load %arg10[%get3A_379, %get3A_380] {strides = array<i32>} : memref<128x128xf32, #tpu.memory_space<vmem>>, vector<16xf32>,
        %mul3A_382 = arith.mulf %get3A_381, %gather3A_357 : vector<16xf32>
        %swap3A_383 = arith.index_cast %add3A_355 : i32 to index
        %swap3A_384 = arith.constant 48 : index
        %swap3A_385 = tpu.vector_load %arg10[%swap3A_383, %swap3A_384] {strides = array<i32>} : memref<128x128xf32, #tpu.memory_space<vmem>>, vector<16xf32>,
        tpu.vector_store %arg10[%swap3A_383, %swap3A_384], %mul3A_382 {strides = array<i32>} : memref<128x128xf32, #tpu.memory_space<vmem>>, vector<16xf32>,
        %get3A_386 = arith.index_cast %add3A_355 : i32 to index
        %get3A_387 = arith.constant 64 : index
        %get3A_388 = tpu.vector_load %arg10[%get3A_386, %get3A_387] {strides = array<i32>} : memref<128x128xf32, #tpu.memory_space<vmem>>, vector<16xf32>,
        %mul3A_389 = arith.mulf %get3A_388, %gather3A_357 : vector<16xf32>
        %swap3A_390 = arith.index_cast %add3A_355 : i32 to index
        %swap3A_391 = arith.constant 64 : index
        %swap3A_392 = tpu.vector_load %arg10[%swap3A_390, %swap3A_391] {strides = array<i32>} : memref<128x128xf32, #tpu.memory_space<vmem>>, vector<16xf32>,
        tpu.vector_store %arg10[%swap3A_390, %swap3A_391], %mul3A_389 {strides = array<i32>} : memref<128x128xf32, #tpu.memory_space<vmem>>, vector<16xf32>,
        %get3A_393 = arith.index_cast %add3A_355 : i32 to index
        %get3A_394 = arith.constant 80 : index
        %get3A_395 = tpu.vector_load %arg10[%get3A_393, %get3A_394] {strides = array<i32>} : memref<128x128xf32, #tpu.memory_space<vmem>>, vector<16xf32>,
        %mul3A_396 = arith.mulf %get3A_395, %gather3A_357 : vector<16xf32>
        %swap3A_397 = arith.index_cast %add3A_355 : i32 to index
        %swap3A_398 = arith.constant 80 : index
        %swap3A_399 = tpu.vector_load %arg10[%swap3A_397, %swap3A_398] {strides = array<i32>} : memref<128x128xf32, #tpu.memory_space<vmem>>, vector<16xf32>,
        tpu.vector_store %arg10[%swap3A_397, %swap3A_398], %mul3A_396 {strides = array<i32>} : memref<128x128xf32, #tpu.memory_space<vmem>>, vector<16xf32>,
        %get3A_400 = arith.index_cast %add3A_355 : i32 to index
        %get3A_401 = arith.constant 96 : index
        %get3A_402 = tpu.vector_load %arg10[%get3A_400, %get3A_401] {strides = array<i32>} : memref<128x128xf32, #tpu.memory_space<vmem>>, vector<16xf32>,
        %mul3A_403 = arith.mulf %get3A_402, %gather3A_357 : vector<16xf32>
        %swap3A_404 = arith.index_cast %add3A_355 : i32 to index
        %swap3A_405 = arith.constant 96 : index
        %swap3A_406 = tpu.vector_load %arg10[%swap3A_404, %swap3A_405] {strides = array<i32>} : memref<128x128xf32, #tpu.memory_space<vmem>>, vector<16xf32>,
        tpu.vector_store %arg10[%swap3A_404, %swap3A_405], %mul3A_403 {strides = array<i32>} : memref<128x128xf32, #tpu.memory_space<vmem>>, vector<16xf32>,
        %get3A_407 = arith.index_cast %add3A_355 : i32 to index
        %get3A_408 = arith.constant 112 : index
        %get3A_409 = tpu.vector_load %arg10[%get3A_407, %get3A_408] {strides = array<i32>} : memref<128x128xf32, #tpu.memory_space<vmem>>, vector<16xf32>,
        %mul3A_410 = arith.mulf %get3A_409, %gather3A_357 : vector<16xf32>
        %swap3A_411 = arith.index_cast %add3A_355 : i32 to index
        %swap3A_412 = arith.constant 112 : index
        %swap3A_413 = tpu.vector_load %arg10[%swap3A_411, %swap3A_412] {strides = array<i32>} : memref<128x128xf32, #tpu.memory_space<vmem>>, vector<16xf32>,
        tpu.vector_store %arg10[%swap3A_411, %swap3A_412], %mul3A_410 {strides = array<i32>} : memref<128x128xf32, #tpu.memory_space<vmem>>, vector<16xf32>,
        %mul3A_414 = arith.constant 8 : i32
        %mul3A_415 = arith.muli %scan3A_44, %mul3A_414 : i32
        %add3A_416 = arith.constant 6 : i32
        %add3A_417 = arith.addi %mul3A_415, %add3A_416 : i32
        %broadcast_in_dim3A_418 = vector.broadcast %add3A_417 : i32 to vector<16xi32>
        %gather3A_419 = tpu.vector_load_idx %arg9[%broadcast_in_dim3A_37, %broadcast_in_dim3A_418] : memref<79x128xf32, #tpu.memory_space<vmem>>[vector<16xi32>, vector<16xi32>], vector<16xf32>,
        %get3A_420 = arith.index_cast %add3A_417 : i32 to index
        %get3A_421 = arith.constant 0 : index
        %get3A_422 = tpu.vector_load %arg10[%get3A_420, %get3A_421] {strides = array<i32>} : memref<128x128xf32, #tpu.memory_space<vmem>>, vector<16xf32>,
        %mul3A_423 = arith.mulf %get3A_422, %gather3A_419 : vector<16xf32>
        %swap3A_424 = arith.index_cast %add3A_417 : i32 to index
        %swap3A_425 = arith.constant 0 : index
        %swap3A_426 = tpu.vector_load %arg10[%swap3A_424, %swap3A_425] {strides = array<i32>} : memref<128x128xf32, #tpu.memory_space<vmem>>, vector<16xf32>,
        tpu.vector_store %arg10[%swap3A_424, %swap3A_425], %mul3A_423 {strides = array<i32>} : memref<128x128xf32, #tpu.memory_space<vmem>>, vector<16xf32>,
        %get3A_427 = arith.index_cast %add3A_417 : i32 to index
        %get3A_428 = arith.constant 16 : index
        %get3A_429 = tpu.vector_load %arg10[%get3A_427, %get3A_428] {strides = array<i32>} : memref<128x128xf32, #tpu.memory_space<vmem>>, vector<16xf32>,
        %mul3A_430 = arith.mulf %get3A_429, %gather3A_419 : vector<16xf32>
        %swap3A_431 = arith.index_cast %add3A_417 : i32 to index
        %swap3A_432 = arith.constant 16 : index
        %swap3A_433 = tpu.vector_load %arg10[%swap3A_431, %swap3A_432] {strides = array<i32>} : memref<128x128xf32, #tpu.memory_space<vmem>>, vector<16xf32>,
        tpu.vector_store %arg10[%swap3A_431, %swap3A_432], %mul3A_430 {strides = array<i32>} : memref<128x128xf32, #tpu.memory_space<vmem>>, vector<16xf32>,
        %get3A_434 = arith.index_cast %add3A_417 : i32 to index
        %get3A_435 = arith.constant 32 : index
        %get3A_436 = tpu.vector_load %arg10[%get3A_434, %get3A_435] {strides = array<i32>} : memref<128x128xf32, #tpu.memory_space<vmem>>, vector<16xf32>,
        %mul3A_437 = arith.mulf %get3A_436, %gather3A_419 : vector<16xf32>
        %swap3A_438 = arith.index_cast %add3A_417 : i32 to index
        %swap3A_439 = arith.constant 32 : index
        %swap3A_440 = tpu.vector_load %arg10[%swap3A_438, %swap3A_439] {strides = array<i32>} : memref<128x128xf32, #tpu.memory_space<vmem>>, vector<16xf32>,
        tpu.vector_store %arg10[%swap3A_438, %swap3A_439], %mul3A_437 {strides = array<i32>} : memref<128x128xf32, #tpu.memory_space<vmem>>, vector<16xf32>,
        %get3A_441 = arith.index_cast %add3A_417 : i32 to index
        %get3A_442 = arith.constant 48 : index
        %get3A_443 = tpu.vector_load %arg10[%get3A_441, %get3A_442] {strides = array<i32>} : memref<128x128xf32, #tpu.memory_space<vmem>>, vector<16xf32>,
        %mul3A_444 = arith.mulf %get3A_443, %gather3A_419 : vector<16xf32>
        %swap3A_445 = arith.index_cast %add3A_417 : i32 to index
        %swap3A_446 = arith.constant 48 : index
        %swap3A_447 = tpu.vector_load %arg10[%swap3A_445, %swap3A_446] {strides = array<i32>} : memref<128x128xf32, #tpu.memory_space<vmem>>, vector<16xf32>,
        tpu.vector_store %arg10[%swap3A_445, %swap3A_446], %mul3A_444 {strides = array<i32>} : memref<128x128xf32, #tpu.memory_space<vmem>>, vector<16xf32>,
        %get3A_448 = arith.index_cast %add3A_417 : i32 to index
        %get3A_449 = arith.constant 64 : index
        %get3A_450 = tpu.vector_load %arg10[%get3A_448, %get3A_449] {strides = array<i32>} : memref<128x128xf32, #tpu.memory_space<vmem>>, vector<16xf32>,
        %mul3A_451 = arith.mulf %get3A_450, %gather3A_419 : vector<16xf32>
        %swap3A_452 = arith.index_cast %add3A_417 : i32 to index
        %swap3A_453 = arith.constant 64 : index
        %swap3A_454 = tpu.vector_load %arg10[%swap3A_452, %swap3A_453] {strides = array<i32>} : memref<128x128xf32, #tpu.memory_space<vmem>>, vector<16xf32>,
        tpu.vector_store %arg10[%swap3A_452, %swap3A_453], %mul3A_451 {strides = array<i32>} : memref<128x128xf32, #tpu.memory_space<vmem>>, vector<16xf32>,
        %get3A_455 = arith.index_cast %add3A_417 : i32 to index
        %get3A_456 = arith.constant 80 : index
        %get3A_457 = tpu.vector_load %arg10[%get3A_455, %get3A_456] {strides = array<i32>} : memref<128x128xf32, #tpu.memory_space<vmem>>, vector<16xf32>,
        %mul3A_458 = arith.mulf %get3A_457, %gather3A_419 : vector<16xf32>
        %swap3A_459 = arith.index_cast %add3A_417 : i32 to index
        %swap3A_460 = arith.constant 80 : index
        %swap3A_461 = tpu.vector_load %arg10[%swap3A_459, %swap3A_460] {strides = array<i32>} : memref<128x128xf32, #tpu.memory_space<vmem>>, vector<16xf32>,
        tpu.vector_store %arg10[%swap3A_459, %swap3A_460], %mul3A_458 {strides = array<i32>} : memref<128x128xf32, #tpu.memory_space<vmem>>, vector<16xf32>,
        %get3A_462 = arith.index_cast %add3A_417 : i32 to index
        %get3A_463 = arith.constant 96 : index
        %get3A_464 = tpu.vector_load %arg10[%get3A_462, %get3A_463] {strides = array<i32>} : memref<128x128xf32, #tpu.memory_space<vmem>>, vector<16xf32>,
        %mul3A_465 = arith.mulf %get3A_464, %gather3A_419 : vector<16xf32>
        %swap3A_466 = arith.index_cast %add3A_417 : i32 to index
        %swap3A_467 = arith.constant 96 : index
        %swap3A_468 = tpu.vector_load %arg10[%swap3A_466, %swap3A_467] {strides = array<i32>} : memref<128x128xf32, #tpu.memory_space<vmem>>, vector<16xf32>,
        tpu.vector_store %arg10[%swap3A_466, %swap3A_467], %mul3A_465 {strides = array<i32>} : memref<128x128xf32, #tpu.memory_space<vmem>>, vector<16xf32>,
        %get3A_469 = arith.index_cast %add3A_417 : i32 to index
        %get3A_470 = arith.constant 112 : index
        %get3A_471 = tpu.vector_load %arg10[%get3A_469, %get3A_470] {strides = array<i32>} : memref<128x128xf32, #tpu.memory_space<vmem>>, vector<16xf32>,
        %mul3A_472 = arith.mulf %get3A_471, %gather3A_419 : vector<16xf32>
        %swap3A_473 = arith.index_cast %add3A_417 : i32 to index
        %swap3A_474 = arith.constant 112 : index
        %swap3A_475 = tpu.vector_load %arg10[%swap3A_473, %swap3A_474] {strides = array<i32>} : memref<128x128xf32, #tpu.memory_space<vmem>>, vector<16xf32>,
        tpu.vector_store %arg10[%swap3A_473, %swap3A_474], %mul3A_472 {strides = array<i32>} : memref<128x128xf32, #tpu.memory_space<vmem>>, vector<16xf32>,
        %mul3A_476 = arith.constant 8 : i32
        %mul3A_477 = arith.muli %scan3A_44, %mul3A_476 : i32
        %add3A_478 = arith.constant 7 : i32
        %add3A_479 = arith.addi %mul3A_477, %add3A_478 : i32
        %broadcast_in_dim3A_480 = vector.broadcast %add3A_479 : i32 to vector<16xi32>
        %gather3A_481 = tpu.vector_load_idx %arg9[%broadcast_in_dim3A_37, %broadcast_in_dim3A_480] : memref<79x128xf32, #tpu.memory_space<vmem>>[vector<16xi32>, vector<16xi32>], vector<16xf32>,
        %get3A_482 = arith.index_cast %add3A_479 : i32 to index
        %get3A_483 = arith.constant 0 : index
        %get3A_484 = tpu.vector_load %arg10[%get3A_482, %get3A_483] {strides = array<i32>} : memref<128x128xf32, #tpu.memory_space<vmem>>, vector<16xf32>,
        %mul3A_485 = arith.mulf %get3A_484, %gather3A_481 : vector<16xf32>
        %swap3A_486 = arith.index_cast %add3A_479 : i32 to index
        %swap3A_487 = arith.constant 0 : index
        %swap3A_488 = tpu.vector_load %arg10[%swap3A_486, %swap3A_487] {strides = array<i32>} : memref<128x128xf32, #tpu.memory_space<vmem>>, vector<16xf32>,
        tpu.vector_store %arg10[%swap3A_486, %swap3A_487], %mul3A_485 {strides = array<i32>} : memref<128x128xf32, #tpu.memory_space<vmem>>, vector<16xf32>,
        %get3A_489 = arith.index_cast %add3A_479 : i32 to index
        %get3A_490 = arith.constant 16 : index
        %get3A_491 = tpu.vector_load %arg10[%get3A_489, %get3A_490] {strides = array<i32>} : memref<128x128xf32, #tpu.memory_space<vmem>>, vector<16xf32>,
        %mul3A_492 = arith.mulf %get3A_491, %gather3A_481 : vector<16xf32>
        %swap3A_493 = arith.index_cast %add3A_479 : i32 to index
        %swap3A_494 = arith.constant 16 : index
        %swap3A_495 = tpu.vector_load %arg10[%swap3A_493, %swap3A_494] {strides = array<i32>} : memref<128x128xf32, #tpu.memory_space<vmem>>, vector<16xf32>,
        tpu.vector_store %arg10[%swap3A_493, %swap3A_494], %mul3A_492 {strides = array<i32>} : memref<128x128xf32, #tpu.memory_space<vmem>>, vector<16xf32>,
        %get3A_496 = arith.index_cast %add3A_479 : i32 to index
        %get3A_497 = arith.constant 32 : index
        %get3A_498 = tpu.vector_load %arg10[%get3A_496, %get3A_497] {strides = array<i32>} : memref<128x128xf32, #tpu.memory_space<vmem>>, vector<16xf32>,
        %mul3A_499 = arith.mulf %get3A_498, %gather3A_481 : vector<16xf32>
        %swap3A_500 = arith.index_cast %add3A_479 : i32 to index
        %swap3A_501 = arith.constant 32 : index
        %swap3A_502 = tpu.vector_load %arg10[%swap3A_500, %swap3A_501] {strides = array<i32>} : memref<128x128xf32, #tpu.memory_space<vmem>>, vector<16xf32>,
        tpu.vector_store %arg10[%swap3A_500, %swap3A_501], %mul3A_499 {strides = array<i32>} : memref<128x128xf32, #tpu.memory_space<vmem>>, vector<16xf32>,
        %get3A_503 = arith.index_cast %add3A_479 : i32 to index
        %get3A_504 = arith.constant 48 : index
        %get3A_505 = tpu.vector_load %arg10[%get3A_503, %get3A_504] {strides = array<i32>} : memref<128x128xf32, #tpu.memory_space<vmem>>, vector<16xf32>,
        %mul3A_506 = arith.mulf %get3A_505, %gather3A_481 : vector<16xf32>
        %swap3A_507 = arith.index_cast %add3A_479 : i32 to index
        %swap3A_508 = arith.constant 48 : index
        %swap3A_509 = tpu.vector_load %arg10[%swap3A_507, %swap3A_508] {strides = array<i32>} : memref<128x128xf32, #tpu.memory_space<vmem>>, vector<16xf32>,
        tpu.vector_store %arg10[%swap3A_507, %swap3A_508], %mul3A_506 {strides = array<i32>} : memref<128x128xf32, #tpu.memory_space<vmem>>, vector<16xf32>,
        %get3A_510 = arith.index_cast %add3A_479 : i32 to index
        %get3A_511 = arith.constant 64 : index
        %get3A_512 = tpu.vector_load %arg10[%get3A_510, %get3A_511] {strides = array<i32>} : memref<128x128xf32, #tpu.memory_space<vmem>>, vector<16xf32>,
        %mul3A_513 = arith.mulf %get3A_512, %gather3A_481 : vector<16xf32>
        %swap3A_514 = arith.index_cast %add3A_479 : i32 to index
        %swap3A_515 = arith.constant 64 : index
        %swap3A_516 = tpu.vector_load %arg10[%swap3A_514, %swap3A_515] {strides = array<i32>} : memref<128x128xf32, #tpu.memory_space<vmem>>, vector<16xf32>,
        tpu.vector_store %arg10[%swap3A_514, %swap3A_515], %mul3A_513 {strides = array<i32>} : memref<128x128xf32, #tpu.memory_space<vmem>>, vector<16xf32>,
        %get3A_517 = arith.index_cast %add3A_479 : i32 to index
        %get3A_518 = arith.constant 80 : index
        %get3A_519 = tpu.vector_load %arg10[%get3A_517, %get3A_518] {strides = array<i32>} : memref<128x128xf32, #tpu.memory_space<vmem>>, vector<16xf32>,
        %mul3A_520 = arith.mulf %get3A_519, %gather3A_481 : vector<16xf32>
        %swap3A_521 = arith.index_cast %add3A_479 : i32 to index
        %swap3A_522 = arith.constant 80 : index
        %swap3A_523 = tpu.vector_load %arg10[%swap3A_521, %swap3A_522] {strides = array<i32>} : memref<128x128xf32, #tpu.memory_space<vmem>>, vector<16xf32>,
        tpu.vector_store %arg10[%swap3A_521, %swap3A_522], %mul3A_520 {strides = array<i32>} : memref<128x128xf32, #tpu.memory_space<vmem>>, vector<16xf32>,
        %get3A_524 = arith.index_cast %add3A_479 : i32 to index
        %get3A_525 = arith.constant 96 : index
        %get3A_526 = tpu.vector_load %arg10[%get3A_524, %get3A_525] {strides = array<i32>} : memref<128x128xf32, #tpu.memory_space<vmem>>, vector<16xf32>,
        %mul3A_527 = arith.mulf %get3A_526, %gather3A_481 : vector<16xf32>
        %swap3A_528 = arith.index_cast %add3A_479 : i32 to index
        %swap3A_529 = arith.constant 96 : index
        %swap3A_530 = tpu.vector_load %arg10[%swap3A_528, %swap3A_529] {strides = array<i32>} : memref<128x128xf32, #tpu.memory_space<vmem>>, vector<16xf32>,
        tpu.vector_store %arg10[%swap3A_528, %swap3A_529], %mul3A_527 {strides = array<i32>} : memref<128x128xf32, #tpu.memory_space<vmem>>, vector<16xf32>,
        %get3A_531 = arith.index_cast %add3A_479 : i32 to index
        %get3A_532 = arith.constant 112 : index
        %get3A_533 = tpu.vector_load %arg10[%get3A_531, %get3A_532] {strides = array<i32>} : memref<128x128xf32, #tpu.memory_space<vmem>>, vector<16xf32>,
        %mul3A_534 = arith.mulf %get3A_533, %gather3A_481 : vector<16xf32>
        %swap3A_535 = arith.index_cast %add3A_479 : i32 to index
        %swap3A_536 = arith.constant 112 : index
        %swap3A_537 = tpu.vector_load %arg10[%swap3A_535, %swap3A_536] {strides = array<i32>} : memref<128x128xf32, #tpu.memory_space<vmem>>, vector<16xf32>,
        tpu.vector_store %arg10[%swap3A_535, %swap3A_536], %mul3A_534 {strides = array<i32>} : memref<128x128xf32, #tpu.memory_space<vmem>>, vector<16xf32>,
      }
      %scan3A_43 = arith.constant 16 : i32
      "tpu.region"() ({
        %run_scoped3A = tpu.sem_alloc : memref<!tpu.dma_semaphore, #tpu.memory_space<semaphore_mem>>
        %dma_start3A_44 = arith.constant 0 : i32
        %dma_start3A_45 = tpu.memref_slice %arg8[%scan3A_26, %dma_start3A_44] : memref<79x128xi32, #tpu.memory_space<vmem>> -> memref<1x128xi32, #tpu.memory_space<vmem>>
        %dma_start3A_46 = tpu.memref_squeeze %dma_start3A_45 : memref<1x128xi32, #tpu.memory_space<vmem>> -> memref<128xi32, #tpu.memory_space<vmem>>
        %dma_start3A_47 = arith.constant 0 : i32
        %dma_start3A_48 = arith.constant 0 : i32
        %dma_start3A_49 = tpu.memref_slice %arg11[%dma_start3A_47, %dma_start3A_48] : memref<10000x128xf32, #tpu.memory_space<vmem_shared>> -> memref<10000x128xf32, #tpu.memory_space<vmem_shared>>
        tpu.enqueue_indirect_dma source(%arg10 : memref<128x128xf32, #tpu.memory_space<vmem>>) target(%dma_start3A_49 : memref<10000x128xf32, #tpu.memory_space<vmem_shared>>) offsets(%dma_start3A_46 : memref<128xi32, #tpu.memory_space<vmem>>) semaphore(%run_scoped3A : memref<!tpu.dma_semaphore, #tpu.memory_space<semaphore_mem>>) {add = true}
        %dma_wait3A_50 = arith.constant 0 : i32
        %dma_wait3A_51 = tpu.memref_slice %arg8[%scan3A_26, %dma_wait3A_50] : memref<79x128xi32, #tpu.memory_space<vmem>> -> memref<1x128xi32, #tpu.memory_space<vmem>>
        %dma_wait3A_52 = tpu.memref_squeeze %dma_wait3A_51 : memref<1x128xi32, #tpu.memory_space<vmem>> -> memref<128xi32, #tpu.memory_space<vmem>>
        %dma_wait3A_53 = arith.constant 0 : i32
        %dma_wait3A_54 = arith.constant 0 : i32
        %dma_wait3A_55 = tpu.memref_slice %arg11[%dma_wait3A_53, %dma_wait3A_54] : memref<10000x128xf32, #tpu.memory_space<vmem_shared>> -> memref<10000x128xf32, #tpu.memory_space<vmem_shared>>
        tpu.wait_indirect_dma semaphore(%run_scoped3A : memref<!tpu.dma_semaphore, #tpu.memory_space<semaphore_mem>>) src(%arg10 : memref<128x128xf32, #tpu.memory_space<vmem>>) dst(%dma_wait3A_55 : memref<10000x128xf32, #tpu.memory_space<vmem_shared>>)
        tpu.yield
      }) : () -> ()
    }
    %scan3A_24 = arith.constant 79 : i32
    %barrier3A_25 = arith.constant 0 : index
    tpu.barrier barrier_id(%barrier3A_25)
    "tpu.region"() ({
      %run_scoped3A = tpu.sem_alloc : memref<!tpu.dma_semaphore, #tpu.memory_space<semaphore_mem>>
      %dma_start3A = arith.constant 0 : i32
      %dma_start3A_26 = tpu.memref_slice %arg6[%arg0, %mul3A_8, %dma_start3A] : memref<2x10000x128xf32, #tpu.memory_space<hbm>> -> memref<1x625x128xf32, #tpu.memory_space<hbm>>
      %dma_start3A_27 = tpu.memref_squeeze %dma_start3A_26 : memref<1x625x128xf32, #tpu.memory_space<hbm>> -> memref<625x128xf32, #tpu.memory_space<hbm>>
      %dma_start3A_28 = arith.constant 0 : i32
      %dma_start3A_29 = tpu.memref_slice %arg11[%mul3A_8, %dma_start3A_28] : memref<10000x128xf32, #tpu.memory_space<vmem_shared>> -> memref<625x128xf32, #tpu.memory_space<vmem_shared>>
      tpu.enqueue_dma source(%dma_start3A_29 : memref<625x128xf32, #tpu.memory_space<vmem_shared>>) target(%dma_start3A_27 : memref<625x128xf32, #tpu.memory_space<hbm>>) target_semaphore(%run_scoped3A : memref<!tpu.dma_semaphore, #tpu.memory_space<semaphore_mem>>)
      %dma_wait3A = arith.constant 0 : i32
      %dma_wait3A_30 = tpu.memref_slice %arg6[%arg0, %mul3A_8, %dma_wait3A] : memref<2x10000x128xf32, #tpu.memory_space<hbm>> -> memref<1x625x128xf32, #tpu.memory_space<hbm>>
      %dma_wait3A_31 = tpu.memref_squeeze %dma_wait3A_30 : memref<1x625x128xf32, #tpu.memory_space<hbm>> -> memref<625x128xf32, #tpu.memory_space<hbm>>
      %dma_wait3A_32 = arith.constant 0 : i32
      %dma_wait3A_33 = tpu.memref_slice %arg11[%mul3A_8, %dma_wait3A_32] : memref<10000x128xf32, #tpu.memory_space<vmem_shared>> -> memref<625x128xf32, #tpu.memory_space<vmem_shared>>
      tpu.wait_dma2 semaphore(%run_scoped3A : memref<!tpu.dma_semaphore, #tpu.memory_space<semaphore_mem>>) src(%dma_wait3A_33 : memref<625x128xf32, #tpu.memory_space<vmem_shared>>) dst(%dma_wait3A_31 : memref<625x128xf32, #tpu.memory_space<hbm>>)
      tpu.yield
    }) : () -> ()
    return
  }
}

#map = affine_map<(d0, d1) -> (0, 0, 0)>
module attributes {stable_mosaic.version = 14 : i64} {
  func.func @deg_kernel(%arg0: i32, %arg1: i32, %arg2: memref<32x79x128xi32, #tpu.memory_space<hbm>>, %arg3: memref<32x79x128xf32, #tpu.memory_space<hbm>>, %arg4: memref<2x10000x16xf32, #tpu.memory_space<hbm>>, %arg5: memref<79x128xi32, #tpu.memory_space<vmem>>, %arg6: memref<79x128xf32, #tpu.memory_space<vmem>>, %arg7: memref<128x16xf32, #tpu.memory_space<vmem>>, %arg8: memref<10000x16xf32, #tpu.memory_space<vmem_shared>>) attributes {dimension_semantics = [#tpu.dimension_semantics<core_parallel>, #tpu.dimension_semantics<subcore_parallel>], iteration_bounds = array<i64: 2, 16>, scalar_prefetch = 0 : i64, scratch_operands = 4 : i64, tpu.core_type = #tpu.core_type<sc_vector_subcore>, window_params = [{transform_indices = #map}, {transform_indices = #map}, {transform_indices = #map}]} {
    %mul3A = arith.constant 2 : i32
    %mul3A_0 = arith.muli %arg1, %mul3A : i32
    %add3A = arith.addi %mul3A_0, %arg0 : i32
    %broadcast_in_dim3A = arith.constant 0.000000e+00 : f32
    %broadcast_in_dim3A_1 = vector.broadcast %broadcast_in_dim3A : f32 to vector<16xf32>
    %scan3A = arith.constant 0 : i32
    %scan3A_2 = arith.constant 0 : i32
    %scan3A_3 = arith.constant 128 : i32
    %scan3A_4 = arith.addi %scan3A_2, %scan3A_3 : i32
    %scan3A_5 = arith.constant 1 : i32
    scf.for %scan3A_28 = %scan3A_2 to %scan3A_4 step %scan3A_5  : i32 {
      %swap3A = arith.index_cast %scan3A_28 : i32 to index
      %swap3A_29 = arith.constant 0 : index
      %swap3A_30 = tpu.vector_load %arg7[%swap3A, %swap3A_29] {strides = array<i32>} : memref<128x16xf32, #tpu.memory_space<vmem>>, vector<16xf32>,
      tpu.vector_store %arg7[%swap3A, %swap3A_29], %broadcast_in_dim3A_1 {strides = array<i32>} : memref<128x16xf32, #tpu.memory_space<vmem>>, vector<16xf32>,
    }
    %scan3A_6 = arith.constant 128 : i32
    %mul3A_7 = arith.constant 625 : i32
    %mul3A_8 = arith.muli %arg1, %mul3A_7 : i32
    %add3A_9 = arith.constant 0 : i32
    %add3A_10 = arith.addi %mul3A_8, %add3A_9 : i32
    "tpu.region"() ({
      %run_scoped3A = tpu.sem_alloc : memref<!tpu.dma_semaphore, #tpu.memory_space<semaphore_mem>>
      %dma_start3A = arith.constant 0 : i32
      %dma_start3A_28 = tpu.memref_slice %arg8[%add3A_10, %dma_start3A] : memref<10000x16xf32, #tpu.memory_space<vmem_shared>> -> memref<128x16xf32, #tpu.memory_space<vmem_shared>>
      %dma_start3A_29 = arith.constant 0 : i32
      %dma_start3A_30 = tpu.memref_slice %arg8[%add3A_10, %dma_start3A_29] : memref<10000x16xf32, #tpu.memory_space<vmem_shared>> -> memref<128x16xf32, #tpu.memory_space<vmem_shared>>
      tpu.enqueue_dma source(%arg7 : memref<128x16xf32, #tpu.memory_space<vmem>>) target(%dma_start3A_30 : memref<128x16xf32, #tpu.memory_space<vmem_shared>>) target_semaphore(%run_scoped3A : memref<!tpu.dma_semaphore, #tpu.memory_space<semaphore_mem>>)
      %dma_wait3A = arith.constant 0 : i32
      %dma_wait3A_31 = tpu.memref_slice %arg8[%add3A_10, %dma_wait3A] : memref<10000x16xf32, #tpu.memory_space<vmem_shared>> -> memref<128x16xf32, #tpu.memory_space<vmem_shared>>
      %dma_wait3A_32 = arith.constant 0 : i32
      %dma_wait3A_33 = tpu.memref_slice %arg8[%add3A_10, %dma_wait3A_32] : memref<10000x16xf32, #tpu.memory_space<vmem_shared>> -> memref<128x16xf32, #tpu.memory_space<vmem_shared>>
      tpu.wait_dma2 semaphore(%run_scoped3A : memref<!tpu.dma_semaphore, #tpu.memory_space<semaphore_mem>>) src(%arg7 : memref<128x16xf32, #tpu.memory_space<vmem>>) dst(%dma_wait3A_33 : memref<128x16xf32, #tpu.memory_space<vmem_shared>>)
      tpu.yield
    }) : () -> ()
    %add3A_11 = arith.constant 128 : i32
    %add3A_12 = arith.addi %mul3A_8, %add3A_11 : i32
    "tpu.region"() ({
      %run_scoped3A = tpu.sem_alloc : memref<!tpu.dma_semaphore, #tpu.memory_space<semaphore_mem>>
      %dma_start3A = arith.constant 0 : i32
      %dma_start3A_28 = tpu.memref_slice %arg8[%add3A_12, %dma_start3A] : memref<10000x16xf32, #tpu.memory_space<vmem_shared>> -> memref<128x16xf32, #tpu.memory_space<vmem_shared>>
      %dma_start3A_29 = arith.constant 0 : i32
      %dma_start3A_30 = tpu.memref_slice %arg8[%add3A_12, %dma_start3A_29] : memref<10000x16xf32, #tpu.memory_space<vmem_shared>> -> memref<128x16xf32, #tpu.memory_space<vmem_shared>>
      tpu.enqueue_dma source(%arg7 : memref<128x16xf32, #tpu.memory_space<vmem>>) target(%dma_start3A_30 : memref<128x16xf32, #tpu.memory_space<vmem_shared>>) target_semaphore(%run_scoped3A : memref<!tpu.dma_semaphore, #tpu.memory_space<semaphore_mem>>)
      %dma_wait3A = arith.constant 0 : i32
      %dma_wait3A_31 = tpu.memref_slice %arg8[%add3A_12, %dma_wait3A] : memref<10000x16xf32, #tpu.memory_space<vmem_shared>> -> memref<128x16xf32, #tpu.memory_space<vmem_shared>>
      %dma_wait3A_32 = arith.constant 0 : i32
      %dma_wait3A_33 = tpu.memref_slice %arg8[%add3A_12, %dma_wait3A_32] : memref<10000x16xf32, #tpu.memory_space<vmem_shared>> -> memref<128x16xf32, #tpu.memory_space<vmem_shared>>
      tpu.wait_dma2 semaphore(%run_scoped3A : memref<!tpu.dma_semaphore, #tpu.memory_space<semaphore_mem>>) src(%arg7 : memref<128x16xf32, #tpu.memory_space<vmem>>) dst(%dma_wait3A_33 : memref<128x16xf32, #tpu.memory_space<vmem_shared>>)
      tpu.yield
    }) : () -> ()
    %add3A_13 = arith.constant 256 : i32
    %add3A_14 = arith.addi %mul3A_8, %add3A_13 : i32
    "tpu.region"() ({
      %run_scoped3A = tpu.sem_alloc : memref<!tpu.dma_semaphore, #tpu.memory_space<semaphore_mem>>
      %dma_start3A = arith.constant 0 : i32
      %dma_start3A_28 = tpu.memref_slice %arg8[%add3A_14, %dma_start3A] : memref<10000x16xf32, #tpu.memory_space<vmem_shared>> -> memref<128x16xf32, #tpu.memory_space<vmem_shared>>
      %dma_start3A_29 = arith.constant 0 : i32
      %dma_start3A_30 = tpu.memref_slice %arg8[%add3A_14, %dma_start3A_29] : memref<10000x16xf32, #tpu.memory_space<vmem_shared>> -> memref<128x16xf32, #tpu.memory_space<vmem_shared>>
      tpu.enqueue_dma source(%arg7 : memref<128x16xf32, #tpu.memory_space<vmem>>) target(%dma_start3A_30 : memref<128x16xf32, #tpu.memory_space<vmem_shared>>) target_semaphore(%run_scoped3A : memref<!tpu.dma_semaphore, #tpu.memory_space<semaphore_mem>>)
      %dma_wait3A = arith.constant 0 : i32
      %dma_wait3A_31 = tpu.memref_slice %arg8[%add3A_14, %dma_wait3A] : memref<10000x16xf32, #tpu.memory_space<vmem_shared>> -> memref<128x16xf32, #tpu.memory_space<vmem_shared>>
      %dma_wait3A_32 = arith.constant 0 : i32
      %dma_wait3A_33 = tpu.memref_slice %arg8[%add3A_14, %dma_wait3A_32] : memref<10000x16xf32, #tpu.memory_space<vmem_shared>> -> memref<128x16xf32, #tpu.memory_space<vmem_shared>>
      tpu.wait_dma2 semaphore(%run_scoped3A : memref<!tpu.dma_semaphore, #tpu.memory_space<semaphore_mem>>) src(%arg7 : memref<128x16xf32, #tpu.memory_space<vmem>>) dst(%dma_wait3A_33 : memref<128x16xf32, #tpu.memory_space<vmem_shared>>)
      tpu.yield
    }) : () -> ()
    %add3A_15 = arith.constant 384 : i32
    %add3A_16 = arith.addi %mul3A_8, %add3A_15 : i32
    "tpu.region"() ({
      %run_scoped3A = tpu.sem_alloc : memref<!tpu.dma_semaphore, #tpu.memory_space<semaphore_mem>>
      %dma_start3A = arith.constant 0 : i32
      %dma_start3A_28 = tpu.memref_slice %arg8[%add3A_16, %dma_start3A] : memref<10000x16xf32, #tpu.memory_space<vmem_shared>> -> memref<128x16xf32, #tpu.memory_space<vmem_shared>>
      %dma_start3A_29 = arith.constant 0 : i32
      %dma_start3A_30 = tpu.memref_slice %arg8[%add3A_16, %dma_start3A_29] : memref<10000x16xf32, #tpu.memory_space<vmem_shared>> -> memref<128x16xf32, #tpu.memory_space<vmem_shared>>
      tpu.enqueue_dma source(%arg7 : memref<128x16xf32, #tpu.memory_space<vmem>>) target(%dma_start3A_30 : memref<128x16xf32, #tpu.memory_space<vmem_shared>>) target_semaphore(%run_scoped3A : memref<!tpu.dma_semaphore, #tpu.memory_space<semaphore_mem>>)
      %dma_wait3A = arith.constant 0 : i32
      %dma_wait3A_31 = tpu.memref_slice %arg8[%add3A_16, %dma_wait3A] : memref<10000x16xf32, #tpu.memory_space<vmem_shared>> -> memref<128x16xf32, #tpu.memory_space<vmem_shared>>
      %dma_wait3A_32 = arith.constant 0 : i32
      %dma_wait3A_33 = tpu.memref_slice %arg8[%add3A_16, %dma_wait3A_32] : memref<10000x16xf32, #tpu.memory_space<vmem_shared>> -> memref<128x16xf32, #tpu.memory_space<vmem_shared>>
      tpu.wait_dma2 semaphore(%run_scoped3A : memref<!tpu.dma_semaphore, #tpu.memory_space<semaphore_mem>>) src(%arg7 : memref<128x16xf32, #tpu.memory_space<vmem>>) dst(%dma_wait3A_33 : memref<128x16xf32, #tpu.memory_space<vmem_shared>>)
      tpu.yield
    }) : () -> ()
    %add3A_17 = arith.constant 512 : i32
    %add3A_18 = arith.addi %mul3A_8, %add3A_17 : i32
    "tpu.region"() ({
      %run_scoped3A = tpu.sem_alloc : memref<!tpu.dma_semaphore, #tpu.memory_space<semaphore_mem>>
      %dma_start3A = arith.constant 0 : i32
      %dma_start3A_28 = arith.constant 0 : i32
      %dma_start3A_29 = tpu.memref_slice %arg7[%dma_start3A, %dma_start3A_28] : memref<128x16xf32, #tpu.memory_space<vmem>> -> memref<113x16xf32, #tpu.memory_space<vmem>>
      %dma_start3A_30 = arith.constant 0 : i32
      %dma_start3A_31 = tpu.memref_slice %arg8[%add3A_18, %dma_start3A_30] : memref<10000x16xf32, #tpu.memory_space<vmem_shared>> -> memref<113x16xf32, #tpu.memory_space<vmem_shared>>
      %dma_start3A_32 = arith.constant 0 : i32
      %dma_start3A_33 = tpu.memref_slice %arg8[%add3A_18, %dma_start3A_32] : memref<10000x16xf32, #tpu.memory_space<vmem_shared>> -> memref<113x16xf32, #tpu.memory_space<vmem_shared>>
      %dma_start3A_34 = arith.constant 0 : i32
      %dma_start3A_35 = arith.constant 0 : i32
      %dma_start3A_36 = tpu.memref_slice %arg7[%dma_start3A_34, %dma_start3A_35] : memref<128x16xf32, #tpu.memory_space<vmem>> -> memref<113x16xf32, #tpu.memory_space<vmem>>
      tpu.enqueue_dma source(%dma_start3A_36 : memref<113x16xf32, #tpu.memory_space<vmem>>) target(%dma_start3A_33 : memref<113x16xf32, #tpu.memory_space<vmem_shared>>) target_semaphore(%run_scoped3A : memref<!tpu.dma_semaphore, #tpu.memory_space<semaphore_mem>>)
      %dma_wait3A = arith.constant 0 : i32
      %dma_wait3A_37 = arith.constant 0 : i32
      %dma_wait3A_38 = tpu.memref_slice %arg7[%dma_wait3A, %dma_wait3A_37] : memref<128x16xf32, #tpu.memory_space<vmem>> -> memref<113x16xf32, #tpu.memory_space<vmem>>
      %dma_wait3A_39 = arith.constant 0 : i32
      %dma_wait3A_40 = tpu.memref_slice %arg8[%add3A_18, %dma_wait3A_39] : memref<10000x16xf32, #tpu.memory_space<vmem_shared>> -> memref<113x16xf32, #tpu.memory_space<vmem_shared>>
      %dma_wait3A_41 = arith.constant 0 : i32
      %dma_wait3A_42 = tpu.memref_slice %arg8[%add3A_18, %dma_wait3A_41] : memref<10000x16xf32, #tpu.memory_space<vmem_shared>> -> memref<113x16xf32, #tpu.memory_space<vmem_shared>>
      %dma_wait3A_43 = arith.constant 0 : i32
      %dma_wait3A_44 = arith.constant 0 : i32
      %dma_wait3A_45 = tpu.memref_slice %arg7[%dma_wait3A_43, %dma_wait3A_44] : memref<128x16xf32, #tpu.memory_space<vmem>> -> memref<113x16xf32, #tpu.memory_space<vmem>>
      tpu.wait_dma2 semaphore(%run_scoped3A : memref<!tpu.dma_semaphore, #tpu.memory_space<semaphore_mem>>) src(%dma_wait3A_45 : memref<113x16xf32, #tpu.memory_space<vmem>>) dst(%dma_wait3A_42 : memref<113x16xf32, #tpu.memory_space<vmem_shared>>)
      tpu.yield
    }) : () -> ()
    "tpu.region"() ({
      %run_scoped3A = tpu.sem_alloc : memref<!tpu.dma_semaphore, #tpu.memory_space<semaphore_mem>>
      %dma_start3A = arith.constant 0 : i32
      %dma_start3A_28 = arith.constant 0 : i32
      %dma_start3A_29 = tpu.memref_slice %arg2[%add3A, %dma_start3A, %dma_start3A_28] : memref<32x79x128xi32, #tpu.memory_space<hbm>> -> memref<1x79x128xi32, #tpu.memory_space<hbm>>
      %dma_start3A_30 = tpu.memref_squeeze %dma_start3A_29 : memref<1x79x128xi32, #tpu.memory_space<hbm>> -> memref<79x128xi32, #tpu.memory_space<hbm>>
      %dma_start3A_31 = arith.constant 0 : i32
      %dma_start3A_32 = arith.constant 0 : i32
      %dma_start3A_33 = tpu.memref_slice %arg2[%add3A, %dma_start3A_31, %dma_start3A_32] : memref<32x79x128xi32, #tpu.memory_space<hbm>> -> memref<1x79x128xi32, #tpu.memory_space<hbm>>
      %dma_start3A_34 = tpu.memref_squeeze %dma_start3A_33 : memref<1x79x128xi32, #tpu.memory_space<hbm>> -> memref<79x128xi32, #tpu.memory_space<hbm>>
      tpu.enqueue_dma source(%dma_start3A_34 : memref<79x128xi32, #tpu.memory_space<hbm>>) target(%arg5 : memref<79x128xi32, #tpu.memory_space<vmem>>) target_semaphore(%run_scoped3A : memref<!tpu.dma_semaphore, #tpu.memory_space<semaphore_mem>>)
      %dma_wait3A = arith.constant 0 : i32
      %dma_wait3A_35 = arith.constant 0 : i32
      %dma_wait3A_36 = tpu.memref_slice %arg2[%add3A, %dma_wait3A, %dma_wait3A_35] : memref<32x79x128xi32, #tpu.memory_space<hbm>> -> memref<1x79x128xi32, #tpu.memory_space<hbm>>
      %dma_wait3A_37 = tpu.memref_squeeze %dma_wait3A_36 : memref<1x79x128xi32, #tpu.memory_space<hbm>> -> memref<79x128xi32, #tpu.memory_space<hbm>>
      %dma_wait3A_38 = arith.constant 0 : i32
      %dma_wait3A_39 = arith.constant 0 : i32
      %dma_wait3A_40 = tpu.memref_slice %arg2[%add3A, %dma_wait3A_38, %dma_wait3A_39] : memref<32x79x128xi32, #tpu.memory_space<hbm>> -> memref<1x79x128xi32, #tpu.memory_space<hbm>>
      %dma_wait3A_41 = tpu.memref_squeeze %dma_wait3A_40 : memref<1x79x128xi32, #tpu.memory_space<hbm>> -> memref<79x128xi32, #tpu.memory_space<hbm>>
      tpu.wait_dma2 semaphore(%run_scoped3A : memref<!tpu.dma_semaphore, #tpu.memory_space<semaphore_mem>>) src(%dma_wait3A_41 : memref<79x128xi32, #tpu.memory_space<hbm>>) dst(%arg5 : memref<79x128xi32, #tpu.memory_space<vmem>>)
      tpu.yield
    }) : () -> ()
    "tpu.region"() ({
      %run_scoped3A = tpu.sem_alloc : memref<!tpu.dma_semaphore, #tpu.memory_space<semaphore_mem>>
      %dma_start3A = arith.constant 0 : i32
      %dma_start3A_28 = arith.constant 0 : i32
      %dma_start3A_29 = tpu.memref_slice %arg3[%add3A, %dma_start3A, %dma_start3A_28] : memref<32x79x128xf32, #tpu.memory_space<hbm>> -> memref<1x79x128xf32, #tpu.memory_space<hbm>>
      %dma_start3A_30 = tpu.memref_squeeze %dma_start3A_29 : memref<1x79x128xf32, #tpu.memory_space<hbm>> -> memref<79x128xf32, #tpu.memory_space<hbm>>
      %dma_start3A_31 = arith.constant 0 : i32
      %dma_start3A_32 = arith.constant 0 : i32
      %dma_start3A_33 = tpu.memref_slice %arg3[%add3A, %dma_start3A_31, %dma_start3A_32] : memref<32x79x128xf32, #tpu.memory_space<hbm>> -> memref<1x79x128xf32, #tpu.memory_space<hbm>>
      %dma_start3A_34 = tpu.memref_squeeze %dma_start3A_33 : memref<1x79x128xf32, #tpu.memory_space<hbm>> -> memref<79x128xf32, #tpu.memory_space<hbm>>
      tpu.enqueue_dma source(%dma_start3A_34 : memref<79x128xf32, #tpu.memory_space<hbm>>) target(%arg6 : memref<79x128xf32, #tpu.memory_space<vmem>>) target_semaphore(%run_scoped3A : memref<!tpu.dma_semaphore, #tpu.memory_space<semaphore_mem>>)
      %dma_wait3A = arith.constant 0 : i32
      %dma_wait3A_35 = arith.constant 0 : i32
      %dma_wait3A_36 = tpu.memref_slice %arg3[%add3A, %dma_wait3A, %dma_wait3A_35] : memref<32x79x128xf32, #tpu.memory_space<hbm>> -> memref<1x79x128xf32, #tpu.memory_space<hbm>>
      %dma_wait3A_37 = tpu.memref_squeeze %dma_wait3A_36 : memref<1x79x128xf32, #tpu.memory_space<hbm>> -> memref<79x128xf32, #tpu.memory_space<hbm>>
      %dma_wait3A_38 = arith.constant 0 : i32
      %dma_wait3A_39 = arith.constant 0 : i32
      %dma_wait3A_40 = tpu.memref_slice %arg3[%add3A, %dma_wait3A_38, %dma_wait3A_39] : memref<32x79x128xf32, #tpu.memory_space<hbm>> -> memref<1x79x128xf32, #tpu.memory_space<hbm>>
      %dma_wait3A_41 = tpu.memref_squeeze %dma_wait3A_40 : memref<1x79x128xf32, #tpu.memory_space<hbm>> -> memref<79x128xf32, #tpu.memory_space<hbm>>
      tpu.wait_dma2 semaphore(%run_scoped3A : memref<!tpu.dma_semaphore, #tpu.memory_space<semaphore_mem>>) src(%dma_wait3A_41 : memref<79x128xf32, #tpu.memory_space<hbm>>) dst(%arg6 : memref<79x128xf32, #tpu.memory_space<vmem>>)
      tpu.yield
    }) : () -> ()
    %barrier3A = arith.constant 0 : index
    tpu.barrier barrier_id(%barrier3A)
    %broadcast_in_dim3A_19 = arith.constant 0 : i32
    %broadcast_in_dim3A_20 = vector.broadcast %broadcast_in_dim3A_19 : i32 to vector<16xi32>
    %iota3A = tpu.iota {dimensions = array<i32: 0>} : vector<16xi32>
    %scan3A_21 = arith.constant 0 : i32
    %scan3A_22 = arith.constant 0 : i32
    %scan3A_23 = arith.constant 79 : i32
    %scan3A_24 = arith.addi %scan3A_22, %scan3A_23 : i32
    %scan3A_25 = arith.constant 1 : i32
    scf.for %scan3A_28 = %scan3A_22 to %scan3A_24 step %scan3A_25  : i32 {
      %get3A = arith.index_cast %scan3A_28 : i32 to index
      %get3A_29 = arith.constant 0 : index
      %get3A_30 = tpu.vector_load %arg6[%get3A, %get3A_29] {strides = array<i32>} : memref<79x128xf32, #tpu.memory_space<vmem>>, vector<16xf32>,
      %add3A_31 = arith.constant 0 : i32
      %add3A_32 = vector.broadcast %add3A_31 : i32 to vector<16xi32>
      %add3A_33 = arith.addi %add3A_32, %iota3A : vector<16xi32>
      tpu.vector_store_idx %arg7[%add3A_33, %broadcast_in_dim3A_20], %get3A_30 : memref<128x16xf32, #tpu.memory_space<vmem>>[vector<16xi32>, vector<16xi32>], vector<16xf32>,
      %get3A_34 = arith.index_cast %scan3A_28 : i32 to index
      %get3A_35 = arith.constant 16 : index
      %get3A_36 = tpu.vector_load %arg6[%get3A_34, %get3A_35] {strides = array<i32>} : memref<79x128xf32, #tpu.memory_space<vmem>>, vector<16xf32>,
      %add3A_37 = arith.constant 16 : i32
      %add3A_38 = vector.broadcast %add3A_37 : i32 to vector<16xi32>
      %add3A_39 = arith.addi %add3A_38, %iota3A : vector<16xi32>
      tpu.vector_store_idx %arg7[%add3A_39, %broadcast_in_dim3A_20], %get3A_36 : memref<128x16xf32, #tpu.memory_space<vmem>>[vector<16xi32>, vector<16xi32>], vector<16xf32>,
      %get3A_40 = arith.index_cast %scan3A_28 : i32 to index
      %get3A_41 = arith.constant 32 : index
      %get3A_42 = tpu.vector_load %arg6[%get3A_40, %get3A_41] {strides = array<i32>} : memref<79x128xf32, #tpu.memory_space<vmem>>, vector<16xf32>,
      %add3A_43 = arith.constant 32 : i32
      %add3A_44 = vector.broadcast %add3A_43 : i32 to vector<16xi32>
      %add3A_45 = arith.addi %add3A_44, %iota3A : vector<16xi32>
      tpu.vector_store_idx %arg7[%add3A_45, %broadcast_in_dim3A_20], %get3A_42 : memref<128x16xf32, #tpu.memory_space<vmem>>[vector<16xi32>, vector<16xi32>], vector<16xf32>,
      %get3A_46 = arith.index_cast %scan3A_28 : i32 to index
      %get3A_47 = arith.constant 48 : index
      %get3A_48 = tpu.vector_load %arg6[%get3A_46, %get3A_47] {strides = array<i32>} : memref<79x128xf32, #tpu.memory_space<vmem>>, vector<16xf32>,
      %add3A_49 = arith.constant 48 : i32
      %add3A_50 = vector.broadcast %add3A_49 : i32 to vector<16xi32>
      %add3A_51 = arith.addi %add3A_50, %iota3A : vector<16xi32>
      tpu.vector_store_idx %arg7[%add3A_51, %broadcast_in_dim3A_20], %get3A_48 : memref<128x16xf32, #tpu.memory_space<vmem>>[vector<16xi32>, vector<16xi32>], vector<16xf32>,
      %get3A_52 = arith.index_cast %scan3A_28 : i32 to index
      %get3A_53 = arith.constant 64 : index
      %get3A_54 = tpu.vector_load %arg6[%get3A_52, %get3A_53] {strides = array<i32>} : memref<79x128xf32, #tpu.memory_space<vmem>>, vector<16xf32>,
      %add3A_55 = arith.constant 64 : i32
      %add3A_56 = vector.broadcast %add3A_55 : i32 to vector<16xi32>
      %add3A_57 = arith.addi %add3A_56, %iota3A : vector<16xi32>
      tpu.vector_store_idx %arg7[%add3A_57, %broadcast_in_dim3A_20], %get3A_54 : memref<128x16xf32, #tpu.memory_space<vmem>>[vector<16xi32>, vector<16xi32>], vector<16xf32>,
      %get3A_58 = arith.index_cast %scan3A_28 : i32 to index
      %get3A_59 = arith.constant 80 : index
      %get3A_60 = tpu.vector_load %arg6[%get3A_58, %get3A_59] {strides = array<i32>} : memref<79x128xf32, #tpu.memory_space<vmem>>, vector<16xf32>,
      %add3A_61 = arith.constant 80 : i32
      %add3A_62 = vector.broadcast %add3A_61 : i32 to vector<16xi32>
      %add3A_63 = arith.addi %add3A_62, %iota3A : vector<16xi32>
      tpu.vector_store_idx %arg7[%add3A_63, %broadcast_in_dim3A_20], %get3A_60 : memref<128x16xf32, #tpu.memory_space<vmem>>[vector<16xi32>, vector<16xi32>], vector<16xf32>,
      %get3A_64 = arith.index_cast %scan3A_28 : i32 to index
      %get3A_65 = arith.constant 96 : index
      %get3A_66 = tpu.vector_load %arg6[%get3A_64, %get3A_65] {strides = array<i32>} : memref<79x128xf32, #tpu.memory_space<vmem>>, vector<16xf32>,
      %add3A_67 = arith.constant 96 : i32
      %add3A_68 = vector.broadcast %add3A_67 : i32 to vector<16xi32>
      %add3A_69 = arith.addi %add3A_68, %iota3A : vector<16xi32>
      tpu.vector_store_idx %arg7[%add3A_69, %broadcast_in_dim3A_20], %get3A_66 : memref<128x16xf32, #tpu.memory_space<vmem>>[vector<16xi32>, vector<16xi32>], vector<16xf32>,
      %get3A_70 = arith.index_cast %scan3A_28 : i32 to index
      %get3A_71 = arith.constant 112 : index
      %get3A_72 = tpu.vector_load %arg6[%get3A_70, %get3A_71] {strides = array<i32>} : memref<79x128xf32, #tpu.memory_space<vmem>>, vector<16xf32>,
      %add3A_73 = arith.constant 112 : i32
      %add3A_74 = vector.broadcast %add3A_73 : i32 to vector<16xi32>
      %add3A_75 = arith.addi %add3A_74, %iota3A : vector<16xi32>
      tpu.vector_store_idx %arg7[%add3A_75, %broadcast_in_dim3A_20], %get3A_72 : memref<128x16xf32, #tpu.memory_space<vmem>>[vector<16xi32>, vector<16xi32>], vector<16xf32>,
      "tpu.region"() ({
        %run_scoped3A = tpu.sem_alloc : memref<!tpu.dma_semaphore, #tpu.memory_space<semaphore_mem>>
        %dma_start3A = arith.constant 0 : i32
        %dma_start3A_76 = tpu.memref_slice %arg5[%scan3A_28, %dma_start3A] : memref<79x128xi32, #tpu.memory_space<vmem>> -> memref<1x128xi32, #tpu.memory_space<vmem>>
        %dma_start3A_77 = tpu.memref_squeeze %dma_start3A_76 : memref<1x128xi32, #tpu.memory_space<vmem>> -> memref<128xi32, #tpu.memory_space<vmem>>
        %dma_start3A_78 = arith.constant 0 : i32
        %dma_start3A_79 = arith.constant 0 : i32
        %dma_start3A_80 = tpu.memref_slice %arg8[%dma_start3A_78, %dma_start3A_79] : memref<10000x16xf32, #tpu.memory_space<vmem_shared>> -> memref<10000x16xf32, #tpu.memory_space<vmem_shared>>
        tpu.enqueue_indirect_dma source(%arg7 : memref<128x16xf32, #tpu.memory_space<vmem>>) target(%dma_start3A_80 : memref<10000x16xf32, #tpu.memory_space<vmem_shared>>) offsets(%dma_start3A_77 : memref<128xi32, #tpu.memory_space<vmem>>) semaphore(%run_scoped3A : memref<!tpu.dma_semaphore, #tpu.memory_space<semaphore_mem>>) {add = true}
        %dma_wait3A = arith.constant 0 : i32
        %dma_wait3A_81 = tpu.memref_slice %arg5[%scan3A_28, %dma_wait3A] : memref<79x128xi32, #tpu.memory_space<vmem>> -> memref<1x128xi32, #tpu.memory_space<vmem>>
        %dma_wait3A_82 = tpu.memref_squeeze %dma_wait3A_81 : memref<1x128xi32, #tpu.memory_space<vmem>> -> memref<128xi32, #tpu.memory_space<vmem>>
        %dma_wait3A_83 = arith.constant 0 : i32
        %dma_wait3A_84 = arith.constant 0 : i32
        %dma_wait3A_85 = tpu.memref_slice %arg8[%dma_wait3A_83, %dma_wait3A_84] : memref<10000x16xf32, #tpu.memory_space<vmem_shared>> -> memref<10000x16xf32, #tpu.memory_space<vmem_shared>>
        tpu.wait_indirect_dma semaphore(%run_scoped3A : memref<!tpu.dma_semaphore, #tpu.memory_space<semaphore_mem>>) src(%arg7 : memref<128x16xf32, #tpu.memory_space<vmem>>) dst(%dma_wait3A_85 : memref<10000x16xf32, #tpu.memory_space<vmem_shared>>)
        tpu.yield
      }) : () -> ()
    }
    %scan3A_26 = arith.constant 79 : i32
    %barrier3A_27 = arith.constant 0 : index
    tpu.barrier barrier_id(%barrier3A_27)
    "tpu.region"() ({
      %run_scoped3A = tpu.sem_alloc : memref<!tpu.dma_semaphore, #tpu.memory_space<semaphore_mem>>
      %dma_start3A = arith.constant 0 : i32
      %dma_start3A_28 = tpu.memref_slice %arg4[%arg0, %mul3A_8, %dma_start3A] : memref<2x10000x16xf32, #tpu.memory_space<hbm>> -> memref<1x625x16xf32, #tpu.memory_space<hbm>>
      %dma_start3A_29 = tpu.memref_squeeze %dma_start3A_28 : memref<1x625x16xf32, #tpu.memory_space<hbm>> -> memref<625x16xf32, #tpu.memory_space<hbm>>
      %dma_start3A_30 = arith.constant 0 : i32
      %dma_start3A_31 = tpu.memref_slice %arg8[%mul3A_8, %dma_start3A_30] : memref<10000x16xf32, #tpu.memory_space<vmem_shared>> -> memref<625x16xf32, #tpu.memory_space<vmem_shared>>
      tpu.enqueue_dma source(%dma_start3A_31 : memref<625x16xf32, #tpu.memory_space<vmem_shared>>) target(%dma_start3A_29 : memref<625x16xf32, #tpu.memory_space<hbm>>) target_semaphore(%run_scoped3A : memref<!tpu.dma_semaphore, #tpu.memory_space<semaphore_mem>>)
      %dma_wait3A = arith.constant 0 : i32
      %dma_wait3A_32 = tpu.memref_slice %arg4[%arg0, %mul3A_8, %dma_wait3A] : memref<2x10000x16xf32, #tpu.memory_space<hbm>> -> memref<1x625x16xf32, #tpu.memory_space<hbm>>
      %dma_wait3A_33 = tpu.memref_squeeze %dma_wait3A_32 : memref<1x625x16xf32, #tpu.memory_space<hbm>> -> memref<625x16xf32, #tpu.memory_space<hbm>>
      %dma_wait3A_34 = arith.constant 0 : i32
      %dma_wait3A_35 = tpu.memref_slice %arg8[%mul3A_8, %dma_wait3A_34] : memref<10000x16xf32, #tpu.memory_space<vmem_shared>> -> memref<625x16xf32, #tpu.memory_space<vmem_shared>>
      tpu.wait_dma2 semaphore(%run_scoped3A : memref<!tpu.dma_semaphore, #tpu.memory_space<semaphore_mem>>) src(%dma_wait3A_35 : memref<625x16xf32, #tpu.memory_space<vmem_shared>>) dst(%dma_wait3A_33 : memref<625x16xf32, #tpu.memory_space<hbm>>)
      tpu.yield
    }) : () -> ()
    return
  }
}

module attributes {stable_mosaic.version = 14 : i64} {
  func.func @body(%arg0: i32, %arg1: memref<2x2000x16xf32, #tpu.memory_space<vmem>>, %arg2: memref<2000x128xf32, #tpu.memory_space<vmem>>, %arg3: memref<128x128xf32, #tpu.memory_space<vmem>>, %arg4: memref<2000x128xf32, #tpu.memory_space<vmem>>) attributes {dimension_semantics = [#tpu.dimension_semantics<arbitrary>], iteration_bounds = array<i64: 5>, scalar_prefetch = 0 : i64, scratch_operands = 0 : i64, tpu.core_type = #tpu.core_type<tc>, window_params = [{transform_indices = @transform_0, window_bounds = array<i64: 2, 2000, 16>}, {transform_indices = @transform_1, window_bounds = array<i64: 2000, 128>}, {pipeline_mode = #tpu.pipeline_mode<synchronous>, transform_indices = @transform_2, window_bounds = array<i64: 128, 128>}, {transform_indices = @transform_3, window_bounds = array<i64: 2000, 128>}]} {
    %get3A = arith.constant 0 : index
    %get3A_0 = arith.constant 0 : index
    %get3A_1 = arith.constant 0 : index
    %get3A_2 = vector.load %arg1[%get3A, %get3A_0, %get3A_1] : memref<2x2000x16xf32, #tpu.memory_space<vmem>>, vector<1x2000x1xf32>
    %get3A_3 = vector.shape_cast %get3A_2 : vector<1x2000x1xf32> to vector<2000x1xf32>
    %get3A_4 = arith.constant 1 : index
    %get3A_5 = arith.constant 0 : index
    %get3A_6 = arith.constant 0 : index
    %get3A_7 = vector.load %arg1[%get3A_4, %get3A_5, %get3A_6] : memref<2x2000x16xf32, #tpu.memory_space<vmem>>, vector<1x2000x1xf32>
    %get3A_8 = vector.shape_cast %get3A_7 : vector<1x2000x1xf32> to vector<2000x1xf32>
    %add3A = arith.addf %get3A_3, %get3A_8 : vector<2000x1xf32>
    %add3A_9 = arith.constant 1.000000e+00 : f32
    %add3A_10 = vector.broadcast %add3A_9 : f32 to vector<2000x1xf32>
    %add3A_11 = arith.addf %add3A, %add3A_10 : vector<2000x1xf32>
    %rsqrt3A = math.rsqrt %add3A_11 : vector<2000x1xf32>
    %get3A_12 = arith.constant 0 : index
    %get3A_13 = arith.constant 0 : index
    %get3A_14 = vector.load %arg2[%get3A_12, %get3A_13] : memref<2000x128xf32, #tpu.memory_space<vmem>>, vector<2000x128xf32>
    %get3A_15 = arith.constant 0 : index
    %get3A_16 = arith.constant 0 : index
    %get3A_17 = vector.load %arg3[%get3A_15, %get3A_16] : memref<128x128xf32, #tpu.memory_space<vmem>>, vector<128x128xf32>
    %dot_general3A = arith.constant dense<0.000000e+00> : vector<2000x128xf32>
    %dot_general3A_18 = tpu.matmul %get3A_14, %get3A_17, %dot_general3A {dimension_numbers = #tpu.dot_dimension_numbers<[1], [0], [0], [1], [0, 0, 1, 1], [], []>, transpose_lhs_hint = false} : vector<2000x128xf32>, vector<128x128xf32>, vector<2000x128xf32> -> vector<2000x128xf32>
    %mul3A = vector.broadcast %rsqrt3A : vector<2000x1xf32> to vector<2000x128xf32>
    %mul3A_19 = arith.mulf %mul3A, %dot_general3A_18 : vector<2000x128xf32>
    %swap3A = arith.constant 0 : index
    %swap3A_20 = arith.constant 0 : index
    %swap3A_21 = vector.load %arg4[%swap3A, %swap3A_20] : memref<2000x128xf32, #tpu.memory_space<vmem>>, vector<2000x128xf32>
    tpu.vector_store %arg4[%swap3A, %swap3A_20], %mul3A_19 {strides = array<i32>} : memref<2000x128xf32, #tpu.memory_space<vmem>>, vector<2000x128xf32>,
    return
  }
  func.func @transform_0(%arg0: i32) -> (i32, i32, i32) {
    %c0_i32 = arith.constant 0 : i32
    %c0_i32_0 = arith.constant 0 : i32
    %c0_i32_1 = arith.constant 0 : i32
    return %c0_i32, %arg0, %c0_i32_0 : i32, i32, i32
  }
  func.func @transform_1(%arg0: i32) -> (i32, i32) {
    %c0_i32 = arith.constant 0 : i32
    %c0_i32_0 = arith.constant 0 : i32
    return %arg0, %c0_i32 : i32, i32
  }
  func.func @transform_2(%arg0: i32) -> (i32, i32) {
    %c0_i32 = arith.constant 0 : i32
    %c0_i32_0 = arith.constant 0 : i32
    %c0_i32_1 = arith.constant 0 : i32
    return %c0_i32, %c0_i32_0 : i32, i32
  }
  func.func @transform_3(%arg0: i32) -> (i32, i32) {
    %c0_i32 = arith.constant 0 : i32
    %c0_i32_0 = arith.constant 0 : i32
    return %arg0, %c0_i32 : i32, i32
  }
}

module attributes {stable_mosaic.version = 14 : i64} {
  func.func @body(%arg0: i32, %arg1: memref<2x2000x16xf32, #tpu.memory_space<vmem>>, %arg2: memref<2x2000x128xf32, #tpu.memory_space<vmem>>, %arg3: memref<2000x128xf32, #tpu.memory_space<vmem>>, %arg4: memref<1x128xf32, #tpu.memory_space<vmem>>, %arg5: memref<128x128xf32, #tpu.memory_space<vmem>>, %arg6: memref<2000x128xf32, #tpu.memory_space<vmem>>) attributes {dimension_semantics = [#tpu.dimension_semantics<arbitrary>], iteration_bounds = array<i64: 5>, scalar_prefetch = 0 : i64, scratch_operands = 0 : i64, tpu.core_type = #tpu.core_type<tc>, window_params = [{transform_indices = @transform_0, window_bounds = array<i64: 2, 2000, 16>}, {transform_indices = @transform_1, window_bounds = array<i64: 2, 2000, 128>}, {transform_indices = @transform_2, window_bounds = array<i64: 2000, 128>}, {pipeline_mode = #tpu.pipeline_mode<synchronous>, transform_indices = @transform_3, window_bounds = array<i64: 1, 128>}, {pipeline_mode = #tpu.pipeline_mode<synchronous>, transform_indices = @transform_4, window_bounds = array<i64: 128, 128>}, {transform_indices = @transform_5, window_bounds = array<i64: 2000, 128>}]} {
    %get3A = arith.constant 0 : index
    %get3A_0 = arith.constant 0 : index
    %get3A_1 = arith.constant 0 : index
    %get3A_2 = vector.load %arg1[%get3A, %get3A_0, %get3A_1] : memref<2x2000x16xf32, #tpu.memory_space<vmem>>, vector<1x2000x1xf32>
    %get3A_3 = vector.shape_cast %get3A_2 : vector<1x2000x1xf32> to vector<2000x1xf32>
    %get3A_4 = arith.constant 1 : index
    %get3A_5 = arith.constant 0 : index
    %get3A_6 = arith.constant 0 : index
    %get3A_7 = vector.load %arg1[%get3A_4, %get3A_5, %get3A_6] : memref<2x2000x16xf32, #tpu.memory_space<vmem>>, vector<1x2000x1xf32>
    %get3A_8 = vector.shape_cast %get3A_7 : vector<1x2000x1xf32> to vector<2000x1xf32>
    %add3A = arith.addf %get3A_3, %get3A_8 : vector<2000x1xf32>
    %add3A_9 = arith.constant 1.000000e+00 : f32
    %add3A_10 = vector.broadcast %add3A_9 : f32 to vector<2000x1xf32>
    %add3A_11 = arith.addf %add3A, %add3A_10 : vector<2000x1xf32>
    %rsqrt3A = math.rsqrt %add3A_11 : vector<2000x1xf32>
    %get3A_12 = arith.constant 0 : index
    %get3A_13 = arith.constant 0 : index
    %get3A_14 = arith.constant 0 : index
    %get3A_15 = vector.load %arg2[%get3A_12, %get3A_13, %get3A_14] : memref<2x2000x128xf32, #tpu.memory_space<vmem>>, vector<1x2000x128xf32>
    %get3A_16 = vector.shape_cast %get3A_15 : vector<1x2000x128xf32> to vector<2000x128xf32>
    %get3A_17 = arith.constant 1 : index
    %get3A_18 = arith.constant 0 : index
    %get3A_19 = arith.constant 0 : index
    %get3A_20 = vector.load %arg2[%get3A_17, %get3A_18, %get3A_19] : memref<2x2000x128xf32, #tpu.memory_space<vmem>>, vector<1x2000x128xf32>
    %get3A_21 = vector.shape_cast %get3A_20 : vector<1x2000x128xf32> to vector<2000x128xf32>
    %add3A_22 = arith.addf %get3A_16, %get3A_21 : vector<2000x128xf32>
    %get3A_23 = arith.constant 0 : index
    %get3A_24 = arith.constant 0 : index
    %get3A_25 = vector.load %arg3[%get3A_23, %get3A_24] : memref<2000x128xf32, #tpu.memory_space<vmem>>, vector<2000x128xf32>
    %add3A_26 = arith.addf %add3A_22, %get3A_25 : vector<2000x128xf32>
    %mul3A = vector.broadcast %rsqrt3A : vector<2000x1xf32> to vector<2000x128xf32>
    %mul3A_27 = arith.mulf %mul3A, %add3A_26 : vector<2000x128xf32>
    %get3A_28 = arith.constant 0 : index
    %get3A_29 = arith.constant 0 : index
    %get3A_30 = vector.load %arg4[%get3A_28, %get3A_29] : memref<1x128xf32, #tpu.memory_space<vmem>>, vector<1x128xf32>
    %add3A_31 = vector.broadcast %get3A_30 : vector<1x128xf32> to vector<2000x128xf32>
    %add3A_32 = arith.addf %mul3A_27, %add3A_31 : vector<2000x128xf32>
    %max3A = arith.constant 0.000000e+00 : f32
    %max3A_33 = vector.broadcast %max3A : f32 to vector<2000x128xf32>
    %max3A_34 = arith.maximumf %add3A_32, %max3A_33 : vector<2000x128xf32>
    %get3A_35 = arith.constant 0 : index
    %get3A_36 = arith.constant 0 : index
    %get3A_37 = vector.load %arg5[%get3A_35, %get3A_36] : memref<128x128xf32, #tpu.memory_space<vmem>>, vector<128x128xf32>
    %dot_general3A = arith.constant dense<0.000000e+00> : vector<2000x128xf32>
    %dot_general3A_38 = tpu.matmul %max3A_34, %get3A_37, %dot_general3A {dimension_numbers = #tpu.dot_dimension_numbers<[1], [0], [0], [1], [0, 0, 1, 1], [], []>, transpose_lhs_hint = false} : vector<2000x128xf32>, vector<128x128xf32>, vector<2000x128xf32> -> vector<2000x128xf32>
    %mul3A_39 = vector.broadcast %rsqrt3A : vector<2000x1xf32> to vector<2000x128xf32>
    %mul3A_40 = arith.mulf %mul3A_39, %dot_general3A_38 : vector<2000x128xf32>
    %swap3A = arith.constant 0 : index
    %swap3A_41 = arith.constant 0 : index
    %swap3A_42 = vector.load %arg6[%swap3A, %swap3A_41] : memref<2000x128xf32, #tpu.memory_space<vmem>>, vector<2000x128xf32>
    tpu.vector_store %arg6[%swap3A, %swap3A_41], %mul3A_40 {strides = array<i32>} : memref<2000x128xf32, #tpu.memory_space<vmem>>, vector<2000x128xf32>,
    return
  }
  func.func @transform_0(%arg0: i32) -> (i32, i32, i32) {
    %c0_i32 = arith.constant 0 : i32
    %c0_i32_0 = arith.constant 0 : i32
    %c0_i32_1 = arith.constant 0 : i32
    return %c0_i32, %arg0, %c0_i32_0 : i32, i32, i32
  }
  func.func @transform_1(%arg0: i32) -> (i32, i32, i32) {
    %c0_i32 = arith.constant 0 : i32
    %c0_i32_0 = arith.constant 0 : i32
    %c0_i32_1 = arith.constant 0 : i32
    return %c0_i32, %arg0, %c0_i32_0 : i32, i32, i32
  }
  func.func @transform_2(%arg0: i32) -> (i32, i32) {
    %c0_i32 = arith.constant 0 : i32
    %c0_i32_0 = arith.constant 0 : i32
    return %arg0, %c0_i32 : i32, i32
  }
  func.func @transform_3(%arg0: i32) -> (i32, i32) {
    %c0_i32 = arith.constant 0 : i32
    %c0_i32_0 = arith.constant 0 : i32
    %c0_i32_1 = arith.constant 0 : i32
    return %c0_i32, %c0_i32_0 : i32, i32
  }
  func.func @transform_4(%arg0: i32) -> (i32, i32) {
    %c0_i32 = arith.constant 0 : i32
    %c0_i32_0 = arith.constant 0 : i32
    %c0_i32_1 = arith.constant 0 : i32
    return %c0_i32, %c0_i32_0 : i32, i32
  }
  func.func @transform_5(%arg0: i32) -> (i32, i32) {
    %c0_i32 = arith.constant 0 : i32
    %c0_i32_0 = arith.constant 0 : i32
    return %arg0, %c0_i32 : i32, i32
  }
}

module attributes {stable_mosaic.version = 14 : i64} {
  func.func @body(%arg0: i32, %arg1: memref<2x2000x16xf32, #tpu.memory_space<vmem>>, %arg2: memref<2x2000x128xf32, #tpu.memory_space<vmem>>, %arg3: memref<2000x128xf32, #tpu.memory_space<vmem>>, %arg4: memref<1x128xf32, #tpu.memory_space<vmem>>, %arg5: memref<2000x128xf32, #tpu.memory_space<vmem>>) attributes {dimension_semantics = [#tpu.dimension_semantics<arbitrary>], iteration_bounds = array<i64: 5>, scalar_prefetch = 0 : i64, scratch_operands = 0 : i64, tpu.core_type = #tpu.core_type<tc>, window_params = [{transform_indices = @transform_0, window_bounds = array<i64: 2, 2000, 16>}, {transform_indices = @transform_1, window_bounds = array<i64: 2, 2000, 128>}, {transform_indices = @transform_2, window_bounds = array<i64: 2000, 128>}, {pipeline_mode = #tpu.pipeline_mode<synchronous>, transform_indices = @transform_3, window_bounds = array<i64: 1, 128>}, {transform_indices = @transform_4, window_bounds = array<i64: 2000, 128>}]} {
    %get3A = arith.constant 0 : index
    %get3A_0 = arith.constant 0 : index
    %get3A_1 = arith.constant 0 : index
    %get3A_2 = vector.load %arg1[%get3A, %get3A_0, %get3A_1] : memref<2x2000x16xf32, #tpu.memory_space<vmem>>, vector<1x2000x1xf32>
    %get3A_3 = vector.shape_cast %get3A_2 : vector<1x2000x1xf32> to vector<2000x1xf32>
    %get3A_4 = arith.constant 1 : index
    %get3A_5 = arith.constant 0 : index
    %get3A_6 = arith.constant 0 : index
    %get3A_7 = vector.load %arg1[%get3A_4, %get3A_5, %get3A_6] : memref<2x2000x16xf32, #tpu.memory_space<vmem>>, vector<1x2000x1xf32>
    %get3A_8 = vector.shape_cast %get3A_7 : vector<1x2000x1xf32> to vector<2000x1xf32>
    %add3A = arith.addf %get3A_3, %get3A_8 : vector<2000x1xf32>
    %add3A_9 = arith.constant 1.000000e+00 : f32
    %add3A_10 = vector.broadcast %add3A_9 : f32 to vector<2000x1xf32>
    %add3A_11 = arith.addf %add3A, %add3A_10 : vector<2000x1xf32>
    %rsqrt3A = math.rsqrt %add3A_11 : vector<2000x1xf32>
    %get3A_12 = arith.constant 0 : index
    %get3A_13 = arith.constant 0 : index
    %get3A_14 = arith.constant 0 : index
    %get3A_15 = vector.load %arg2[%get3A_12, %get3A_13, %get3A_14] : memref<2x2000x128xf32, #tpu.memory_space<vmem>>, vector<1x2000x128xf32>
    %get3A_16 = vector.shape_cast %get3A_15 : vector<1x2000x128xf32> to vector<2000x128xf32>
    %get3A_17 = arith.constant 1 : index
    %get3A_18 = arith.constant 0 : index
    %get3A_19 = arith.constant 0 : index
    %get3A_20 = vector.load %arg2[%get3A_17, %get3A_18, %get3A_19] : memref<2x2000x128xf32, #tpu.memory_space<vmem>>, vector<1x2000x128xf32>
    %get3A_21 = vector.shape_cast %get3A_20 : vector<1x2000x128xf32> to vector<2000x128xf32>
    %add3A_22 = arith.addf %get3A_16, %get3A_21 : vector<2000x128xf32>
    %get3A_23 = arith.constant 0 : index
    %get3A_24 = arith.constant 0 : index
    %get3A_25 = vector.load %arg3[%get3A_23, %get3A_24] : memref<2000x128xf32, #tpu.memory_space<vmem>>, vector<2000x128xf32>
    %add3A_26 = arith.addf %add3A_22, %get3A_25 : vector<2000x128xf32>
    %mul3A = vector.broadcast %rsqrt3A : vector<2000x1xf32> to vector<2000x128xf32>
    %mul3A_27 = arith.mulf %mul3A, %add3A_26 : vector<2000x128xf32>
    %get3A_28 = arith.constant 0 : index
    %get3A_29 = arith.constant 0 : index
    %get3A_30 = vector.load %arg4[%get3A_28, %get3A_29] : memref<1x128xf32, #tpu.memory_space<vmem>>, vector<1x128xf32>
    %add3A_31 = vector.broadcast %get3A_30 : vector<1x128xf32> to vector<2000x128xf32>
    %add3A_32 = arith.addf %mul3A_27, %add3A_31 : vector<2000x128xf32>
    %max3A = arith.constant 0.000000e+00 : f32
    %max3A_33 = vector.broadcast %max3A : f32 to vector<2000x128xf32>
    %max3A_34 = arith.maximumf %add3A_32, %max3A_33 : vector<2000x128xf32>
    %swap3A = arith.constant 0 : index
    %swap3A_35 = arith.constant 0 : index
    %swap3A_36 = vector.load %arg5[%swap3A, %swap3A_35] : memref<2000x128xf32, #tpu.memory_space<vmem>>, vector<2000x128xf32>
    tpu.vector_store %arg5[%swap3A, %swap3A_35], %max3A_34 {strides = array<i32>} : memref<2000x128xf32, #tpu.memory_space<vmem>>, vector<2000x128xf32>,
    return
  }
  func.func @transform_0(%arg0: i32) -> (i32, i32, i32) {
    %c0_i32 = arith.constant 0 : i32
    %c0_i32_0 = arith.constant 0 : i32
    %c0_i32_1 = arith.constant 0 : i32
    return %c0_i32, %arg0, %c0_i32_0 : i32, i32, i32
  }
  func.func @transform_1(%arg0: i32) -> (i32, i32, i32) {
    %c0_i32 = arith.constant 0 : i32
    %c0_i32_0 = arith.constant 0 : i32
    %c0_i32_1 = arith.constant 0 : i32
    return %c0_i32, %arg0, %c0_i32_0 : i32, i32, i32
  }
  func.func @transform_2(%arg0: i32) -> (i32, i32) {
    %c0_i32 = arith.constant 0 : i32
    %c0_i32_0 = arith.constant 0 : i32
    return %arg0, %c0_i32 : i32, i32
  }
  func.func @transform_3(%arg0: i32) -> (i32, i32) {
    %c0_i32 = arith.constant 0 : i32
    %c0_i32_0 = arith.constant 0 : i32
    %c0_i32_1 = arith.constant 0 : i32
    return %c0_i32, %c0_i32_0 : i32, i32
  }
  func.func @transform_4(%arg0: i32) -> (i32, i32) {
    %c0_i32 = arith.constant 0 : i32
    %c0_i32_0 = arith.constant 0 : i32
    return %arg0, %c0_i32 : i32, i32
  }
}

</mosaic_0001>

<sc_bundles>
// kernel: kernel.11.cloned.1.call-start
scs
__scs_entry_jumppad:
0x0: {  	(pc) =	sbr.rel $0x88, $3  }
0x1: {  	(tag) =	ssettag $0x0;
	lr =	simm.s32 $0x1  }
0x2: {  	[smem:$0x3F9A] =	sst lr;
	_ =	strace $0xD0000000  }
0x3: {  	_ = 	snop  }
0x4: {  	_ = 	snop  }
0x5: {  	_ = 	snop  }
0x6: {  	_ = 	snop  }
0x7: {  	_ = 	snop  }
__scs_overlays_trampoline_lowered:
0x8: {  	[smem:$0x3FA9] =	sst s0  }
0x9: {  	[smem:$0x3FAA] =	sst s1  }
0xa: {  	[smem:$0x3FAB] =	sst s2  }
0xb: {  	[smem:$0x3FAC] =	sst s3  }
0xc: {  	[smem:$0x3FAD] =	sst s4  }
0xd: {  	[smem:$0x3FAE] =	sst s5  }
0xe: {  	[smem:$0x3FAF] =	sst s6  }
0xf: {  	[smem:$0x3FB0] =	sst s7  }
0x10: {  	[smem:$0x3FB1] =	sst s8  }
0x11: {  	[smem:$0x3FB2] =	sst s9;
	s0 =	simm.s32 @!p0 $0x0  }
0x12: {  	s1 =	sld [smem:$0x3F98];
	s0 =	simm.s32 @p0 $0x1  }
0x13: {  	[smem:$0x3FB3] =	sst s0;
	s0 =	simm.s32 @!p1 $0x0  }
0x14: {  	s2 =	sld [smem:$0x3F97];
	s0 =	simm.s32 @p1 $0x1  }
0x15: {  	[smem:$0x3FB4] =	sst s0;
	s0 =	simm.s32 @!p2 $0x0  }
0x16: {  	s3 =	sld [smem:$0x3FDB];
	s0 =	simm.s32 @p2 $0x1  }
0x17: {  	s4 =	simm.s32 $0x1BF5;
	[smem:$0x3FB6] =	sst s0  }
0x18: {  	s0 =	sld [smem:$0x3F99];
	_ =	swait.ge [sflag:s4], $0x0  }
0x19: {  	s7 =	sld [smem:$0x3F9A]  }
0x1a: {  	s8 =	sadd.s32 $0xFFFFE003, lr  }
0x1b: {  	s9 =	sadd.s32 $0xFFFFFEF7, lr;
	s5 =	simm.s32 $0xFFFFFFFF;
	p2 =	slt.u32 s8, $0xFFFFF086  }
0x1c: {  	p1 =	slt.u32 s9, $0xF7A;
	s5 =	simm.s32 @!p2 $0x0  }
0x1d: {  	s5 =	simm.s32 @p1 $0x1;
	p0 =	seq.s32 s7, s2  }
0x1e: {  	s7 =	smul.u32 @!p0 $0xF7A, s2;
	p2 =	seq.s32 @!p0 s5, $0x0  }
0x1f: {  	s9 =	smul.u32 $0xF7A, s1;
	s8 =	simm.s32 @!p0 $0x1BF5;
	p2 =	por !p2, p0  }
0x20: {  	[sflag:s8] =	ssyncset.s32 @!p0 $0xFFFFF086;
	s6 =	sadd.s32 @!p0 s3, s7;
	s7 =	simm.s32 @!p0 $0x108  }
0x21: {  	s3 =	sadd.s32 s3, s9;
	s6 =	sadd.s32 @!p0 $0x88, s6;
	s7 =	simm.s32 @p2 $0x1082  }
0x22: {  	[simem:s7], [sflag:s8] =	dma.local @!p0 [hbm:s6], $0xF7A  }
0x23: {  	s9 =	sor.u32 $0xD0000000, s2;
	s6 =	simm.s32 $0x108;
	_ =	swait.ge @!p0 [sflag:s8], $0x0  }
0x24: {  	s3 =	sadd.s32 $0x88, s3;
	s6 =	simm.s32 @!p1 $0x1082;
	[sflag:s4] =	ssyncset.s32 $0xFFFFF086  }
0x25: {  	[simem:s6], [sflag:s4] =	dma.local [hbm:s3], $0xF7A  }
0x26: {  	[smem:$0x3F9A] =	sst s1;
	(tag) =	ssettag s2;
	_ =	strace s9  }
0x27: {  	s1 =	sld [smem:$0x3FAA]  }
0x28: {  	s2 =	sld [smem:$0x3FAB]  }
0x29: {  	s4 =	sld [smem:$0x3FAD]  }
0x2a: {  	p0 =	seq.s32 s5, $0x0;
	s5 =	sld [smem:$0x3FAE]  }
0x2b: {  	s6 =	sld [smem:$0x3FAF]  }
0x2c: {  	s7 =	sld [smem:$0x3FB0]  }
0x2d: {  	s3 =	simm.s32 $0x108;
	s8 =	sld [smem:$0x3FB1]  }
0x2e: {  	s3 =	simm.s32 @!p0 $0x1082;
	s9 =	sld [smem:$0x3FB2]  }
0x2f: {  	lr =	sadd.s32 s0, s3;
	s0 =	sld [smem:$0x3FA9]  }
0x30: {  	s3 =	sld [smem:$0x3FAC]  }
0x31: {  	[smem:$0x3FB5] =	sst s10  }
0x32: {  	s10 =	sld [smem:$0x3FB3];
	_ =	sdelay $0x3  }
0x33: {  	p0 =	seq.s32 s10, $0x1;
	s10 =	sld [smem:$0x3FB5];
	_ =	sdelay $0x3  }
0x34: {  	[smem:$0x3FB5] =	sst s10  }
0x35: {  	s10 =	sld [smem:$0x3FB4];
	_ =	sdelay $0x3  }
0x36: {  	p1 =	seq.s32 s10, $0x1;
	s10 =	sld [smem:$0x3FB5];
	_ =	sdelay $0x3  }
0x37: {  	[smem:$0x3FB5] =	sst s10  }
0x38: {  	s10 =	sld [smem:$0x3FB6]  }
0x39: {  	_ = 	snop;
	(pc) =	sbr.ind lr, $3  }
0x3a: {  	_ = 	snop  }
0x3b: {  	_ = 	snop  }
0x3c: {  	p2 =	seq.s32 s10, $0x1;
	s10 =	sld [smem:$0x3FB5]  }
0x3d: {  	_ =	shalt  }
0x3e: {  	_ =	shalt  }
0x3f: {  	_ =	shalt  }
0x40: {  	_ =	shalt  }
0x41: {  	_ =	shalt  }
0x42: {  	_ =	shalt  }
0x43: {  	_ =	shalt  }
0x44: {  	_ =	shalt  }
0x45: {  	_ =	shalt  }
0x46: {  	_ =	shalt  }
0x47: {  	_ =	shalt  }
0x48: {  	_ =	shalt  }
0x49: {  	_ =	shalt  }
0x4a: {  	_ =	shalt  }
0x4b: {  	_ =	shalt  }
0x4c: {  	_ =	shalt  }
0x4d: {  	_ =	shalt  }
0x4e: {  	_ =	shalt  }
0x4f: {  	_ =	shalt  }
0x50: {  	_ =	shalt  }
0x51: {  	_ =	shalt  }
0x52: {  	_ =	shalt  }
0x53: {  	_ =	shalt  }
0x54: {  	_ =	shalt  }
0x55: {  	_ =	shalt  }
0x56: {  	_ =	shalt  }
0x57: {  	_ =	shalt  }
0x58: {  	_ =	shalt  }
0x59: {  	_ =	shalt  }
0x5a: {  	_ =	shalt  }
0x5b: {  	_ =	shalt  }
0x5c: {  	_ =	shalt  }
0x5d: {  	_ =	shalt  }
0x5e: {  	_ =	shalt  }
0x5f: {  	_ =	shalt  }
0x60: {  	_ =	shalt  }
0x61: {  	_ =	shalt  }
0x62: {  	_ =	shalt  }
0x63: {  	_ =	shalt  }
0x64: {  	_ =	shalt  }
0x65: {  	_ =	shalt  }
0x66: {  	_ =	shalt  }
0x67: {  	_ =	shalt  }
0x68: {  	_ =	shalt  }
0x69: {  	_ =	shalt  }
0x6a: {  	_ =	shalt  }
0x6b: {  	_ =	shalt  }
0x6c: {  	_ =	shalt  }
0x6d: {  	_ =	shalt  }
0x6e: {  	_ =	shalt  }
0x6f: {  	_ =	shalt  }
0x70: {  	_ =	shalt  }
0x71: {  	_ =	shalt  }
0x72: {  	_ =	shalt  }
0x73: {  	_ =	shalt  }
0x74: {  	_ =	shalt  }
0x75: {  	_ =	shalt  }
0x76: {  	_ =	shalt  }
0x77: {  	_ =	shalt  }
0x78: {  	_ =	shalt  }
0x79: {  	_ =	shalt  }
0x7a: {  	_ =	shalt  }
0x7b: {  	_ =	shalt  }
0x7c: {  	_ =	shalt  }
0x7d: {  	_ =	shalt  }
0x7e: {  	_ =	shalt  }
0x7f: {  	_ =	shalt  }
0x80: {  	_ =	shalt  }
0x81: {  	_ =	shalt  }
0x82: {  	_ =	shalt  }
0x83: {  	_ =	shalt  }
0x84: {  	_ =	shalt  }
0x85: {  	_ =	shalt  }
0x86: {  	_ =	shalt  }
0x87: {  	_ =	shalt  }
.Lfunc_end0:
.L_simem_size_0:
called_computation.1_lowered:
.L_overlay_start_0:
0x88: {  	s2 =	sld [smem:$0x3FD9]  }
0x89: {  	s3 =	sld [smem:$0x3FFE];
	_ =	sdelay $0x1  }
0x8a: {  	s1 =	srdreg.scid  }
0x8b: {  	s0 =	sand.u32 $0x1, s1  }
0x8c: {  	s17 =	sshll.u32 s0, $0xA;
	s2 =	sadd.s32 s3, s2  }
0x8d: {  	s2 =	sadd.s32 s2, s17  }
0x8e: {  	[smem:$0x3FC1] =	sst s2  }
0x8f: {  	_ = 	snop  }
0x90: {  	s2 =	sld [smem:$0x3FD0];
	(tm) =	ssettm $0x1  }
0x91: {  	s18 =	sld [smem:$0x3FFB];
	_ =	sdelay $0x3  }
0x92: {  	_ =	strace s18  }
0x93: {  	s3 =	sld [smem:$0x3FFC];
	_ =	sdelay $0x3  }
0x94: {  	_ =	strace s3  }
0x95: {  	s3 =	sld [smem:$0x3FFD];
	_ =	sdelay $0x3  }
0x96: {  	_ =	strace s3  }
0x97: {  	_ =	strace $0x8FFFFFFF  }
0x98: {  	s19 =	sld [smem:$0x3FDB];
	_ =	sdelay $0x1  }
0x99: {  	s4 =	simm.s32 $_scs_section_size  }
0x9a: {  	s5 =	simm.s32 $_size__tile_overlayer_lowered;
	s6 =	simm.s32 $_tile_overlayer_lowered  }
0x9b: {  	s22 =	simm.s32 $0x1BFF;
	s21 =	sshll.u32 s6, $0x1;
	s3 =	sadd.s32 s4, s19  }
0x9c: {  	s7 =	simm.s32 $0x0;
	s20 =	sshll.u32 s5, $0x1;
	s5 =	sadd.s32 s21, s3  }
0x9d: {  	[timem:s7], [sflag:s22] =	dma.local [hbm:s5], s20  }
0x9e: {  	_ =	swait.ge [sflag:s22], s20  }
0x9f: {  	s4 =	ssub.s32 $0x0, s20;
	[sflag:s22] =	ssyncset.done $0x0  }
0xa0: {  	[sflag:s22] =	ssyncadd.s32 s4;
	_ =	sdelay $0x1  }
0xa1: {  	s23 =	simm.s32 $0x1B8B  }
0xa2: {  	_ =	swait.ge [sflag:s23], $0x1  }
0xa3: {  	[sflag:s23] =	ssyncset.done $0x0  }
0xa4: {  	s25 =	simm.s32 $0x1B8E;
	s24 =	sld [smem:$0x3FFE];
	[sflag:s23] =	ssyncadd.s32 $0xFFFFFFFF  }
0xa5: {  	s26 =	simm.s32 $execute0_lowered;
	[smem:$0x3FD2] =	sst s25  }
0xa6: {  	s5 =	sshll.u32 s26, $0x1;
	_ =	strace $0x80000049;
	[dreg:$0x1] =	wrdreg $0xFFFFFFFF  }
0xa7: {  	s28 =	simm.s32 $_size_execute0_lowered;
	s3 =	sadd.s32 s3, s5;
	[dreg:$0x0] =	wrdreg $0x0  }
0xa8: {  	s5 =	sshll.u32 s28, $0x1;
	[dreg:$0x2] =	wrdreg s3  }
0xa9: {  	[dreg:$0x3] =	wrdreg s5  }
0xaa: {  	[dreg:$0x4] =	wrdreg $0xC0  }
0xab: {  	_ =	task [dreg:s7], $0x5FFFF  }
0xac: {  	[dreg:$0x1] =	wrdreg $0xFFFFFFFF  }
0xad: {  	[dreg:$0x0] =	wrdreg $0x60  }
0xae: {  	[dreg:$0x2] =	wrdreg s2  }
0xaf: {  	[dreg:$0x3] =	wrdreg s24  }
0xb0: {  	[dreg:$0x4] =	wrdreg $0xB6800  }
0xb1: {  	[dreg:$0x5] =	wrdreg $0x9  }
0xb2: {  	_ =	task.clear_ibuf [dreg:s7], $0x6FFFF;
	_ =	strace $0x90000049  }
0xb3: {  	s29 =	simm.s32 $0x9;
	_ =	strace $0x8000004B  }
0xb4: {  	_ =	swait.ge [sflag:s29], $0x1  }
0xb5: {  	[sflag:s29] =	ssyncadd.s32 $0xFFFFFFFF  }
0xb6: {  	_ =	strace $0x9000004B  }
0xb7: {  	_ =	sfence  }
0xb8: {  	s30 =	sld [smem:$0x0];
	_ =	sdelay $0x2  }
0xb9: {  	s31 =	sshll.u32 s1, $0xD;
	s1 =	sshrl.u32 s1, $0x2  }
0xba: {  	s3 =	sand.u32 $0x4000, s31;
	s1 =	sadd.s32 s1, s30  }
0xbb: {  	s0 =	sor.u32 s3, s0;
	s1 =	sshll.u32 s1, $0x11  }
0xbc: {  	s0 =	sor.u32 s1, s0  }
0xbd: {  	s0 =	sadd.s32 $0x8F2B, s0  }
0xbe: {  	[sflag:s0] =	ssyncadd.remote.s32 $0x1  }
0xbf: {  	_ =	sfence.sel $0xFFFF  }
0xc0: {  	[dreg:$0x0] =	wrdreg $0xFFFFFFFF;
	(pc) =	sbr.abs _section_cstart, $3  }
0xc1: {  	[dreg:$0x1] =	wrdreg $0xFFFFFFFF  }
0xc2: {  	_ =	task.clear_ibuf [dreg:s7], $0x2FFFF;
	_ =	strace $0x9FFFFFFF  }
0xc3: {  	(tm) =	ssettm $0x7FFFFFFF  }
tec
execute0_lowered:
.L_overlay_start_1:
0x0: {  	(tag) =	ssettag $0x1  }
0x1: {  	s1 =	rddreg [dreg:$0x0]  }
0x2: {  	s5 =	rddreg [dreg:$0x1]  }
0x3: {  	s3 =	rddreg [dreg:$0x2]  }
0x4: {  	s0 =	rddreg [dreg:$0x3];
	s4 =	srdreg.scid  }
0x5: {  	s2 =	stileid.u32;
	s15 =	simm.s32 $0x7680;
	s16 =	simm.s32 $0x2  }
0x6: {  	s17 =	simm.s32 $0x2780;
	s18 =	simm.s32 $0x4F00;
	s19 =	simm.s32 $0x80  }
0x7: {  	s20 =	simm.s32 $0x1;
	s6 =	sand.u32 $0x1, s4;
	s8 =	smul.u32 $0x13880, s2  }
0x8: {  	s7 =	sshll.u32 s2, $0x1;
	s4 =	simm.s32 $0x0;
	s10 =	smul.u32 $0x4E200, s2  }
0x9: {  	s7 =	sor.u32 s6, s7;
	s9 =	smul.u32 $0x138800, s6;
	[smem:$0x7FF] =	sst s4  }
0xa: {  	s6 =	ssub.s32 $0x2, s6;
	s7 =	smul.u32 $0x4F0, s7;
	_ =	strace $0x8000004A  }
0xb: {  	s29 =	sshrl.u32 s6, $0x1;
	s30 =	sshrl.u32 s10, $0x2;
	s9 =	sadd.s32 s8, s9  }
0xc: {  	s14 =	ssub.s32 s6, s29;
	s31 =	sadd.s32 s30, s3;
	s12 =	sadd.s32 s7, s5  }
0xd: {  	s28 =	sshrl.u32 s9, $0x3;
	s6 =	sadd.s32 $0x4000, s31;
	s7 =	sadd.s32 $0x8000, s31  }
0xe: {  	s9 =	sadd.s32 $0x10000, s31;
	s14 =	smax.u32 s14, $0x1;
	s13 =	sadd.s32 s28, s5  }
0xf: {  	v1 =	vimm.s32 $0x0;
	vm0 =	vcmask $0x300;
	s5 =	sadd.s32 s8, s3;
	s8 =	sadd.s32 $0xC000, s31;
	s10 =	sadd.s32 $0x16600, s12  }
0x10: {  	v0 =	vimm.f32 $0.0e+00;
	v1 =	vsel vm0, $0x3, v1;
	s11 =	sadd.s32 $0xC800, s12;
	s12 =	sadd.s32 $0x2A00, s12;
	s13 =	sadd.s32 $0x20400, s13  }
.LBB2_1:
0x11: {  	s21 =	simm.s32 $0x0;
	s22 =	simm.s32 $0x200  }
.LBB2_2:
0x12: {  	p0 =	sne.s32 s22, $0xFE00;
	[tilespmem:s21+$0x76F0] =	vst v0  }
0x13: {  	[tilespmem:s21+$0x7680] =	vst v0  }
0x14: {  	[tilespmem:s21+$0x7690] =	vst v0  }
.Ltmp0:
0x15: {  	[tilespmem:s21+$0x76A0] =	vst v0;
	(pc) =	sbr.rel @p0 .LBB2_2-.Ltmp0, $4  }
0x16: {  	[tilespmem:s21+$0x76B0] =	vst v0  }
0x17: {  	[tilespmem:s21+$0x76C0] =	vst v0  }
0x18: {  	[tilespmem:s21+$0x76D0] =	vst v0  }
0x19: {  	[tilespmem:s21+$0x76E0] =	vst v0;
	s21 =	sshra.s32 s22, $0x2;
	s22 =	sadd.s32 $0x200, s22  }
0x1a: {  	[tilespmem:s21+$0x76F0] =	vst v0  }
0x1b: {  	[tilespmem:s21+$0x7680] =	vst v0  }
0x1c: {  	[tilespmem:s21+$0x7690] =	vst v0  }
0x1d: {  	[tilespmem:s21+$0x76A0] =	vst v0  }
0x1e: {  	[tilespmem:s21+$0x76B0] =	vst v0  }
0x1f: {  	[tilespmem:s21+$0x76C0] =	vst v0  }
0x20: {  	[tilespmem:s21+$0x76D0] =	vst v0  }
0x21: {  	[tilespmem:s21+$0x76E0] =	vst v0  }
0x22: {  	[spmem:s5] =	stream.linear.scatter [tilespmem:s15], [sflag:$0x2], $0x4000, $0x38;
	[tilespmem:$0x1EF00] =	vst v63  }
0x23: {  	_ =	swait.ge [sflag:s16], $0x4000  }
0x24: {  	[sflag:s16] =	ssyncset.done $0x0  }
0x25: {  	[sflag:s16] =	ssyncadd.s32 $0xFFFFC000  }
0x26: {  	[spmem:s6] =	stream.linear.scatter [tilespmem:s15], [sflag:$0x2], $0x4000, $0x38;
	[tilespmem:$0x1EF00] =	vst v63  }
0x27: {  	_ =	swait.ge [sflag:s16], $0x4000  }
0x28: {  	[sflag:s16] =	ssyncset.done $0x0  }
0x29: {  	[sflag:s16] =	ssyncadd.s32 $0xFFFFC000  }
0x2a: {  	[spmem:s7] =	stream.linear.scatter [tilespmem:s15], [sflag:$0x2], $0x4000, $0x38;
	[tilespmem:$0x1EF00] =	vst v63  }
0x2b: {  	_ =	swait.ge [sflag:s16], $0x4000  }
0x2c: {  	[sflag:s16] =	ssyncset.done $0x0  }
0x2d: {  	[sflag:s16] =	ssyncadd.s32 $0xFFFFC000  }
0x2e: {  	[spmem:s8] =	stream.linear.scatter [tilespmem:s15], [sflag:$0x2], $0x4000, $0x38;
	[tilespmem:$0x1EF00] =	vst v63  }
0x2f: {  	_ =	swait.ge [sflag:s16], $0x4000  }
0x30: {  	[sflag:s16] =	ssyncset.done $0x0  }
0x31: {  	[sflag:s16] =	ssyncadd.s32 $0xFFFFC000  }
0x32: {  	[spmem:s9] =	stream.linear.scatter [tilespmem:s15], [sflag:$0x2], $0x3880, $0x38;
	[tilespmem:$0x1EF00] =	vst v63  }
0x33: {  	_ =	swait.ge [sflag:s16], $0x3880  }
0x34: {  	[sflag:s16] =	ssyncset.done $0x0  }
0x35: {  	s21 =	simm.s32 $0x0;
	[sflag:s16] =	ssyncadd.s32 $0xFFFFC780  }
0x36: {  	[tilespmem:s21], [sflag:$0x2] =	stream.linear.gather [hbm4b:s10+s21], $0x2780, $0x38;
	[tilespmem:$0x1EF00] =	vst v63  }
0x37: {  	_ =	swait.ge [sflag:s16], $0x2780  }
0x38: {  	[sflag:s16] =	ssyncset.done $0x0  }
0x39: {  	[sflag:s16] =	ssyncadd.s32 $0xFFFFD880  }
0x3a: {  	[tilespmem:s17], [sflag:$0x2] =	stream.linear.gather [hbm4b:s11+s21], $0x2780, $0x38;
	[tilespmem:$0x1EF00] =	vst v63  }
0x3b: {  	_ =	swait.ge [sflag:s16], $0x2780  }
0x3c: {  	[sflag:s16] =	ssyncset.done $0x0  }
0x3d: {  	[sflag:s16] =	ssyncadd.s32 $0xFFFFD880  }
0x3e: {  	[tilespmem:s18], [sflag:$0x2] =	stream.linear.gather [hbm4b:s12+s21], $0x2780, $0x38;
	[tilespmem:$0x1EF00] =	vst v63  }
0x3f: {  	_ =	swait.ge [sflag:s16], $0x2780  }
0x40: {  	[sflag:s16] =	ssyncset.done $0x0  }
0x41: {  	[sflag:s16] =	ssyncadd.s32 $0xFFFFD880  }
0x42: {  	[bflag:$0x0] =	sbarrier.arrive $0xFFFF  }
.LBB2_4:
0x43: {  	s22 =	simm.s32 $0x0  }
0x44: {  	v2 =	vmov s22  }
0x45: {  	s22 =	sshll.u32 s21, $0x7;
	v3 =	vshrl.u32 v2, $0x3  }
0x46: {  	v2 =	vmov s22;
	v3 =	vshll.u32 v3, v1  }
0x47: {  	v3 =	vadd.s32 v2, v3  }
0x48: {  	v3 =	vbroadcast v3, $0x0  }
0x49: {  	[tilespmem:s15], [sflag:$0x1] =	stream.indirect.gather [hbm4b:s1+s19], $0x80, s22, s19, $0xb8;
	[tilespmem:$0x1EF00] =	vst v63  }
0x4a: {  	_ =	swait.ge [sflag:s20], $0x4000  }
0x4b: {  	[sflag:s20] =	ssyncset.done $0x0  }
0x4c: {  	s23 =	simm.s32 $0x7880;
	[sflag:s20] =	ssyncadd.s32 $0xFFFFC000  }
0x4d: {  	v5 =	vld [tilespmem:s23+$0xFFFFFE70]  }
0x4e: {  	v6 =	vld.idx.msk [tilespmem:v3+s18+$0x0], $0xffff  }
0x4f: {  	v3 =	vld [tilespmem:s23+$0xFFFFFE00]  }
0x50: {  	v7 =	vld [tilespmem:s23+$0xFFFFFE20]  }
0x51: {  	v8 =	vld [tilespmem:s23+$0xFFFFFE30]  }
0x52: {  	s24 =	simm.s32 $0x1;
	v4 =	vld [tilespmem:s23+$0xFFFFFE50]  }
0x53: {  	v11 =	vmov s24;
	v10 =	vld [tilespmem:s23+$0xFFFFFE10];
	v5 =	vmul.f32 v5, v6  }
0x54: {  	v11 =	vshrl.u32 v11, $0x3;
	v9 =	vld [tilespmem:s23+$0xFFFFFE60];
	v13 =	vmul.f32 v3, v6  }
0x55: {  	v12 =	vld [tilespmem:s23+$0xFFFFFE40];
	v3 =	vor.u32 $0x1, v2;
	v7 =	vmul.f32 v7, v6;
	[tilespmem:s23+$0xFFFFFE70] =	vst v5;
	v5 =	vshll.u32 v11, v1  }
0x56: {  	v8 =	vmul.f32 v8, v6;
	[tilespmem:s23+$0xFFFFFE00] =	vst v13;
	v5 =	vadd.s32 v5, v3  }
0x57: {  	v4 =	vmul.f32 v4, v6;
	[tilespmem:s23+$0xFFFFFE20] =	vst v7;
	v5 =	vbroadcast v5, $0x0  }
0x58: {  	v7 =	vmul.f32 v10, v6;
	[tilespmem:s23+$0xFFFFFE30] =	vst v8  }
0x59: {  	v8 =	vmul.f32 v9, v6;
	[tilespmem:s23+$0xFFFFFE50] =	vst v4  }
0x5a: {  	v4 =	vmul.f32 v12, v6;
	[tilespmem:s23+$0xFFFFFE10] =	vst v7  }
0x5b: {  	[tilespmem:s23+$0xFFFFFE60] =	vst v8  }
0x5c: {  	[tilespmem:s23+$0xFFFFFE40] =	vst v4;
	v4 =	vld [tilespmem:s23+$0xFFFFFE80]  }
0x5d: {  	v5 =	vld.idx.msk [tilespmem:v5+s18+$0x0], $0xffff  }
0x5e: {  	v7 =	vld [tilespmem:s23+$0xFFFFFEE0]  }
0x5f: {  	v8 =	vld [tilespmem:s23+$0xFFFFFE90]  }
0x60: {  	v9 =	vld [tilespmem:s23+$0xFFFFFED0]  }
0x61: {  	s28 =	simm.s32 $0x2;
	v6 =	vld [tilespmem:s23+$0xFFFFFEF0]  }
0x62: {  	v10 =	vld [tilespmem:s23+$0xFFFFFEB0];
	v12 =	vmul.f32 v4, v5;
	v4 =	vmov s28  }
0x63: {  	v13 =	vld [tilespmem:s23+$0xFFFFFEC0];
	v7 =	vmul.f32 v7, v5;
	v14 =	vshrl.u32 v4, $0x3  }
0x64: {  	v11 =	vld [tilespmem:s23+$0xFFFFFEA0];
	v8 =	vmul.f32 v8, v5;
	v4 =	vor.u32 $0x2, v2;
	[tilespmem:s23+$0xFFFFFE80] =	vst v12;
	v12 =	vshll.u32 v14, v1  }
0x65: {  	v9 =	vmul.f32 v9, v5;
	[tilespmem:s23+$0xFFFFFEE0] =	vst v7;
	v7 =	vadd.s32 v12, v4  }
0x66: {  	v6 =	vmul.f32 v6, v5;
	[tilespmem:s23+$0xFFFFFE90] =	vst v8;
	v7 =	vbroadcast v7, $0x0  }
0x67: {  	v8 =	vmul.f32 v10, v5;
	[tilespmem:s23+$0xFFFFFED0] =	vst v9  }
0x68: {  	v9 =	vmul.f32 v13, v5;
	[tilespmem:s23+$0xFFFFFEF0] =	vst v6  }
0x69: {  	v5 =	vmul.f32 v11, v5;
	[tilespmem:s23+$0xFFFFFEB0] =	vst v8  }
0x6a: {  	[tilespmem:s23+$0xFFFFFEC0] =	vst v9  }
0x6b: {  	v6 =	vld [tilespmem:s23+$0xFFFFFF10];
	[tilespmem:s23+$0xFFFFFEA0] =	vst v5  }
0x6c: {  	v5 =	vld.idx.msk [tilespmem:v7+s18+$0x0], $0xffff  }
0x6d: {  	v7 =	vld [tilespmem:s23+$0xFFFFFF40]  }
0x6e: {  	v8 =	vld [tilespmem:s23+$0xFFFFFF20]  }
0x6f: {  	v9 =	vld [tilespmem:s23+$0xFFFFFF50]  }
0x70: {  	s29 =	simm.s32 $0x3;
	v10 =	vld [tilespmem:s23+$0xFFFFFF00]  }
0x71: {  	v11 =	vld [tilespmem:s23+$0xFFFFFF30];
	v12 =	vmul.f32 v6, v5;
	v6 =	vmov s29  }
0x72: {  	v13 =	vld [tilespmem:s23+$0xFFFFFF70];
	v7 =	vmul.f32 v7, v5;
	v14 =	vshrl.u32 v6, $0x3  }
0x73: {  	v15 =	vld [tilespmem:s23+$0xFFFFFF60];
	v8 =	vmul.f32 v8, v5;
	v6 =	vor.u32 $0x3, v2;
	[tilespmem:s23+$0xFFFFFF10] =	vst v12;
	v12 =	vshll.u32 v14, v1  }
0x74: {  	v9 =	vmul.f32 v9, v5;
	[tilespmem:s23+$0xFFFFFF40] =	vst v7;
	v7 =	vadd.s32 v12, v6  }
0x75: {  	v10 =	vmul.f32 v10, v5;
	[tilespmem:s23+$0xFFFFFF20] =	vst v8;
	v7 =	vbroadcast v7, $0x0  }
0x76: {  	v8 =	vmul.f32 v11, v5;
	[tilespmem:s23+$0xFFFFFF50] =	vst v9  }
0x77: {  	v9 =	vmul.f32 v13, v5;
	[tilespmem:s23+$0xFFFFFF00] =	vst v10  }
0x78: {  	v5 =	vmul.f32 v15, v5;
	[tilespmem:s23+$0xFFFFFF30] =	vst v8  }
0x79: {  	[tilespmem:s23+$0xFFFFFF70] =	vst v9  }
0x7a: {  	[tilespmem:s23+$0xFFFFFF60] =	vst v5  }
0x7b: {  	v5 =	vld.idx.msk [tilespmem:v7+s18+$0x0], $0xffff  }
0x7c: {  	v7 =	vld [tilespmem:s23+$0xFFFFFF90]  }
0x7d: {  	v8 =	vld [tilespmem:s23+$0xFFFFFFE0]  }
0x7e: {  	v10 =	vld [tilespmem:s23+$0xFFFFFF80]  }
0x7f: {  	v11 =	vld [tilespmem:s23+$0xFFFFFFD0]  }
0x80: {  	s30 =	simm.s32 $0x4;
	v9 =	vld [tilespmem:s23+$0xFFFFFFF0]  }
0x81: {  	v14 =	vmov s30;
	v12 =	vld [tilespmem:s23+$0xFFFFFFA0];
	v7 =	vmul.f32 v7, v5  }
0x82: {  	v15 =	vld [tilespmem:s23+$0xFFFFFFC0];
	v14 =	vshrl.u32 v14, $0x3;
	v16 =	vmul.f32 v8, v5  }
0x83: {  	v13 =	vld [tilespmem:s23+$0xFFFFFFB0];
	v8 =	vor.u32 $0x4, v2;
	v10 =	vmul.f32 v10, v5;
	[tilespmem:s23+$0xFFFFFF90] =	vst v7;
	v7 =	vshll.u32 v14, v1  }
0x84: {  	v11 =	vmul.f32 v11, v5;
	[tilespmem:s23+$0xFFFFFFE0] =	vst v16;
	v7 =	vadd.s32 v7, v8  }
0x85: {  	v9 =	vmul.f32 v9, v5;
	[tilespmem:s23+$0xFFFFFF80] =	vst v10;
	v7 =	vbroadcast v7, $0x0  }
0x86: {  	v10 =	vmul.f32 v12, v5;
	[tilespmem:s23+$0xFFFFFFD0] =	vst v11  }
0x87: {  	v19 =	vld [tilespmem:s23+$0x30];
	v11 =	vmul.f32 v15, v5;
	[tilespmem:s23+$0xFFFFFFF0] =	vst v9  }
0x88: {  	v17 =	vld [tilespmem:s23+$0x20];
	v5 =	vmul.f32 v13, v5;
	[tilespmem:s23+$0xFFFFFFA0] =	vst v10  }
0x89: {  	v12 =	vld [tilespmem:s23+$0x10];
	[tilespmem:s23+$0xFFFFFFC0] =	vst v11  }
0x8a: {  	v16 =	vld [tilespmem:s23+$0x0];
	[tilespmem:s23+$0xFFFFFFB0] =	vst v5  }
0x8b: {  	v10 =	vld.idx.msk [tilespmem:v7+s18+$0x0], $0xffff  }
0x8c: {  	v13 =	vld [tilespmem:s23+$0x50]  }
0x8d: {  	v15 =	vld [tilespmem:s23+$0x40]  }
0x8e: {  	v14 =	vld [tilespmem:s23+$0x60]  }
0x8f: {  	s31 =	simm.s32 $0x5;
	v9 =	vor.u32 $0x5, v2;
	v11 =	vld [tilespmem:s23+$0x70];
	v5 =	vor.u32 $0x7, v2;
	v7 =	vor.u32 $0x6, v2  }
0x90: {  	s25 =	simm.s32 $0x7;
	s26 =	simm.s32 $0xF;
	s24 =	simm.s32 $0x7880;
	v18 =	vmul.f32 v16, v10;
	v16 =	vmul.f32 v19, v10;
	v19 =	vmov s31  }
.LBB2_5:
0x91: {  	p0 =	sne.s32 s26, $0x7F  }
0x92: {  	v12 =	vmul.f32 v12, v10;
	v17 =	vmul.f32 v17, v10;
	v19 =	vshrl.u32 v19, $0x3;
	s23 =	sadd.s32 $0x400, s23;
	s28 =	smov.u32 s26;
	s26 =	sadd.s32 $0x8, s26  }
0x93: {  	v13 =	vmul.f32 v13, v10;
	[tilespmem:s24+$0x0] =	vst v18;
	v15 =	vmul.f32 v15, v10;
	v18 =	vshll.u32 v19, v1  }
0x94: {  	[tilespmem:s24+$0x10] =	vst v12;
	v12 =	vmul.f32 v14, v10;
	v10 =	vmul.f32 v11, v10;
	v11 =	vadd.s32 v18, v9  }
0x95: {  	[tilespmem:s24+$0x20] =	vst v17;
	v11 =	vbroadcast v11, $0x0  }
0x96: {  	[tilespmem:s24+$0x30] =	vst v16  }
0x97: {  	[tilespmem:s24+$0x70] =	vst v10;
	v10 =	vld [tilespmem:s24+$0x80]  }
0x98: {  	[tilespmem:s24+$0x50] =	vst v13;
	v13 =	vld [tilespmem:s24+$0xF0]  }
0x99: {  	[tilespmem:s24+$0x40] =	vst v15;
	v14 =	vld [tilespmem:s24+$0xD0]  }
0x9a: {  	[tilespmem:s24+$0x60] =	vst v12;
	v12 =	vld [tilespmem:s24+$0xA0]  }
0x9b: {  	v11 =	vld.idx.msk [tilespmem:v11+s18+$0x0], $0xffff  }
0x9c: {  	v15 =	vld [tilespmem:s24+$0xC0]  }
0x9d: {  	v16 =	vld [tilespmem:s24+$0xB0]  }
0x9e: {  	v17 =	vld [tilespmem:s24+$0x90]  }
0x9f: {  	v18 =	vld [tilespmem:s24+$0xE0]  }
0xa0: {  	s29 =	sadd.s32 $0xFFFFFFFF, s25  }
0xa1: {  	v19 =	vmov s29;
	v10 =	vmul.f32 v10, v11;
	v15 =	vmul.f32 v15, v11  }
0xa2: {  	v19 =	vshrl.u32 v19, $0x3;
	v12 =	vmul.f32 v12, v11;
	v16 =	vmul.f32 v16, v11  }
0xa3: {  	v14 =	vmul.f32 v14, v11;
	[tilespmem:s24+$0x80] =	vst v10;
	v10 =	vmul.f32 v17, v11;
	v17 =	vshll.u32 v19, v1  }
0xa4: {  	[tilespmem:s24+$0xC0] =	vst v15;
	v15 =	vmul.f32 v18, v11;
	v11 =	vmul.f32 v13, v11;
	v13 =	vadd.s32 v17, v7  }
0xa5: {  	[tilespmem:s24+$0xA0] =	vst v12;
	v12 =	vbroadcast v13, $0x0  }
0xa6: {  	[tilespmem:s24+$0xD0] =	vst v14  }
0xa7: {  	[tilespmem:s24+$0xF0] =	vst v11;
	v11 =	vld [tilespmem:s24+$0x100]  }
0xa8: {  	[tilespmem:s24+$0xB0] =	vst v16;
	v13 =	vld [tilespmem:s24+$0x160]  }
0xa9: {  	[tilespmem:s24+$0xE0] =	vst v15;
	v14 =	vld [tilespmem:s24+$0x150]  }
0xaa: {  	[tilespmem:s24+$0x90] =	vst v10;
	v10 =	vld [tilespmem:s24+$0x130]  }
0xab: {  	v12 =	vld.idx.msk [tilespmem:v12+s18+$0x0], $0xffff  }
0xac: {  	v15 =	vld [tilespmem:s24+$0x110]  }
0xad: {  	v16 =	vld [tilespmem:s24+$0x120]  }
0xae: {  	v17 =	vld [tilespmem:s24+$0x140]  }
0xaf: {  	v18 =	vld [tilespmem:s24+$0x170];
	_ =	sdelay $0x1  }
0xb0: {  	v19 =	vmov s25;
	s25 =	smov.u32 s28;
	v11 =	vmul.f32 v11, v12;
	v15 =	vmul.f32 v15, v12  }
0xb1: {  	v19 =	vshrl.u32 v19, $0x3;
	v10 =	vmul.f32 v10, v12;
	v16 =	vmul.f32 v16, v12  }
0xb2: {  	v14 =	vmul.f32 v14, v12;
	[tilespmem:s24+$0x100] =	vst v11;
	v11 =	vmul.f32 v17, v12;
	v17 =	vshll.u32 v19, v1  }
0xb3: {  	[tilespmem:s24+$0x130] =	vst v10;
	v10 =	vmul.f32 v13, v12;
	v12 =	vmul.f32 v18, v12;
	v13 =	vadd.s32 v17, v5  }
0xb4: {  	[tilespmem:s24+$0x140] =	vst v11;
	v11 =	vbroadcast v13, $0x0  }
0xb5: {  	[tilespmem:s24+$0x150] =	vst v14  }
0xb6: {  	[tilespmem:s24+$0x160] =	vst v10;
	v10 =	vld [tilespmem:s24+$0x1C0]  }
0xb7: {  	[tilespmem:s24+$0x170] =	vst v12;
	v12 =	vld [tilespmem:s24+$0x180]  }
0xb8: {  	[tilespmem:s24+$0x110] =	vst v15;
	v13 =	vld [tilespmem:s24+$0x1E0]  }
0xb9: {  	[tilespmem:s24+$0x120] =	vst v16;
	v14 =	vld [tilespmem:s24+$0x190]  }
0xba: {  	v11 =	vld.idx.msk [tilespmem:v11+s18+$0x0], $0xffff  }
0xbb: {  	v15 =	vld [tilespmem:s24+$0x1B0]  }
0xbc: {  	v16 =	vld [tilespmem:s24+$0x1A0]  }
0xbd: {  	v17 =	vld [tilespmem:s24+$0x1D0]  }
0xbe: {  	v18 =	vld [tilespmem:s24+$0x1F0]  }
0xbf: {  	s28 =	sadd.s32 $0xFFFFFFF9, s25  }
0xc0: {  	v19 =	vmov s28;
	v12 =	vmul.f32 v12, v11;
	v14 =	vmul.f32 v14, v11  }
0xc1: {  	v19 =	vshrl.u32 v19, $0x3;
	v15 =	vmul.f32 v15, v11;
	v16 =	vmul.f32 v16, v11  }
0xc2: {  	v19 =	vshll.u32 v19, v1;
	v10 =	vmul.f32 v10, v11;
	[tilespmem:s24+$0x180] =	vst v12;
	v12 =	vmul.f32 v17, v11  }
0xc3: {  	v13 =	vmul.f32 v13, v11;
	v17 =	vadd.s32 v2, v19;
	[tilespmem:s24+$0x190] =	vst v14;
	v11 =	vmul.f32 v18, v11  }
0xc4: {  	v14 =	vbroadcast v17, $0x0;
	[tilespmem:s24+$0x1C0] =	vst v10  }
0xc5: {  	[tilespmem:s24+$0x1D0] =	vst v12  }
0xc6: {  	v10 =	vld [tilespmem:s23+$0xFFFFFE50];
	[tilespmem:s24+$0x1E0] =	vst v13  }
0xc7: {  	v12 =	vld [tilespmem:s23+$0xFFFFFE30];
	[tilespmem:s24+$0x1B0] =	vst v15  }
0xc8: {  	v13 =	vld [tilespmem:s23+$0xFFFFFE60];
	[tilespmem:s24+$0x1A0] =	vst v16  }
0xc9: {  	v15 =	vld [tilespmem:s23+$0xFFFFFE70];
	[tilespmem:s24+$0x1F0] =	vst v11;
	s24 =	smov.u32 s23  }
0xca: {  	v11 =	vld.idx.msk [tilespmem:v14+s18+$0x0], $0xffff  }
0xcb: {  	v14 =	vld [tilespmem:s23+$0xFFFFFE00]  }
0xcc: {  	v16 =	vld [tilespmem:s23+$0xFFFFFE20]  }
0xcd: {  	v17 =	vld [tilespmem:s23+$0xFFFFFE10]  }
0xce: {  	v18 =	vld [tilespmem:s23+$0xFFFFFE40]  }
0xcf: {  	s28 =	sadd.s32 $0xFFFFFFFA, s25  }
0xd0: {  	v19 =	vmov s28;
	v15 =	vmul.f32 v15, v11;
	v14 =	vmul.f32 v14, v11  }
0xd1: {  	v19 =	vshrl.u32 v19, $0x3;
	v13 =	vmul.f32 v13, v11;
	v16 =	vmul.f32 v16, v11  }
0xd2: {  	v12 =	vmul.f32 v12, v11;
	v17 =	vmul.f32 v17, v11;
	[tilespmem:s23+$0xFFFFFE70] =	vst v15;
	v15 =	vshll.u32 v19, v1  }
0xd3: {  	v10 =	vmul.f32 v10, v11;
	[tilespmem:s23+$0xFFFFFE00] =	vst v14;
	v14 =	vmul.f32 v18, v11;
	v11 =	vadd.s32 v15, v3  }
0xd4: {  	[tilespmem:s23+$0xFFFFFE20] =	vst v16;
	v11 =	vbroadcast v11, $0x0  }
0xd5: {  	[tilespmem:s23+$0xFFFFFE30] =	vst v12  }
0xd6: {  	[tilespmem:s23+$0xFFFFFE50] =	vst v10;
	v10 =	vld [tilespmem:s23+$0xFFFFFEF0]  }
0xd7: {  	[tilespmem:s23+$0xFFFFFE10] =	vst v17;
	v12 =	vld [tilespmem:s23+$0xFFFFFED0]  }
0xd8: {  	[tilespmem:s23+$0xFFFFFE60] =	vst v13;
	v13 =	vld [tilespmem:s23+$0xFFFFFEB0]  }
0xd9: {  	[tilespmem:s23+$0xFFFFFE40] =	vst v14;
	v14 =	vld [tilespmem:s23+$0xFFFFFEE0]  }
0xda: {  	v11 =	vld.idx.msk [tilespmem:v11+s18+$0x0], $0xffff  }
0xdb: {  	v15 =	vld [tilespmem:s23+$0xFFFFFE80]  }
0xdc: {  	v16 =	vld [tilespmem:s23+$0xFFFFFE90]  }
0xdd: {  	v17 =	vld [tilespmem:s23+$0xFFFFFEA0]  }
0xde: {  	v18 =	vld [tilespmem:s23+$0xFFFFFEC0]  }
0xdf: {  	s28 =	sadd.s32 $0xFFFFFFFB, s25  }
0xe0: {  	v19 =	vmov s28;
	v14 =	vmul.f32 v14, v11;
	v15 =	vmul.f32 v15, v11  }
0xe1: {  	v19 =	vshrl.u32 v19, $0x3;
	v13 =	vmul.f32 v13, v11;
	v16 =	vmul.f32 v16, v11  }
0xe2: {  	v12 =	vmul.f32 v12, v11;
	[tilespmem:s23+$0xFFFFFE80] =	vst v15;
	v15 =	vmul.f32 v17, v11;
	v17 =	vshll.u32 v19, v1  }
0xe3: {  	v10 =	vmul.f32 v10, v11;
	v18 =	vmul.f32 v18, v11;
	[tilespmem:s23+$0xFFFFFEE0] =	vst v14;
	v11 =	vadd.s32 v17, v4  }
0xe4: {  	[tilespmem:s23+$0xFFFFFE90] =	vst v16;
	v11 =	vbroadcast v11, $0x0  }
0xe5: {  	[tilespmem:s23+$0xFFFFFED0] =	vst v12  }
0xe6: {  	[tilespmem:s23+$0xFFFFFEF0] =	vst v10;
	v10 =	vld [tilespmem:s23+$0xFFFFFF70]  }
0xe7: {  	[tilespmem:s23+$0xFFFFFEB0] =	vst v13;
	v12 =	vld [tilespmem:s23+$0xFFFFFF50]  }
0xe8: {  	[tilespmem:s23+$0xFFFFFEC0] =	vst v18;
	v13 =	vld [tilespmem:s23+$0xFFFFFF30]  }
0xe9: {  	[tilespmem:s23+$0xFFFFFEA0] =	vst v15;
	v14 =	vld [tilespmem:s23+$0xFFFFFF40]  }
0xea: {  	v11 =	vld.idx.msk [tilespmem:v11+s18+$0x0], $0xffff  }
0xeb: {  	v15 =	vld [tilespmem:s23+$0xFFFFFF10]  }
0xec: {  	v16 =	vld [tilespmem:s23+$0xFFFFFF20]  }
0xed: {  	v17 =	vld [tilespmem:s23+$0xFFFFFF00]  }
0xee: {  	v18 =	vld [tilespmem:s23+$0xFFFFFF60]  }
0xef: {  	s28 =	sadd.s32 $0xFFFFFFFC, s25  }
0xf0: {  	v19 =	vmov s28;
	v14 =	vmul.f32 v14, v11;
	v15 =	vmul.f32 v15, v11  }
0xf1: {  	v19 =	vshrl.u32 v19, $0x3;
	v13 =	vmul.f32 v13, v11;
	v16 =	vmul.f32 v16, v11  }
0xf2: {  	v12 =	vmul.f32 v12, v11;
	v17 =	vmul.f32 v17, v11;
	[tilespmem:s23+$0xFFFFFF10] =	vst v15;
	v15 =	vshll.u32 v19, v1  }
0xf3: {  	v10 =	vmul.f32 v10, v11;
	[tilespmem:s23+$0xFFFFFF40] =	vst v14;
	v14 =	vmul.f32 v18, v11;
	v11 =	vadd.s32 v15, v6  }
0xf4: {  	[tilespmem:s23+$0xFFFFFF20] =	vst v16;
	v11 =	vbroadcast v11, $0x0  }
0xf5: {  	[tilespmem:s23+$0xFFFFFF50] =	vst v12  }
0xf6: {  	[tilespmem:s23+$0xFFFFFF00] =	vst v17;
	v12 =	vld [tilespmem:s23+$0xFFFFFFF0]  }
0xf7: {  	[tilespmem:s23+$0xFFFFFF30] =	vst v13;
	v13 =	vld [tilespmem:s23+$0xFFFFFFD0]  }
0xf8: {  	[tilespmem:s23+$0xFFFFFF70] =	vst v10;
	v10 =	vld [tilespmem:s23+$0xFFFFFFA0]  }
0xf9: {  	[tilespmem:s23+$0xFFFFFF60] =	vst v14;
	v14 =	vld [tilespmem:s23+$0xFFFFFFE0]  }
0xfa: {  	v11 =	vld.idx.msk [tilespmem:v11+s18+$0x0], $0xffff  }
0xfb: {  	v15 =	vld [tilespmem:s23+$0xFFFFFF90]  }
0xfc: {  	v16 =	vld [tilespmem:s23+$0xFFFFFF80]  }
0xfd: {  	v17 =	vld [tilespmem:s23+$0xFFFFFFB0]  }
0xfe: {  	v18 =	vld [tilespmem:s23+$0xFFFFFFC0]  }
0xff: {  	s28 =	sadd.s32 $0xFFFFFFFD, s25  }
0x100: {  	v19 =	vmov s28;
	v14 =	vmul.f32 v14, v11;
	v15 =	vmul.f32 v15, v11  }
0x101: {  	v19 =	vshrl.u32 v19, $0x3;
	v10 =	vmul.f32 v10, v11;
	v16 =	vmul.f32 v16, v11  }
0x102: {  	v13 =	vmul.f32 v13, v11;
	[tilespmem:s23+$0xFFFFFF90] =	vst v15;
	v15 =	vmul.f32 v17, v11;
	v17 =	vshll.u32 v19, v1  }
0x103: {  	v18 =	vmul.f32 v18, v11;
	[tilespmem:s23+$0xFFFFFFE0] =	vst v14;
	v11 =	vmul.f32 v12, v11;
	v12 =	vadd.s32 v17, v8  }
0x104: {  	[tilespmem:s23+$0xFFFFFF80] =	vst v16;
	v14 =	vbroadcast v12, $0x0  }
0x105: {  	[tilespmem:s23+$0xFFFFFFD0] =	vst v13  }
0x106: {  	[tilespmem:s23+$0xFFFFFFF0] =	vst v11;
	v12 =	vld [tilespmem:s23+$0x10]  }
0x107: {  	[tilespmem:s23+$0xFFFFFFA0] =	vst v10;
	v16 =	vld [tilespmem:s23+$0x0]  }
0x108: {  	[tilespmem:s23+$0xFFFFFFC0] =	vst v18;
	v11 =	vld [tilespmem:s23+$0x70]  }
0x109: {  	[tilespmem:s23+$0xFFFFFFB0] =	vst v15;
	v17 =	vld [tilespmem:s23+$0x20]  }
0x10a: {  	v10 =	vld.idx.msk [tilespmem:v14+s18+$0x0], $0xffff  }
0x10b: {  	v19 =	vld [tilespmem:s23+$0x30]  }
.Ltmp1:
0x10c: {  	v13 =	vld [tilespmem:s23+$0x50];
	(pc) =	sbr.rel @p0 .LBB2_5-.Ltmp1, $4  }
0x10d: {  	v15 =	vld [tilespmem:s23+$0x40]  }
0x10e: {  	v14 =	vld [tilespmem:s23+$0x60]  }
0x10f: {  	s28 =	sadd.s32 $0xFFFFFFFE, s25  }
0x110: {  	v18 =	vmul.f32 v16, v10;
	v16 =	vmul.f32 v19, v10;
	v19 =	vmov s28  }
0x111: {  	v3 =	vshrl.u32 v19, $0x3  }
0x112: {  	v2 =	vmul.f32 v12, v10;
	[tilespmem:s24+$0x0] =	vst v18;
	v3 =	vshll.u32 v3, v1  }
0x113: {  	v4 =	vmul.f32 v17, v10;
	[tilespmem:s24+$0x30] =	vst v16;
	v3 =	vadd.s32 v3, v9  }
0x114: {  	v28 =	vmul.f32 v13, v10;
	[tilespmem:s24+$0x10] =	vst v2;
	v3 =	vbroadcast v3, $0x0  }
0x115: {  	v2 =	vmul.f32 v11, v10;
	[tilespmem:s24+$0x20] =	vst v4  }
0x116: {  	v8 =	vmul.f32 v14, v10;
	[tilespmem:s24+$0x50] =	vst v28  }
0x117: {  	[tilespmem:s24+$0x70] =	vst v2;
	v2 =	vmul.f32 v15, v10  }
0x118: {  	[tilespmem:s24+$0x60] =	vst v8  }
0x119: {  	v6 =	vld [tilespmem:s24+$0x80];
	[tilespmem:s24+$0x40] =	vst v2  }
0x11a: {  	v3 =	vld.idx.msk [tilespmem:v3+s18+$0x0], $0xffff  }
0x11b: {  	v29 =	vld [tilespmem:s24+$0xC0]  }
0x11c: {  	v30 =	vld [tilespmem:s24+$0xA0]  }
0x11d: {  	v31 =	vld [tilespmem:s24+$0xD0]  }
0x11e: {  	s23 =	sadd.s32 $0xFFFFFFFF, s25;
	v2 =	vld [tilespmem:s24+$0xF0]  }
0x11f: {  	v32 =	vld [tilespmem:s24+$0xB0];
	v34 =	vmov s23;
	v6 =	vmul.f32 v6, v3  }
0x120: {  	v35 =	vld [tilespmem:s24+$0xE0];
	v12 =	vshrl.u32 v34, $0x3;
	v4 =	vmul.f32 v29, v3  }
0x121: {  	v33 =	vld [tilespmem:s24+$0x90];
	v36 =	vshll.u32 v12, v1;
	v8 =	vmul.f32 v30, v3;
	[tilespmem:s24+$0x80] =	vst v6  }
0x122: {  	v37 =	vadd.s32 v36, v7;
	v9 =	vmul.f32 v31, v3;
	[tilespmem:s24+$0xC0] =	vst v4  }
0x123: {  	v2 =	vmul.f32 v2, v3;
	[tilespmem:s24+$0xA0] =	vst v8;
	v4 =	vbroadcast v37, $0x0  }
0x124: {  	v38 =	vmul.f32 v32, v3;
	[tilespmem:s24+$0xD0] =	vst v9  }
0x125: {  	v39 =	vmul.f32 v35, v3;
	[tilespmem:s24+$0xF0] =	vst v2  }
0x126: {  	v2 =	vmul.f32 v33, v3;
	[tilespmem:s24+$0xB0] =	vst v38  }
0x127: {  	[tilespmem:s24+$0xE0] =	vst v39  }
0x128: {  	v3 =	vld [tilespmem:s24+$0x100];
	[tilespmem:s24+$0x90] =	vst v2  }
0x129: {  	v2 =	vld.idx.msk [tilespmem:v4+s18+$0x0], $0xffff  }
0x12a: {  	v41 =	vld [tilespmem:s24+$0x130]  }
0x12b: {  	v42 =	vld [tilespmem:s24+$0x140]  }
0x12c: {  	v43 =	vld [tilespmem:s24+$0x150]  }
0x12d: {  	v40 =	vld [tilespmem:s24+$0x160]  }
0x12e: {  	v45 =	vld [tilespmem:s24+$0x170];
	v46 =	vmov s25;
	v3 =	vmul.f32 v3, v2  }
0x12f: {  	v44 =	vld [tilespmem:s24+$0x110];
	v11 =	vshrl.u32 v46, $0x3;
	v4 =	vmul.f32 v41, v2  }
0x130: {  	v47 =	vld [tilespmem:s24+$0x120];
	v48 =	vshll.u32 v11, v1;
	[tilespmem:s24+$0x100] =	vst v3;
	v3 =	vmul.f32 v42, v2  }
0x131: {  	v49 =	vadd.s32 v48, v5;
	v8 =	vmul.f32 v43, v2;
	[tilespmem:s24+$0x130] =	vst v4  }
0x132: {  	v50 =	vmul.f32 v40, v2;
	[tilespmem:s24+$0x140] =	vst v3;
	v3 =	vbroadcast v49, $0x0  }
0x133: {  	v51 =	vmul.f32 v45, v2;
	[tilespmem:s24+$0x150] =	vst v8  }
0x134: {  	v52 =	vmul.f32 v44, v2;
	[tilespmem:s24+$0x160] =	vst v50  }
0x135: {  	v2 =	vmul.f32 v47, v2;
	[tilespmem:s24+$0x170] =	vst v51  }
0x136: {  	[tilespmem:s24+$0x110] =	vst v52  }
0x137: {  	v53 =	vld [tilespmem:s24+$0x180];
	[tilespmem:s24+$0x120] =	vst v2  }
0x138: {  	v2 =	vld.idx.msk [tilespmem:v3+s18+$0x0], $0xffff  }
0x139: {  	v3 =	vld [tilespmem:s24+$0x190]  }
0x13a: {  	v54 =	vld [tilespmem:s24+$0x1C0]  }
0x13b: {  	v55 =	vld [tilespmem:s24+$0x1D0]  }
0x13c: {  	v57 =	vld [tilespmem:s24+$0x1B0]  }
0x13d: {  	v58 =	vld [tilespmem:s24+$0x1A0];
	v4 =	vmul.f32 v53, v2  }
0x13e: {  	v56 =	vld [tilespmem:s24+$0x1E0];
	v3 =	vmul.f32 v3, v2  }
0x13f: {  	v59 =	vld [tilespmem:s24+$0x1F0];
	v60 =	vmul.f32 v54, v2;
	[tilespmem:s24+$0x180] =	vst v4  }
0x140: {  	v61 =	vmul.f32 v55, v2;
	[tilespmem:s24+$0x190] =	vst v3  }
0x141: {  	v62 =	vmul.f32 v57, v2;
	[tilespmem:s24+$0x1C0] =	vst v60  }
0x142: {  	v63 =	vmul.f32 v58, v2;
	[tilespmem:s24+$0x1D0] =	vst v61  }
0x143: {  	v3 =	vmul.f32 v56, v2;
	[tilespmem:s24+$0x1B0] =	vst v62  }
0x144: {  	s21 =	sadd.s32 $0x1, s21;
	v2 =	vmul.f32 v59, v2;
	[tilespmem:s24+$0x1A0] =	vst v63  }
0x145: {  	p0 =	sne.s32 s21, $0x4F;
	[tilespmem:s24+$0x1E0] =	vst v3  }
.Ltmp2:
0x146: {  	s22 =	sadd.s32 $0x2780, s22;
	[tilespmem:s24+$0x1F0] =	vst v2;
	(pc) =	sbr.rel @p0 .LBB2_4-.Ltmp2, $4  }
0x147: {  	[spmem:s3] =	stream.indirect.scatter.add.f32 [tilespmem:s15], [sflag:$0x2], $0x80, s22, s19, $0xb8;
	[tilespmem:$0x1EF00] =	vst v63  }
0x148: {  	_ =	swait.ge [sflag:s16], $0x4000  }
0x149: {  	[sflag:s16] =	ssyncset.done $0x0  }
0x14a: {  	[sflag:s16] =	ssyncadd.s32 $0xFFFFC000  }
0x14b: {  	s4 =	sadd.s32 $0x1, s4  }
0x14c: {  	s21 =	sshll.u32 s2, $0x6;
	[bflag:$0x0] =	sbarrier.arrive $0xFFFF;
	p0 =	sne.s32 s4, s14  }
.Ltmp3:
0x14d: {  	s22 =	sshrl.u32 s5, $0x3;
	s21 =	sor.u32 $0x1C02, s21;
	(pc) =	sbr.rel @p0 .LBB2_1-.Ltmp3, $4  }
0x14e: {  	[hbm:s13], [sflag:s21] =	dma.local [spmem:s22], $0x2710  }
0x14f: {  	_ =	swait.ge [sflag:s16], $0x2710  }
0x150: {  	[sflag:s16] =	ssyncset.done $0x0  }
0x151: {  	[sflag:s16] =	ssyncadd.s32 $0xFFFFD8F0  }
0x152: {  	_ =	sfence.sel $0x180000  }
0x153: {  	[bflag:$0x0] =	sbarrier.arrive $0xFFFF  }
0x154: {  	p0 =	sne.s32 s2, $0x0;
	_ =	strace $0x9000004A  }
0x155: {  	s0 =	sadd.s32 @!p0 $0x100000, s0;
	[bflag:$0x2] =	sbarrier.arrive $0xFFFF  }
0x156: {  	[sflag:s0] =	ssyncadd.tile.s32 @!p0 $0x1;
	_ =	shalt  }
.Lfunc_end2:
_tile_overlayer_lowered:
.L_overlay_start_2:
0x157: {  	(tag) =	ssettag $0x2  }
0x158: {  	s0 =	rddreg [dreg:$0x0];
	s2 =	stileid.u32  }
0x159: {  	s1 =	rddreg [dreg:$0x1];
	p0 =	sne.s32 s2, $0x0  }
0x15a: {  	s3 =	rddreg [dreg:$0x2];
	[bflag:$0x3] =	sbarrier.arrive $0xFFFF;
	s2 =	simm.s32 @!p0 $0x1C02  }
0x15b: {  	[timem:s3], [sflag:s2] =	dma.local @!p0 [hbm:s0], s1  }
0x15c: {  	s0 =	simm.s32 @!p0 $0x2  }
0x15d: {  	_ =	swait.ge @!p0 [sflag:s0], s1  }
0x15e: {  	s1 =	ssub.s32 @!p0 $0x0, s1;
	[sflag:s0] =	ssyncset.done @!p0 $0x0  }
0x15f: {  	[sflag:s0] =	ssyncadd.s32 @!p0 s1  }
0x160: {  	[bflag:$0x3] =	sbarrier.arrive $0xFFFF  }
0x161: {  	_ =	shalt  }

// kernel: kernel.14.cloned.1.call-start
scs
__scs_entry_jumppad:
0x0: {  	(pc) =	sbr.rel $0x88, $3  }
0x1: {  	(tag) =	ssettag $0x0;
	lr =	simm.s32 $0x1  }
0x2: {  	[smem:$0x3F9A] =	sst lr;
	_ =	strace $0xD0000000  }
0x3: {  	_ = 	snop  }
0x4: {  	_ = 	snop  }
0x5: {  	_ = 	snop  }
0x6: {  	_ = 	snop  }
0x7: {  	_ = 	snop  }
__scs_overlays_trampoline_lowered:
0x8: {  	[smem:$0x3FA9] =	sst s0  }
0x9: {  	[smem:$0x3FAA] =	sst s1  }
0xa: {  	[smem:$0x3FAB] =	sst s2  }
0xb: {  	[smem:$0x3FAC] =	sst s3  }
0xc: {  	[smem:$0x3FAD] =	sst s4  }
0xd: {  	[smem:$0x3FAE] =	sst s5  }
0xe: {  	[smem:$0x3FAF] =	sst s6  }
0xf: {  	[smem:$0x3FB0] =	sst s7  }
0x10: {  	[smem:$0x3FB1] =	sst s8  }
0x11: {  	[smem:$0x3FB2] =	sst s9;
	s0 =	simm.s32 @!p0 $0x0  }
0x12: {  	s1 =	sld [smem:$0x3F98];
	s0 =	simm.s32 @p0 $0x1  }
0x13: {  	[smem:$0x3FB3] =	sst s0;
	s0 =	simm.s32 @!p1 $0x0  }
0x14: {  	s2 =	sld [smem:$0x3F97];
	s0 =	simm.s32 @p1 $0x1  }
0x15: {  	[smem:$0x3FB4] =	sst s0;
	s0 =	simm.s32 @!p2 $0x0  }
0x16: {  	s3 =	sld [smem:$0x3FDB];
	s0 =	simm.s32 @p2 $0x1  }
0x17: {  	s4 =	simm.s32 $0x1BF5;
	[smem:$0x3FB6] =	sst s0  }
0x18: {  	s0 =	sld [smem:$0x3F99];
	_ =	swait.ge [sflag:s4], $0x0  }
0x19: {  	s7 =	sld [smem:$0x3F9A]  }
0x1a: {  	s8 =	sadd.s32 $0xFFFFE003, lr  }
0x1b: {  	s9 =	sadd.s32 $0xFFFFFEF7, lr;
	s5 =	simm.s32 $0xFFFFFFFF;
	p2 =	slt.u32 s8, $0xFFFFF086  }
0x1c: {  	p1 =	slt.u32 s9, $0xF7A;
	s5 =	simm.s32 @!p2 $0x0  }
0x1d: {  	s5 =	simm.s32 @p1 $0x1;
	p0 =	seq.s32 s7, s2  }
0x1e: {  	s7 =	smul.u32 @!p0 $0xF7A, s2;
	p2 =	seq.s32 @!p0 s5, $0x0  }
0x1f: {  	s9 =	smul.u32 $0xF7A, s1;
	s8 =	simm.s32 @!p0 $0x1BF5;
	p2 =	por !p2, p0  }
0x20: {  	[sflag:s8] =	ssyncset.s32 @!p0 $0xFFFFF086;
	s6 =	sadd.s32 @!p0 s3, s7;
	s7 =	simm.s32 @!p0 $0x108  }
0x21: {  	s3 =	sadd.s32 s3, s9;
	s6 =	sadd.s32 @!p0 $0x88, s6;
	s7 =	simm.s32 @p2 $0x1082  }
0x22: {  	[simem:s7], [sflag:s8] =	dma.local @!p0 [hbm:s6], $0xF7A  }
0x23: {  	s9 =	sor.u32 $0xD0000000, s2;
	s6 =	simm.s32 $0x108;
	_ =	swait.ge @!p0 [sflag:s8], $0x0  }
0x24: {  	s3 =	sadd.s32 $0x88, s3;
	s6 =	simm.s32 @!p1 $0x1082;
	[sflag:s4] =	ssyncset.s32 $0xFFFFF086  }
0x25: {  	[simem:s6], [sflag:s4] =	dma.local [hbm:s3], $0xF7A  }
0x26: {  	[smem:$0x3F9A] =	sst s1;
	(tag) =	ssettag s2;
	_ =	strace s9  }
0x27: {  	s1 =	sld [smem:$0x3FAA]  }
0x28: {  	s2 =	sld [smem:$0x3FAB]  }
0x29: {  	s4 =	sld [smem:$0x3FAD]  }
0x2a: {  	p0 =	seq.s32 s5, $0x0;
	s5 =	sld [smem:$0x3FAE]  }
0x2b: {  	s6 =	sld [smem:$0x3FAF]  }
0x2c: {  	s7 =	sld [smem:$0x3FB0]  }
0x2d: {  	s3 =	simm.s32 $0x108;
	s8 =	sld [smem:$0x3FB1]  }
0x2e: {  	s3 =	simm.s32 @!p0 $0x1082;
	s9 =	sld [smem:$0x3FB2]  }
0x2f: {  	lr =	sadd.s32 s0, s3;
	s0 =	sld [smem:$0x3FA9]  }
0x30: {  	s3 =	sld [smem:$0x3FAC]  }
0x31: {  	[smem:$0x3FB5] =	sst s10  }
0x32: {  	s10 =	sld [smem:$0x3FB3];
	_ =	sdelay $0x3  }
0x33: {  	p0 =	seq.s32 s10, $0x1;
	s10 =	sld [smem:$0x3FB5];
	_ =	sdelay $0x3  }
0x34: {  	[smem:$0x3FB5] =	sst s10  }
0x35: {  	s10 =	sld [smem:$0x3FB4];
	_ =	sdelay $0x3  }
0x36: {  	p1 =	seq.s32 s10, $0x1;
	s10 =	sld [smem:$0x3FB5];
	_ =	sdelay $0x3  }
0x37: {  	[smem:$0x3FB5] =	sst s10  }
0x38: {  	s10 =	sld [smem:$0x3FB6]  }
0x39: {  	_ = 	snop;
	(pc) =	sbr.ind lr, $3  }
0x3a: {  	_ = 	snop  }
0x3b: {  	_ = 	snop  }
0x3c: {  	p2 =	seq.s32 s10, $0x1;
	s10 =	sld [smem:$0x3FB5]  }
0x3d: {  	_ =	shalt  }
0x3e: {  	_ =	shalt  }
0x3f: {  	_ =	shalt  }
0x40: {  	_ =	shalt  }
0x41: {  	_ =	shalt  }
0x42: {  	_ =	shalt  }
0x43: {  	_ =	shalt  }
0x44: {  	_ =	shalt  }
0x45: {  	_ =	shalt  }
0x46: {  	_ =	shalt  }
0x47: {  	_ =	shalt  }
0x48: {  	_ =	shalt  }
0x49: {  	_ =	shalt  }
0x4a: {  	_ =	shalt  }
0x4b: {  	_ =	shalt  }
0x4c: {  	_ =	shalt  }
0x4d: {  	_ =	shalt  }
0x4e: {  	_ =	shalt  }
0x4f: {  	_ =	shalt  }
0x50: {  	_ =	shalt  }
0x51: {  	_ =	shalt  }
0x52: {  	_ =	shalt  }
0x53: {  	_ =	shalt  }
0x54: {  	_ =	shalt  }
0x55: {  	_ =	shalt  }
0x56: {  	_ =	shalt  }
0x57: {  	_ =	shalt  }
0x58: {  	_ =	shalt  }
0x59: {  	_ =	shalt  }
0x5a: {  	_ =	shalt  }
0x5b: {  	_ =	shalt  }
0x5c: {  	_ =	shalt  }
0x5d: {  	_ =	shalt  }
0x5e: {  	_ =	shalt  }
0x5f: {  	_ =	shalt  }
0x60: {  	_ =	shalt  }
0x61: {  	_ =	shalt  }
0x62: {  	_ =	shalt  }
0x63: {  	_ =	shalt  }
0x64: {  	_ =	shalt  }
0x65: {  	_ =	shalt  }
0x66: {  	_ =	shalt  }
0x67: {  	_ =	shalt  }
0x68: {  	_ =	shalt  }
0x69: {  	_ =	shalt  }
0x6a: {  	_ =	shalt  }
0x6b: {  	_ =	shalt  }
0x6c: {  	_ =	shalt  }
0x6d: {  	_ =	shalt  }
0x6e: {  	_ =	shalt  }
0x6f: {  	_ =	shalt  }
0x70: {  	_ =	shalt  }
0x71: {  	_ =	shalt  }
0x72: {  	_ =	shalt  }
0x73: {  	_ =	shalt  }
0x74: {  	_ =	shalt  }
0x75: {  	_ =	shalt  }
0x76: {  	_ =	shalt  }
0x77: {  	_ =	shalt  }
0x78: {  	_ =	shalt  }
0x79: {  	_ =	shalt  }
0x7a: {  	_ =	shalt  }
0x7b: {  	_ =	shalt  }
0x7c: {  	_ =	shalt  }
0x7d: {  	_ =	shalt  }
0x7e: {  	_ =	shalt  }
0x7f: {  	_ =	shalt  }
0x80: {  	_ =	shalt  }
0x81: {  	_ =	shalt  }
0x82: {  	_ =	shalt  }
0x83: {  	_ =	shalt  }
0x84: {  	_ =	shalt  }
0x85: {  	_ =	shalt  }
0x86: {  	_ =	shalt  }
0x87: {  	_ =	shalt  }
.Lfunc_end0:
.L_simem_size_0:
called_computation.2_lowered:
.L_overlay_start_0:
0x88: {  	s2 =	sld [smem:$0x3FD9]  }
0x89: {  	s3 =	sld [smem:$0x3FFE];
	_ =	sdelay $0x1  }
0x8a: {  	s1 =	srdreg.scid  }
0x8b: {  	s0 =	sand.u32 $0x1, s1  }
0x8c: {  	s17 =	sshll.u32 s0, $0xA;
	s2 =	sadd.s32 s3, s2  }
0x8d: {  	s2 =	sadd.s32 s2, s17  }
0x8e: {  	[smem:$0x3FC1] =	sst s2  }
0x8f: {  	_ = 	snop  }
0x90: {  	s2 =	sld [smem:$0x3FD0];
	(tm) =	ssettm $0x1  }
0x91: {  	s18 =	sld [smem:$0x3FFB];
	_ =	sdelay $0x3  }
0x92: {  	_ =	strace s18  }
0x93: {  	s3 =	sld [smem:$0x3FFC];
	_ =	sdelay $0x3  }
0x94: {  	_ =	strace s3  }
0x95: {  	s3 =	sld [smem:$0x3FFD];
	_ =	sdelay $0x3  }
0x96: {  	_ =	strace s3  }
0x97: {  	_ =	strace $0x8FFFFFFF  }
0x98: {  	s19 =	sld [smem:$0x3FDB];
	_ =	sdelay $0x1  }
0x99: {  	s4 =	simm.s32 $_scs_section_size  }
0x9a: {  	s5 =	simm.s32 $_size__tile_overlayer_lowered;
	s6 =	simm.s32 $_tile_overlayer_lowered  }
0x9b: {  	s22 =	simm.s32 $0x1BFF;
	s21 =	sshll.u32 s6, $0x1;
	s3 =	sadd.s32 s4, s19  }
0x9c: {  	s7 =	simm.s32 $0x0;
	s20 =	sshll.u32 s5, $0x1;
	s5 =	sadd.s32 s21, s3  }
0x9d: {  	[timem:s7], [sflag:s22] =	dma.local [hbm:s5], s20  }
0x9e: {  	_ =	swait.ge [sflag:s22], s20  }
0x9f: {  	s4 =	ssub.s32 $0x0, s20;
	[sflag:s22] =	ssyncset.done $0x0  }
0xa0: {  	[sflag:s22] =	ssyncadd.s32 s4;
	_ =	sdelay $0x1  }
0xa1: {  	s23 =	simm.s32 $0x1B8B  }
0xa2: {  	_ =	swait.ge [sflag:s23], $0x1  }
0xa3: {  	[sflag:s23] =	ssyncset.done $0x0  }
0xa4: {  	s25 =	simm.s32 $0x1B8E;
	s24 =	sld [smem:$0x3FFE];
	[sflag:s23] =	ssyncadd.s32 $0xFFFFFFFF  }
0xa5: {  	s26 =	simm.s32 $execute0_lowered;
	[smem:$0x3FD2] =	sst s25  }
0xa6: {  	s5 =	sshll.u32 s26, $0x1;
	_ =	strace $0x8000004C;
	[dreg:$0x1] =	wrdreg $0xFFFFFFFF  }
0xa7: {  	s28 =	simm.s32 $_size_execute0_lowered;
	s3 =	sadd.s32 s3, s5;
	[dreg:$0x0] =	wrdreg $0x0  }
0xa8: {  	s5 =	sshll.u32 s28, $0x1;
	[dreg:$0x2] =	wrdreg s3  }
0xa9: {  	[dreg:$0x3] =	wrdreg s5  }
0xaa: {  	[dreg:$0x4] =	wrdreg $0xC0  }
0xab: {  	_ =	task [dreg:s7], $0x5FFFF  }
0xac: {  	[dreg:$0x1] =	wrdreg $0xFFFFFFFF  }
0xad: {  	[dreg:$0x0] =	wrdreg $0x60  }
0xae: {  	[dreg:$0x2] =	wrdreg s2  }
0xaf: {  	[dreg:$0x3] =	wrdreg s24  }
0xb0: {  	[dreg:$0x4] =	wrdreg $0xB6800  }
0xb1: {  	[dreg:$0x5] =	wrdreg $0x9  }
0xb2: {  	_ =	task.clear_ibuf [dreg:s7], $0x6FFFF;
	_ =	strace $0x9000004C  }
0xb3: {  	s29 =	simm.s32 $0x9;
	_ =	strace $0x8000004E  }
0xb4: {  	_ =	swait.ge [sflag:s29], $0x1  }
0xb5: {  	[sflag:s29] =	ssyncadd.s32 $0xFFFFFFFF  }
0xb6: {  	_ =	strace $0x9000004E  }
0xb7: {  	_ =	sfence  }
0xb8: {  	s30 =	sld [smem:$0x0];
	_ =	sdelay $0x2  }
0xb9: {  	s31 =	sshll.u32 s1, $0xD;
	s1 =	sshrl.u32 s1, $0x2  }
0xba: {  	s3 =	sand.u32 $0x4000, s31;
	s1 =	sadd.s32 s1, s30  }
0xbb: {  	s0 =	sor.u32 s3, s0;
	s1 =	sshll.u32 s1, $0x11  }
0xbc: {  	s0 =	sor.u32 s1, s0  }
0xbd: {  	s0 =	sadd.s32 $0x8F2B, s0  }
0xbe: {  	[sflag:s0] =	ssyncadd.remote.s32 $0x1  }
0xbf: {  	_ =	sfence.sel $0xFFFF  }
0xc0: {  	[dreg:$0x0] =	wrdreg $0xFFFFFFFF;
	(pc) =	sbr.abs _section_cstart, $3  }
0xc1: {  	[dreg:$0x1] =	wrdreg $0xFFFFFFFF  }
0xc2: {  	_ =	task.clear_ibuf [dreg:s7], $0x2FFFF;
	_ =	strace $0x9FFFFFFF  }
0xc3: {  	(tm) =	ssettm $0x7FFFFFFF  }
tec
execute0_lowered:
.L_overlay_start_1:
0x0: {  	(tag) =	ssettag $0x1  }
0x1: {  	s1 =	rddreg [dreg:$0x0]  }
0x2: {  	s5 =	rddreg [dreg:$0x1]  }
0x3: {  	s3 =	rddreg [dreg:$0x2]  }
0x4: {  	s0 =	rddreg [dreg:$0x3];
	s4 =	srdreg.scid  }
0x5: {  	s2 =	stileid.u32;
	s15 =	simm.s32 $0x7680;
	s16 =	simm.s32 $0x2  }
0x6: {  	s17 =	simm.s32 $0x2780;
	s18 =	simm.s32 $0x4F00;
	s19 =	simm.s32 $0x80  }
0x7: {  	s20 =	simm.s32 $0x1;
	s6 =	sand.u32 $0x1, s4;
	s8 =	smul.u32 $0x13880, s2  }
0x8: {  	s7 =	sshll.u32 s2, $0x1;
	s4 =	simm.s32 $0x0;
	s10 =	smul.u32 $0x4E200, s2  }
0x9: {  	s7 =	sor.u32 s6, s7;
	s9 =	smul.u32 $0x138800, s6;
	[smem:$0x7FF] =	sst s4  }
0xa: {  	s6 =	ssub.s32 $0x2, s6;
	s7 =	smul.u32 $0x4F0, s7;
	_ =	strace $0x8000004D  }
0xb: {  	s29 =	sshrl.u32 s6, $0x1;
	s30 =	sshrl.u32 s10, $0x2;
	s9 =	sadd.s32 s8, s9  }
0xc: {  	s14 =	ssub.s32 s6, s29;
	s31 =	sadd.s32 s30, s3;
	s12 =	sadd.s32 s7, s5  }
0xd: {  	s28 =	sshrl.u32 s9, $0x3;
	s6 =	sadd.s32 $0x4000, s31;
	s7 =	sadd.s32 $0x8000, s31  }
0xe: {  	s9 =	sadd.s32 $0x10000, s31;
	s14 =	smax.u32 s14, $0x1;
	s13 =	sadd.s32 s28, s5  }
0xf: {  	v1 =	vimm.s32 $0x0;
	vm0 =	vcmask $0x300;
	s5 =	sadd.s32 s8, s3;
	s8 =	sadd.s32 $0xC000, s31;
	s10 =	sadd.s32 $0x16600, s12  }
0x10: {  	v0 =	vimm.f32 $0.0e+00;
	v1 =	vsel vm0, $0x3, v1;
	s11 =	sadd.s32 $0xC800, s12;
	s12 =	sadd.s32 $0x2A00, s12;
	s13 =	sadd.s32 $0x20400, s13  }
.LBB2_1:
0x11: {  	s21 =	simm.s32 $0x0;
	s22 =	simm.s32 $0x200  }
.LBB2_2:
0x12: {  	p0 =	sne.s32 s22, $0xFE00;
	[tilespmem:s21+$0x76F0] =	vst v0  }
0x13: {  	[tilespmem:s21+$0x7680] =	vst v0  }
0x14: {  	[tilespmem:s21+$0x7690] =	vst v0  }
.Ltmp0:
0x15: {  	[tilespmem:s21+$0x76A0] =	vst v0;
	(pc) =	sbr.rel @p0 .LBB2_2-.Ltmp0, $4  }
0x16: {  	[tilespmem:s21+$0x76B0] =	vst v0  }
0x17: {  	[tilespmem:s21+$0x76C0] =	vst v0  }
0x18: {  	[tilespmem:s21+$0x76D0] =	vst v0  }
0x19: {  	[tilespmem:s21+$0x76E0] =	vst v0;
	s21 =	sshra.s32 s22, $0x2;
	s22 =	sadd.s32 $0x200, s22  }
0x1a: {  	[tilespmem:s21+$0x76F0] =	vst v0  }
0x1b: {  	[tilespmem:s21+$0x7680] =	vst v0  }
0x1c: {  	[tilespmem:s21+$0x7690] =	vst v0  }
0x1d: {  	[tilespmem:s21+$0x76A0] =	vst v0  }
0x1e: {  	[tilespmem:s21+$0x76B0] =	vst v0  }
0x1f: {  	[tilespmem:s21+$0x76C0] =	vst v0  }
0x20: {  	[tilespmem:s21+$0x76D0] =	vst v0  }
0x21: {  	[tilespmem:s21+$0x76E0] =	vst v0  }
0x22: {  	[spmem:s5] =	stream.linear.scatter [tilespmem:s15], [sflag:$0x2], $0x4000, $0x38;
	[tilespmem:$0x1EF00] =	vst v63  }
0x23: {  	_ =	swait.ge [sflag:s16], $0x4000  }
0x24: {  	[sflag:s16] =	ssyncset.done $0x0  }
0x25: {  	[sflag:s16] =	ssyncadd.s32 $0xFFFFC000  }
0x26: {  	[spmem:s6] =	stream.linear.scatter [tilespmem:s15], [sflag:$0x2], $0x4000, $0x38;
	[tilespmem:$0x1EF00] =	vst v63  }
0x27: {  	_ =	swait.ge [sflag:s16], $0x4000  }
0x28: {  	[sflag:s16] =	ssyncset.done $0x0  }
0x29: {  	[sflag:s16] =	ssyncadd.s32 $0xFFFFC000  }
0x2a: {  	[spmem:s7] =	stream.linear.scatter [tilespmem:s15], [sflag:$0x2], $0x4000, $0x38;
	[tilespmem:$0x1EF00] =	vst v63  }
0x2b: {  	_ =	swait.ge [sflag:s16], $0x4000  }
0x2c: {  	[sflag:s16] =	ssyncset.done $0x0  }
0x2d: {  	[sflag:s16] =	ssyncadd.s32 $0xFFFFC000  }
0x2e: {  	[spmem:s8] =	stream.linear.scatter [tilespmem:s15], [sflag:$0x2], $0x4000, $0x38;
	[tilespmem:$0x1EF00] =	vst v63  }
0x2f: {  	_ =	swait.ge [sflag:s16], $0x4000  }
0x30: {  	[sflag:s16] =	ssyncset.done $0x0  }
0x31: {  	[sflag:s16] =	ssyncadd.s32 $0xFFFFC000  }
0x32: {  	[spmem:s9] =	stream.linear.scatter [tilespmem:s15], [sflag:$0x2], $0x3880, $0x38;
	[tilespmem:$0x1EF00] =	vst v63  }
0x33: {  	_ =	swait.ge [sflag:s16], $0x3880  }
0x34: {  	[sflag:s16] =	ssyncset.done $0x0  }
0x35: {  	s21 =	simm.s32 $0x0;
	[sflag:s16] =	ssyncadd.s32 $0xFFFFC780  }
0x36: {  	[tilespmem:s21], [sflag:$0x2] =	stream.linear.gather [hbm4b:s10+s21], $0x2780, $0x38;
	[tilespmem:$0x1EF00] =	vst v63  }
0x37: {  	_ =	swait.ge [sflag:s16], $0x2780  }
0x38: {  	[sflag:s16] =	ssyncset.done $0x0  }
0x39: {  	[sflag:s16] =	ssyncadd.s32 $0xFFFFD880  }
0x3a: {  	[tilespmem:s17], [sflag:$0x2] =	stream.linear.gather [hbm4b:s11+s21], $0x2780, $0x38;
	[tilespmem:$0x1EF00] =	vst v63  }
0x3b: {  	_ =	swait.ge [sflag:s16], $0x2780  }
0x3c: {  	[sflag:s16] =	ssyncset.done $0x0  }
0x3d: {  	[sflag:s16] =	ssyncadd.s32 $0xFFFFD880  }
0x3e: {  	[tilespmem:s18], [sflag:$0x2] =	stream.linear.gather [hbm4b:s12+s21], $0x2780, $0x38;
	[tilespmem:$0x1EF00] =	vst v63  }
0x3f: {  	_ =	swait.ge [sflag:s16], $0x2780  }
0x40: {  	[sflag:s16] =	ssyncset.done $0x0  }
0x41: {  	[sflag:s16] =	ssyncadd.s32 $0xFFFFD880  }
0x42: {  	[bflag:$0x0] =	sbarrier.arrive $0xFFFF  }
.LBB2_4:
0x43: {  	s22 =	simm.s32 $0x0  }
0x44: {  	v2 =	vmov s22  }
0x45: {  	s22 =	sshll.u32 s21, $0x7;
	v3 =	vshrl.u32 v2, $0x3  }
0x46: {  	v2 =	vmov s22;
	v3 =	vshll.u32 v3, v1  }
0x47: {  	v3 =	vadd.s32 v2, v3  }
0x48: {  	v3 =	vbroadcast v3, $0x0  }
0x49: {  	[tilespmem:s15], [sflag:$0x1] =	stream.indirect.gather [hbm4b:s1+s19], $0x80, s22, s19, $0xb8;
	[tilespmem:$0x1EF00] =	vst v63  }
0x4a: {  	_ =	swait.ge [sflag:s20], $0x4000  }
0x4b: {  	[sflag:s20] =	ssyncset.done $0x0  }
0x4c: {  	s23 =	simm.s32 $0x7880;
	[sflag:s20] =	ssyncadd.s32 $0xFFFFC000  }
0x4d: {  	v5 =	vld [tilespmem:s23+$0xFFFFFE70]  }
0x4e: {  	v6 =	vld.idx.msk [tilespmem:v3+s18+$0x0], $0xffff  }
0x4f: {  	v3 =	vld [tilespmem:s23+$0xFFFFFE00]  }
0x50: {  	v7 =	vld [tilespmem:s23+$0xFFFFFE20]  }
0x51: {  	v8 =	vld [tilespmem:s23+$0xFFFFFE30]  }
0x52: {  	s24 =	simm.s32 $0x1;
	v4 =	vld [tilespmem:s23+$0xFFFFFE50]  }
0x53: {  	v11 =	vmov s24;
	v10 =	vld [tilespmem:s23+$0xFFFFFE10];
	v5 =	vmul.f32 v5, v6  }
0x54: {  	v11 =	vshrl.u32 v11, $0x3;
	v9 =	vld [tilespmem:s23+$0xFFFFFE60];
	v13 =	vmul.f32 v3, v6  }
0x55: {  	v12 =	vld [tilespmem:s23+$0xFFFFFE40];
	v3 =	vor.u32 $0x1, v2;
	v7 =	vmul.f32 v7, v6;
	[tilespmem:s23+$0xFFFFFE70] =	vst v5;
	v5 =	vshll.u32 v11, v1  }
0x56: {  	v8 =	vmul.f32 v8, v6;
	[tilespmem:s23+$0xFFFFFE00] =	vst v13;
	v5 =	vadd.s32 v5, v3  }
0x57: {  	v4 =	vmul.f32 v4, v6;
	[tilespmem:s23+$0xFFFFFE20] =	vst v7;
	v5 =	vbroadcast v5, $0x0  }
0x58: {  	v7 =	vmul.f32 v10, v6;
	[tilespmem:s23+$0xFFFFFE30] =	vst v8  }
0x59: {  	v8 =	vmul.f32 v9, v6;
	[tilespmem:s23+$0xFFFFFE50] =	vst v4  }
0x5a: {  	v4 =	vmul.f32 v12, v6;
	[tilespmem:s23+$0xFFFFFE10] =	vst v7  }
0x5b: {  	[tilespmem:s23+$0xFFFFFE60] =	vst v8  }
0x5c: {  	[tilespmem:s23+$0xFFFFFE40] =	vst v4;
	v4 =	vld [tilespmem:s23+$0xFFFFFE80]  }
0x5d: {  	v5 =	vld.idx.msk [tilespmem:v5+s18+$0x0], $0xffff  }
0x5e: {  	v7 =	vld [tilespmem:s23+$0xFFFFFEE0]  }
0x5f: {  	v8 =	vld [tilespmem:s23+$0xFFFFFE90]  }
0x60: {  	v9 =	vld [tilespmem:s23+$0xFFFFFED0]  }
0x61: {  	s28 =	simm.s32 $0x2;
	v6 =	vld [tilespmem:s23+$0xFFFFFEF0]  }
0x62: {  	v10 =	vld [tilespmem:s23+$0xFFFFFEB0];
	v12 =	vmul.f32 v4, v5;
	v4 =	vmov s28  }
0x63: {  	v13 =	vld [tilespmem:s23+$0xFFFFFEC0];
	v7 =	vmul.f32 v7, v5;
	v14 =	vshrl.u32 v4, $0x3  }
0x64: {  	v11 =	vld [tilespmem:s23+$0xFFFFFEA0];
	v8 =	vmul.f32 v8, v5;
	v4 =	vor.u32 $0x2, v2;
	[tilespmem:s23+$0xFFFFFE80] =	vst v12;
	v12 =	vshll.u32 v14, v1  }
0x65: {  	v9 =	vmul.f32 v9, v5;
	[tilespmem:s23+$0xFFFFFEE0] =	vst v7;
	v7 =	vadd.s32 v12, v4  }
0x66: {  	v6 =	vmul.f32 v6, v5;
	[tilespmem:s23+$0xFFFFFE90] =	vst v8;
	v7 =	vbroadcast v7, $0x0  }
0x67: {  	v8 =	vmul.f32 v10, v5;
	[tilespmem:s23+$0xFFFFFED0] =	vst v9  }
0x68: {  	v9 =	vmul.f32 v13, v5;
	[tilespmem:s23+$0xFFFFFEF0] =	vst v6  }
0x69: {  	v5 =	vmul.f32 v11, v5;
	[tilespmem:s23+$0xFFFFFEB0] =	vst v8  }
0x6a: {  	[tilespmem:s23+$0xFFFFFEC0] =	vst v9  }
0x6b: {  	v6 =	vld [tilespmem:s23+$0xFFFFFF10];
	[tilespmem:s23+$0xFFFFFEA0] =	vst v5  }
0x6c: {  	v5 =	vld.idx.msk [tilespmem:v7+s18+$0x0], $0xffff  }
0x6d: {  	v7 =	vld [tilespmem:s23+$0xFFFFFF40]  }
0x6e: {  	v8 =	vld [tilespmem:s23+$0xFFFFFF20]  }
0x6f: {  	v9 =	vld [tilespmem:s23+$0xFFFFFF50]  }
0x70: {  	s29 =	simm.s32 $0x3;
	v10 =	vld [tilespmem:s23+$0xFFFFFF00]  }
0x71: {  	v11 =	vld [tilespmem:s23+$0xFFFFFF30];
	v12 =	vmul.f32 v6, v5;
	v6 =	vmov s29  }
0x72: {  	v13 =	vld [tilespmem:s23+$0xFFFFFF70];
	v7 =	vmul.f32 v7, v5;
	v14 =	vshrl.u32 v6, $0x3  }
0x73: {  	v15 =	vld [tilespmem:s23+$0xFFFFFF60];
	v8 =	vmul.f32 v8, v5;
	v6 =	vor.u32 $0x3, v2;
	[tilespmem:s23+$0xFFFFFF10] =	vst v12;
	v12 =	vshll.u32 v14, v1  }
0x74: {  	v9 =	vmul.f32 v9, v5;
	[tilespmem:s23+$0xFFFFFF40] =	vst v7;
	v7 =	vadd.s32 v12, v6  }
0x75: {  	v10 =	vmul.f32 v10, v5;
	[tilespmem:s23+$0xFFFFFF20] =	vst v8;
	v7 =	vbroadcast v7, $0x0  }
0x76: {  	v8 =	vmul.f32 v11, v5;
	[tilespmem:s23+$0xFFFFFF50] =	vst v9  }
0x77: {  	v9 =	vmul.f32 v13, v5;
	[tilespmem:s23+$0xFFFFFF00] =	vst v10  }
0x78: {  	v5 =	vmul.f32 v15, v5;
	[tilespmem:s23+$0xFFFFFF30] =	vst v8  }
0x79: {  	[tilespmem:s23+$0xFFFFFF70] =	vst v9  }
0x7a: {  	[tilespmem:s23+$0xFFFFFF60] =	vst v5  }
0x7b: {  	v5 =	vld.idx.msk [tilespmem:v7+s18+$0x0], $0xffff  }
0x7c: {  	v7 =	vld [tilespmem:s23+$0xFFFFFF90]  }
0x7d: {  	v8 =	vld [tilespmem:s23+$0xFFFFFFE0]  }
0x7e: {  	v10 =	vld [tilespmem:s23+$0xFFFFFF80]  }
0x7f: {  	v11 =	vld [tilespmem:s23+$0xFFFFFFD0]  }
0x80: {  	s30 =	simm.s32 $0x4;
	v9 =	vld [tilespmem:s23+$0xFFFFFFF0]  }
0x81: {  	v14 =	vmov s30;
	v12 =	vld [tilespmem:s23+$0xFFFFFFA0];
	v7 =	vmul.f32 v7, v5  }
0x82: {  	v15 =	vld [tilespmem:s23+$0xFFFFFFC0];
	v14 =	vshrl.u32 v14, $0x3;
	v16 =	vmul.f32 v8, v5  }
0x83: {  	v13 =	vld [tilespmem:s23+$0xFFFFFFB0];
	v8 =	vor.u32 $0x4, v2;
	v10 =	vmul.f32 v10, v5;
	[tilespmem:s23+$0xFFFFFF90] =	vst v7;
	v7 =	vshll.u32 v14, v1  }
0x84: {  	v11 =	vmul.f32 v11, v5;
	[tilespmem:s23+$0xFFFFFFE0] =	vst v16;
	v7 =	vadd.s32 v7, v8  }
0x85: {  	v9 =	vmul.f32 v9, v5;
	[tilespmem:s23+$0xFFFFFF80] =	vst v10;
	v7 =	vbroadcast v7, $0x0  }
0x86: {  	v10 =	vmul.f32 v12, v5;
	[tilespmem:s23+$0xFFFFFFD0] =	vst v11  }
0x87: {  	v19 =	vld [tilespmem:s23+$0x30];
	v11 =	vmul.f32 v15, v5;
	[tilespmem:s23+$0xFFFFFFF0] =	vst v9  }
0x88: {  	v17 =	vld [tilespmem:s23+$0x20];
	v5 =	vmul.f32 v13, v5;
	[tilespmem:s23+$0xFFFFFFA0] =	vst v10  }
0x89: {  	v12 =	vld [tilespmem:s23+$0x10];
	[tilespmem:s23+$0xFFFFFFC0] =	vst v11  }
0x8a: {  	v16 =	vld [tilespmem:s23+$0x0];
	[tilespmem:s23+$0xFFFFFFB0] =	vst v5  }
0x8b: {  	v10 =	vld.idx.msk [tilespmem:v7+s18+$0x0], $0xffff  }
0x8c: {  	v13 =	vld [tilespmem:s23+$0x50]  }
0x8d: {  	v15 =	vld [tilespmem:s23+$0x40]  }
0x8e: {  	v14 =	vld [tilespmem:s23+$0x60]  }
0x8f: {  	s31 =	simm.s32 $0x5;
	v9 =	vor.u32 $0x5, v2;
	v11 =	vld [tilespmem:s23+$0x70];
	v5 =	vor.u32 $0x7, v2;
	v7 =	vor.u32 $0x6, v2  }
0x90: {  	s25 =	simm.s32 $0x7;
	s26 =	simm.s32 $0xF;
	s24 =	simm.s32 $0x7880;
	v18 =	vmul.f32 v16, v10;
	v16 =	vmul.f32 v19, v10;
	v19 =	vmov s31  }
.LBB2_5:
0x91: {  	p0 =	sne.s32 s26, $0x7F  }
0x92: {  	v12 =	vmul.f32 v12, v10;
	v17 =	vmul.f32 v17, v10;
	v19 =	vshrl.u32 v19, $0x3;
	s23 =	sadd.s32 $0x400, s23;
	s28 =	smov.u32 s26;
	s26 =	sadd.s32 $0x8, s26  }
0x93: {  	v13 =	vmul.f32 v13, v10;
	[tilespmem:s24+$0x0] =	vst v18;
	v15 =	vmul.f32 v15, v10;
	v18 =	vshll.u32 v19, v1  }
0x94: {  	[tilespmem:s24+$0x10] =	vst v12;
	v12 =	vmul.f32 v14, v10;
	v10 =	vmul.f32 v11, v10;
	v11 =	vadd.s32 v18, v9  }
0x95: {  	[tilespmem:s24+$0x20] =	vst v17;
	v11 =	vbroadcast v11, $0x0  }
0x96: {  	[tilespmem:s24+$0x30] =	vst v16  }
0x97: {  	[tilespmem:s24+$0x70] =	vst v10;
	v10 =	vld [tilespmem:s24+$0x80]  }
0x98: {  	[tilespmem:s24+$0x50] =	vst v13;
	v13 =	vld [tilespmem:s24+$0xF0]  }
0x99: {  	[tilespmem:s24+$0x40] =	vst v15;
	v14 =	vld [tilespmem:s24+$0xD0]  }
0x9a: {  	[tilespmem:s24+$0x60] =	vst v12;
	v12 =	vld [tilespmem:s24+$0xA0]  }
0x9b: {  	v11 =	vld.idx.msk [tilespmem:v11+s18+$0x0], $0xffff  }
0x9c: {  	v15 =	vld [tilespmem:s24+$0xC0]  }
0x9d: {  	v16 =	vld [tilespmem:s24+$0xB0]  }
0x9e: {  	v17 =	vld [tilespmem:s24+$0x90]  }
0x9f: {  	v18 =	vld [tilespmem:s24+$0xE0]  }
0xa0: {  	s29 =	sadd.s32 $0xFFFFFFFF, s25  }
0xa1: {  	v19 =	vmov s29;
	v10 =	vmul.f32 v10, v11;
	v15 =	vmul.f32 v15, v11  }
0xa2: {  	v19 =	vshrl.u32 v19, $0x3;
	v12 =	vmul.f32 v12, v11;
	v16 =	vmul.f32 v16, v11  }
0xa3: {  	v14 =	vmul.f32 v14, v11;
	[tilespmem:s24+$0x80] =	vst v10;
	v10 =	vmul.f32 v17, v11;
	v17 =	vshll.u32 v19, v1  }
0xa4: {  	[tilespmem:s24+$0xC0] =	vst v15;
	v15 =	vmul.f32 v18, v11;
	v11 =	vmul.f32 v13, v11;
	v13 =	vadd.s32 v17, v7  }
0xa5: {  	[tilespmem:s24+$0xA0] =	vst v12;
	v12 =	vbroadcast v13, $0x0  }
0xa6: {  	[tilespmem:s24+$0xD0] =	vst v14  }
0xa7: {  	[tilespmem:s24+$0xF0] =	vst v11;
	v11 =	vld [tilespmem:s24+$0x100]  }
0xa8: {  	[tilespmem:s24+$0xB0] =	vst v16;
	v13 =	vld [tilespmem:s24+$0x160]  }
0xa9: {  	[tilespmem:s24+$0xE0] =	vst v15;
	v14 =	vld [tilespmem:s24+$0x150]  }
0xaa: {  	[tilespmem:s24+$0x90] =	vst v10;
	v10 =	vld [tilespmem:s24+$0x130]  }
0xab: {  	v12 =	vld.idx.msk [tilespmem:v12+s18+$0x0], $0xffff  }
0xac: {  	v15 =	vld [tilespmem:s24+$0x110]  }
0xad: {  	v16 =	vld [tilespmem:s24+$0x120]  }
0xae: {  	v17 =	vld [tilespmem:s24+$0x140]  }
0xaf: {  	v18 =	vld [tilespmem:s24+$0x170];
	_ =	sdelay $0x1  }
0xb0: {  	v19 =	vmov s25;
	s25 =	smov.u32 s28;
	v11 =	vmul.f32 v11, v12;
	v15 =	vmul.f32 v15, v12  }
0xb1: {  	v19 =	vshrl.u32 v19, $0x3;
	v10 =	vmul.f32 v10, v12;
	v16 =	vmul.f32 v16, v12  }
0xb2: {  	v14 =	vmul.f32 v14, v12;
	[tilespmem:s24+$0x100] =	vst v11;
	v11 =	vmul.f32 v17, v12;
	v17 =	vshll.u32 v19, v1  }
0xb3: {  	[tilespmem:s24+$0x130] =	vst v10;
	v10 =	vmul.f32 v13, v12;
	v12 =	vmul.f32 v18, v12;
	v13 =	vadd.s32 v17, v5  }
0xb4: {  	[tilespmem:s24+$0x140] =	vst v11;
	v11 =	vbroadcast v13, $0x0  }
0xb5: {  	[tilespmem:s24+$0x150] =	vst v14  }
0xb6: {  	[tilespmem:s24+$0x160] =	vst v10;
	v10 =	vld [tilespmem:s24+$0x1C0]  }
0xb7: {  	[tilespmem:s24+$0x170] =	vst v12;
	v12 =	vld [tilespmem:s24+$0x180]  }
0xb8: {  	[tilespmem:s24+$0x110] =	vst v15;
	v13 =	vld [tilespmem:s24+$0x1E0]  }
0xb9: {  	[tilespmem:s24+$0x120] =	vst v16;
	v14 =	vld [tilespmem:s24+$0x190]  }
0xba: {  	v11 =	vld.idx.msk [tilespmem:v11+s18+$0x0], $0xffff  }
0xbb: {  	v15 =	vld [tilespmem:s24+$0x1B0]  }
0xbc: {  	v16 =	vld [tilespmem:s24+$0x1A0]  }
0xbd: {  	v17 =	vld [tilespmem:s24+$0x1D0]  }
0xbe: {  	v18 =	vld [tilespmem:s24+$0x1F0]  }
0xbf: {  	s28 =	sadd.s32 $0xFFFFFFF9, s25  }
0xc0: {  	v19 =	vmov s28;
	v12 =	vmul.f32 v12, v11;
	v14 =	vmul.f32 v14, v11  }
0xc1: {  	v19 =	vshrl.u32 v19, $0x3;
	v15 =	vmul.f32 v15, v11;
	v16 =	vmul.f32 v16, v11  }
0xc2: {  	v19 =	vshll.u32 v19, v1;
	v10 =	vmul.f32 v10, v11;
	[tilespmem:s24+$0x180] =	vst v12;
	v12 =	vmul.f32 v17, v11  }
0xc3: {  	v13 =	vmul.f32 v13, v11;
	v17 =	vadd.s32 v2, v19;
	[tilespmem:s24+$0x190] =	vst v14;
	v11 =	vmul.f32 v18, v11  }
0xc4: {  	v14 =	vbroadcast v17, $0x0;
	[tilespmem:s24+$0x1C0] =	vst v10  }
0xc5: {  	[tilespmem:s24+$0x1D0] =	vst v12  }
0xc6: {  	v10 =	vld [tilespmem:s23+$0xFFFFFE50];
	[tilespmem:s24+$0x1E0] =	vst v13  }
0xc7: {  	v12 =	vld [tilespmem:s23+$0xFFFFFE30];
	[tilespmem:s24+$0x1B0] =	vst v15  }
0xc8: {  	v13 =	vld [tilespmem:s23+$0xFFFFFE60];
	[tilespmem:s24+$0x1A0] =	vst v16  }
0xc9: {  	v15 =	vld [tilespmem:s23+$0xFFFFFE70];
	[tilespmem:s24+$0x1F0] =	vst v11;
	s24 =	smov.u32 s23  }
0xca: {  	v11 =	vld.idx.msk [tilespmem:v14+s18+$0x0], $0xffff  }
0xcb: {  	v14 =	vld [tilespmem:s23+$0xFFFFFE00]  }
0xcc: {  	v16 =	vld [tilespmem:s23+$0xFFFFFE20]  }
0xcd: {  	v17 =	vld [tilespmem:s23+$0xFFFFFE10]  }
0xce: {  	v18 =	vld [tilespmem:s23+$0xFFFFFE40]  }
0xcf: {  	s28 =	sadd.s32 $0xFFFFFFFA, s25  }
0xd0: {  	v19 =	vmov s28;
	v15 =	vmul.f32 v15, v11;
	v14 =	vmul.f32 v14, v11  }
0xd1: {  	v19 =	vshrl.u32 v19, $0x3;
	v13 =	vmul.f32 v13, v11;
	v16 =	vmul.f32 v16, v11  }
0xd2: {  	v12 =	vmul.f32 v12, v11;
	v17 =	vmul.f32 v17, v11;
	[tilespmem:s23+$0xFFFFFE70] =	vst v15;
	v15 =	vshll.u32 v19, v1  }
0xd3: {  	v10 =	vmul.f32 v10, v11;
	[tilespmem:s23+$0xFFFFFE00] =	vst v14;
	v14 =	vmul.f32 v18, v11;
	v11 =	vadd.s32 v15, v3  }
0xd4: {  	[tilespmem:s23+$0xFFFFFE20] =	vst v16;
	v11 =	vbroadcast v11, $0x0  }
0xd5: {  	[tilespmem:s23+$0xFFFFFE30] =	vst v12  }
0xd6: {  	[tilespmem:s23+$0xFFFFFE50] =	vst v10;
	v10 =	vld [tilespmem:s23+$0xFFFFFEF0]  }
0xd7: {  	[tilespmem:s23+$0xFFFFFE10] =	vst v17;
	v12 =	vld [tilespmem:s23+$0xFFFFFED0]  }
0xd8: {  	[tilespmem:s23+$0xFFFFFE60] =	vst v13;
	v13 =	vld [tilespmem:s23+$0xFFFFFEB0]  }
0xd9: {  	[tilespmem:s23+$0xFFFFFE40] =	vst v14;
	v14 =	vld [tilespmem:s23+$0xFFFFFEE0]  }
0xda: {  	v11 =	vld.idx.msk [tilespmem:v11+s18+$0x0], $0xffff  }
0xdb: {  	v15 =	vld [tilespmem:s23+$0xFFFFFE80]  }
0xdc: {  	v16 =	vld [tilespmem:s23+$0xFFFFFE90]  }
0xdd: {  	v17 =	vld [tilespmem:s23+$0xFFFFFEA0]  }
0xde: {  	v18 =	vld [tilespmem:s23+$0xFFFFFEC0]  }
0xdf: {  	s28 =	sadd.s32 $0xFFFFFFFB, s25  }
0xe0: {  	v19 =	vmov s28;
	v14 =	vmul.f32 v14, v11;
	v15 =	vmul.f32 v15, v11  }
0xe1: {  	v19 =	vshrl.u32 v19, $0x3;
	v13 =	vmul.f32 v13, v11;
	v16 =	vmul.f32 v16, v11  }
0xe2: {  	v12 =	vmul.f32 v12, v11;
	[tilespmem:s23+$0xFFFFFE80] =	vst v15;
	v15 =	vmul.f32 v17, v11;
	v17 =	vshll.u32 v19, v1  }
0xe3: {  	v10 =	vmul.f32 v10, v11;
	v18 =	vmul.f32 v18, v11;
	[tilespmem:s23+$0xFFFFFEE0] =	vst v14;
	v11 =	vadd.s32 v17, v4  }
0xe4: {  	[tilespmem:s23+$0xFFFFFE90] =	vst v16;
	v11 =	vbroadcast v11, $0x0  }
0xe5: {  	[tilespmem:s23+$0xFFFFFED0] =	vst v12  }
0xe6: {  	[tilespmem:s23+$0xFFFFFEF0] =	vst v10;
	v10 =	vld [tilespmem:s23+$0xFFFFFF70]  }
0xe7: {  	[tilespmem:s23+$0xFFFFFEB0] =	vst v13;
	v12 =	vld [tilespmem:s23+$0xFFFFFF50]  }
0xe8: {  	[tilespmem:s23+$0xFFFFFEC0] =	vst v18;
	v13 =	vld [tilespmem:s23+$0xFFFFFF30]  }
0xe9: {  	[tilespmem:s23+$0xFFFFFEA0] =	vst v15;
	v14 =	vld [tilespmem:s23+$0xFFFFFF40]  }
0xea: {  	v11 =	vld.idx.msk [tilespmem:v11+s18+$0x0], $0xffff  }
0xeb: {  	v15 =	vld [tilespmem:s23+$0xFFFFFF10]  }
0xec: {  	v16 =	vld [tilespmem:s23+$0xFFFFFF20]  }
0xed: {  	v17 =	vld [tilespmem:s23+$0xFFFFFF00]  }
0xee: {  	v18 =	vld [tilespmem:s23+$0xFFFFFF60]  }
0xef: {  	s28 =	sadd.s32 $0xFFFFFFFC, s25  }
0xf0: {  	v19 =	vmov s28;
	v14 =	vmul.f32 v14, v11;
	v15 =	vmul.f32 v15, v11  }
0xf1: {  	v19 =	vshrl.u32 v19, $0x3;
	v13 =	vmul.f32 v13, v11;
	v16 =	vmul.f32 v16, v11  }
0xf2: {  	v12 =	vmul.f32 v12, v11;
	v17 =	vmul.f32 v17, v11;
	[tilespmem:s23+$0xFFFFFF10] =	vst v15;
	v15 =	vshll.u32 v19, v1  }
0xf3: {  	v10 =	vmul.f32 v10, v11;
	[tilespmem:s23+$0xFFFFFF40] =	vst v14;
	v14 =	vmul.f32 v18, v11;
	v11 =	vadd.s32 v15, v6  }
0xf4: {  	[tilespmem:s23+$0xFFFFFF20] =	vst v16;
	v11 =	vbroadcast v11, $0x0  }
0xf5: {  	[tilespmem:s23+$0xFFFFFF50] =	vst v12  }
0xf6: {  	[tilespmem:s23+$0xFFFFFF00] =	vst v17;
	v12 =	vld [tilespmem:s23+$0xFFFFFFF0]  }
0xf7: {  	[tilespmem:s23+$0xFFFFFF30] =	vst v13;
	v13 =	vld [tilespmem:s23+$0xFFFFFFD0]  }
0xf8: {  	[tilespmem:s23+$0xFFFFFF70] =	vst v10;
	v10 =	vld [tilespmem:s23+$0xFFFFFFA0]  }
0xf9: {  	[tilespmem:s23+$0xFFFFFF60] =	vst v14;
	v14 =	vld [tilespmem:s23+$0xFFFFFFE0]  }
0xfa: {  	v11 =	vld.idx.msk [tilespmem:v11+s18+$0x0], $0xffff  }
0xfb: {  	v15 =	vld [tilespmem:s23+$0xFFFFFF90]  }
0xfc: {  	v16 =	vld [tilespmem:s23+$0xFFFFFF80]  }
0xfd: {  	v17 =	vld [tilespmem:s23+$0xFFFFFFB0]  }
0xfe: {  	v18 =	vld [tilespmem:s23+$0xFFFFFFC0]  }
0xff: {  	s28 =	sadd.s32 $0xFFFFFFFD, s25  }
0x100: {  	v19 =	vmov s28;
	v14 =	vmul.f32 v14, v11;
	v15 =	vmul.f32 v15, v11  }
0x101: {  	v19 =	vshrl.u32 v19, $0x3;
	v10 =	vmul.f32 v10, v11;
	v16 =	vmul.f32 v16, v11  }
0x102: {  	v13 =	vmul.f32 v13, v11;
	[tilespmem:s23+$0xFFFFFF90] =	vst v15;
	v15 =	vmul.f32 v17, v11;
	v17 =	vshll.u32 v19, v1  }
0x103: {  	v18 =	vmul.f32 v18, v11;
	[tilespmem:s23+$0xFFFFFFE0] =	vst v14;
	v11 =	vmul.f32 v12, v11;
	v12 =	vadd.s32 v17, v8  }
0x104: {  	[tilespmem:s23+$0xFFFFFF80] =	vst v16;
	v14 =	vbroadcast v12, $0x0  }
0x105: {  	[tilespmem:s23+$0xFFFFFFD0] =	vst v13  }
0x106: {  	[tilespmem:s23+$0xFFFFFFF0] =	vst v11;
	v12 =	vld [tilespmem:s23+$0x10]  }
0x107: {  	[tilespmem:s23+$0xFFFFFFA0] =	vst v10;
	v16 =	vld [tilespmem:s23+$0x0]  }
0x108: {  	[tilespmem:s23+$0xFFFFFFC0] =	vst v18;
	v11 =	vld [tilespmem:s23+$0x70]  }
0x109: {  	[tilespmem:s23+$0xFFFFFFB0] =	vst v15;
	v17 =	vld [tilespmem:s23+$0x20]  }
0x10a: {  	v10 =	vld.idx.msk [tilespmem:v14+s18+$0x0], $0xffff  }
0x10b: {  	v19 =	vld [tilespmem:s23+$0x30]  }
.Ltmp1:
0x10c: {  	v13 =	vld [tilespmem:s23+$0x50];
	(pc) =	sbr.rel @p0 .LBB2_5-.Ltmp1, $4  }
0x10d: {  	v15 =	vld [tilespmem:s23+$0x40]  }
0x10e: {  	v14 =	vld [tilespmem:s23+$0x60]  }
0x10f: {  	s28 =	sadd.s32 $0xFFFFFFFE, s25  }
0x110: {  	v18 =	vmul.f32 v16, v10;
	v16 =	vmul.f32 v19, v10;
	v19 =	vmov s28  }
0x111: {  	v3 =	vshrl.u32 v19, $0x3  }
0x112: {  	v2 =	vmul.f32 v12, v10;
	[tilespmem:s24+$0x0] =	vst v18;
	v3 =	vshll.u32 v3, v1  }
0x113: {  	v4 =	vmul.f32 v17, v10;
	[tilespmem:s24+$0x30] =	vst v16;
	v3 =	vadd.s32 v3, v9  }
0x114: {  	v28 =	vmul.f32 v13, v10;
	[tilespmem:s24+$0x10] =	vst v2;
	v3 =	vbroadcast v3, $0x0  }
0x115: {  	v2 =	vmul.f32 v11, v10;
	[tilespmem:s24+$0x20] =	vst v4  }
0x116: {  	v8 =	vmul.f32 v14, v10;
	[tilespmem:s24+$0x50] =	vst v28  }
0x117: {  	[tilespmem:s24+$0x70] =	vst v2;
	v2 =	vmul.f32 v15, v10  }
0x118: {  	[tilespmem:s24+$0x60] =	vst v8  }
0x119: {  	v6 =	vld [tilespmem:s24+$0x80];
	[tilespmem:s24+$0x40] =	vst v2  }
0x11a: {  	v3 =	vld.idx.msk [tilespmem:v3+s18+$0x0], $0xffff  }
0x11b: {  	v29 =	vld [tilespmem:s24+$0xC0]  }
0x11c: {  	v30 =	vld [tilespmem:s24+$0xA0]  }
0x11d: {  	v31 =	vld [tilespmem:s24+$0xD0]  }
0x11e: {  	s23 =	sadd.s32 $0xFFFFFFFF, s25;
	v2 =	vld [tilespmem:s24+$0xF0]  }
0x11f: {  	v32 =	vld [tilespmem:s24+$0xB0];
	v34 =	vmov s23;
	v6 =	vmul.f32 v6, v3  }
0x120: {  	v35 =	vld [tilespmem:s24+$0xE0];
	v12 =	vshrl.u32 v34, $0x3;
	v4 =	vmul.f32 v29, v3  }
0x121: {  	v33 =	vld [tilespmem:s24+$0x90];
	v36 =	vshll.u32 v12, v1;
	v8 =	vmul.f32 v30, v3;
	[tilespmem:s24+$0x80] =	vst v6  }
0x122: {  	v37 =	vadd.s32 v36, v7;
	v9 =	vmul.f32 v31, v3;
	[tilespmem:s24+$0xC0] =	vst v4  }
0x123: {  	v2 =	vmul.f32 v2, v3;
	[tilespmem:s24+$0xA0] =	vst v8;
	v4 =	vbroadcast v37, $0x0  }
0x124: {  	v38 =	vmul.f32 v32, v3;
	[tilespmem:s24+$0xD0] =	vst v9  }
0x125: {  	v39 =	vmul.f32 v35, v3;
	[tilespmem:s24+$0xF0] =	vst v2  }
0x126: {  	v2 =	vmul.f32 v33, v3;
	[tilespmem:s24+$0xB0] =	vst v38  }
0x127: {  	[tilespmem:s24+$0xE0] =	vst v39  }
0x128: {  	v3 =	vld [tilespmem:s24+$0x100];
	[tilespmem:s24+$0x90] =	vst v2  }
0x129: {  	v2 =	vld.idx.msk [tilespmem:v4+s18+$0x0], $0xffff  }
0x12a: {  	v41 =	vld [tilespmem:s24+$0x130]  }
0x12b: {  	v42 =	vld [tilespmem:s24+$0x140]  }
0x12c: {  	v43 =	vld [tilespmem:s24+$0x150]  }
0x12d: {  	v40 =	vld [tilespmem:s24+$0x160]  }
0x12e: {  	v45 =	vld [tilespmem:s24+$0x170];
	v46 =	vmov s25;
	v3 =	vmul.f32 v3, v2  }
0x12f: {  	v44 =	vld [tilespmem:s24+$0x110];
	v11 =	vshrl.u32 v46, $0x3;
	v4 =	vmul.f32 v41, v2  }
0x130: {  	v47 =	vld [tilespmem:s24+$0x120];
	v48 =	vshll.u32 v11, v1;
	[tilespmem:s24+$0x100] =	vst v3;
	v3 =	vmul.f32 v42, v2  }
0x131: {  	v49 =	vadd.s32 v48, v5;
	v8 =	vmul.f32 v43, v2;
	[tilespmem:s24+$0x130] =	vst v4  }
0x132: {  	v50 =	vmul.f32 v40, v2;
	[tilespmem:s24+$0x140] =	vst v3;
	v3 =	vbroadcast v49, $0x0  }
0x133: {  	v51 =	vmul.f32 v45, v2;
	[tilespmem:s24+$0x150] =	vst v8  }
0x134: {  	v52 =	vmul.f32 v44, v2;
	[tilespmem:s24+$0x160] =	vst v50  }
0x135: {  	v2 =	vmul.f32 v47, v2;
	[tilespmem:s24+$0x170] =	vst v51  }
0x136: {  	[tilespmem:s24+$0x110] =	vst v52  }
0x137: {  	v53 =	vld [tilespmem:s24+$0x180];
	[tilespmem:s24+$0x120] =	vst v2  }
0x138: {  	v2 =	vld.idx.msk [tilespmem:v3+s18+$0x0], $0xffff  }
0x139: {  	v3 =	vld [tilespmem:s24+$0x190]  }
0x13a: {  	v54 =	vld [tilespmem:s24+$0x1C0]  }
0x13b: {  	v55 =	vld [tilespmem:s24+$0x1D0]  }
0x13c: {  	v57 =	vld [tilespmem:s24+$0x1B0]  }
0x13d: {  	v58 =	vld [tilespmem:s24+$0x1A0];
	v4 =	vmul.f32 v53, v2  }
0x13e: {  	v56 =	vld [tilespmem:s24+$0x1E0];
	v3 =	vmul.f32 v3, v2  }
0x13f: {  	v59 =	vld [tilespmem:s24+$0x1F0];
	v60 =	vmul.f32 v54, v2;
	[tilespmem:s24+$0x180] =	vst v4  }
0x140: {  	v61 =	vmul.f32 v55, v2;
	[tilespmem:s24+$0x190] =	vst v3  }
0x141: {  	v62 =	vmul.f32 v57, v2;
	[tilespmem:s24+$0x1C0] =	vst v60  }
0x142: {  	v63 =	vmul.f32 v58, v2;
	[tilespmem:s24+$0x1D0] =	vst v61  }
0x143: {  	v3 =	vmul.f32 v56, v2;
	[tilespmem:s24+$0x1B0] =	vst v62  }
0x144: {  	s21 =	sadd.s32 $0x1, s21;
	v2 =	vmul.f32 v59, v2;
	[tilespmem:s24+$0x1A0] =	vst v63  }
0x145: {  	p0 =	sne.s32 s21, $0x4F;
	[tilespmem:s24+$0x1E0] =	vst v3  }
.Ltmp2:
0x146: {  	s22 =	sadd.s32 $0x2780, s22;
	[tilespmem:s24+$0x1F0] =	vst v2;
	(pc) =	sbr.rel @p0 .LBB2_4-.Ltmp2, $4  }
0x147: {  	[spmem:s3] =	stream.indirect.scatter.add.f32 [tilespmem:s15], [sflag:$0x2], $0x80, s22, s19, $0xb8;
	[tilespmem:$0x1EF00] =	vst v63  }
0x148: {  	_ =	swait.ge [sflag:s16], $0x4000  }
0x149: {  	[sflag:s16] =	ssyncset.done $0x0  }
0x14a: {  	[sflag:s16] =	ssyncadd.s32 $0xFFFFC000  }
0x14b: {  	s4 =	sadd.s32 $0x1, s4  }
0x14c: {  	s21 =	sshll.u32 s2, $0x6;
	[bflag:$0x0] =	sbarrier.arrive $0xFFFF;
	p0 =	sne.s32 s4, s14  }
.Ltmp3:
0x14d: {  	s22 =	sshrl.u32 s5, $0x3;
	s21 =	sor.u32 $0x1C02, s21;
	(pc) =	sbr.rel @p0 .LBB2_1-.Ltmp3, $4  }
0x14e: {  	[hbm:s13], [sflag:s21] =	dma.local [spmem:s22], $0x2710  }
0x14f: {  	_ =	swait.ge [sflag:s16], $0x2710  }
0x150: {  	[sflag:s16] =	ssyncset.done $0x0  }
0x151: {  	[sflag:s16] =	ssyncadd.s32 $0xFFFFD8F0  }
0x152: {  	_ =	sfence.sel $0x180000  }
0x153: {  	[bflag:$0x0] =	sbarrier.arrive $0xFFFF  }
0x154: {  	p0 =	sne.s32 s2, $0x0;
	_ =	strace $0x9000004D  }
0x155: {  	s0 =	sadd.s32 @!p0 $0x100000, s0;
	[bflag:$0x2] =	sbarrier.arrive $0xFFFF  }
0x156: {  	[sflag:s0] =	ssyncadd.tile.s32 @!p0 $0x1;
	_ =	shalt  }
.Lfunc_end2:
_tile_overlayer_lowered:
.L_overlay_start_2:
0x157: {  	(tag) =	ssettag $0x2  }
0x158: {  	s0 =	rddreg [dreg:$0x0];
	s2 =	stileid.u32  }
0x159: {  	s1 =	rddreg [dreg:$0x1];
	p0 =	sne.s32 s2, $0x0  }
0x15a: {  	s3 =	rddreg [dreg:$0x2];
	[bflag:$0x3] =	sbarrier.arrive $0xFFFF;
	s2 =	simm.s32 @!p0 $0x1C02  }
0x15b: {  	[timem:s3], [sflag:s2] =	dma.local @!p0 [hbm:s0], s1  }
0x15c: {  	s0 =	simm.s32 @!p0 $0x2  }
0x15d: {  	_ =	swait.ge @!p0 [sflag:s0], s1  }
0x15e: {  	s1 =	ssub.s32 @!p0 $0x0, s1;
	[sflag:s0] =	ssyncset.done @!p0 $0x0  }
0x15f: {  	[sflag:s0] =	ssyncadd.s32 @!p0 s1  }
0x160: {  	[bflag:$0x3] =	sbarrier.arrive $0xFFFF  }
0x161: {  	_ =	shalt  }

// kernel: kernel.8.cloned.1.call-start
scs
__scs_entry_jumppad:
0x0: {  	(pc) =	sbr.rel $0x88, $3  }
0x1: {  	(tag) =	ssettag $0x0;
	lr =	simm.s32 $0x1  }
0x2: {  	[smem:$0x3F9A] =	sst lr;
	_ =	strace $0xD0000000  }
0x3: {  	_ = 	snop  }
0x4: {  	_ = 	snop  }
0x5: {  	_ = 	snop  }
0x6: {  	_ = 	snop  }
0x7: {  	_ = 	snop  }
__scs_overlays_trampoline_lowered:
0x8: {  	[smem:$0x3FA9] =	sst s0  }
0x9: {  	[smem:$0x3FAA] =	sst s1  }
0xa: {  	[smem:$0x3FAB] =	sst s2  }
0xb: {  	[smem:$0x3FAC] =	sst s3  }
0xc: {  	[smem:$0x3FAD] =	sst s4  }
0xd: {  	[smem:$0x3FAE] =	sst s5  }
0xe: {  	[smem:$0x3FAF] =	sst s6  }
0xf: {  	[smem:$0x3FB0] =	sst s7  }
0x10: {  	[smem:$0x3FB1] =	sst s8  }
0x11: {  	[smem:$0x3FB2] =	sst s9;
	s0 =	simm.s32 @!p0 $0x0  }
0x12: {  	s1 =	sld [smem:$0x3F98];
	s0 =	simm.s32 @p0 $0x1  }
0x13: {  	[smem:$0x3FB3] =	sst s0;
	s0 =	simm.s32 @!p1 $0x0  }
0x14: {  	s2 =	sld [smem:$0x3F97];
	s0 =	simm.s32 @p1 $0x1  }
0x15: {  	[smem:$0x3FB4] =	sst s0;
	s0 =	simm.s32 @!p2 $0x0  }
0x16: {  	s3 =	sld [smem:$0x3FDB];
	s0 =	simm.s32 @p2 $0x1  }
0x17: {  	s4 =	simm.s32 $0x1BF5;
	[smem:$0x3FB6] =	sst s0  }
0x18: {  	s0 =	sld [smem:$0x3F99];
	_ =	swait.ge [sflag:s4], $0x0  }
0x19: {  	s7 =	sld [smem:$0x3F9A]  }
0x1a: {  	s8 =	sadd.s32 $0xFFFFE003, lr  }
0x1b: {  	s9 =	sadd.s32 $0xFFFFFEF7, lr;
	s5 =	simm.s32 $0xFFFFFFFF;
	p2 =	slt.u32 s8, $0xFFFFF086  }
0x1c: {  	p1 =	slt.u32 s9, $0xF7A;
	s5 =	simm.s32 @!p2 $0x0  }
0x1d: {  	s5 =	simm.s32 @p1 $0x1;
	p0 =	seq.s32 s7, s2  }
0x1e: {  	s7 =	smul.u32 @!p0 $0xF7A, s2;
	p2 =	seq.s32 @!p0 s5, $0x0  }
0x1f: {  	s9 =	smul.u32 $0xF7A, s1;
	s8 =	simm.s32 @!p0 $0x1BF5;
	p2 =	por !p2, p0  }
0x20: {  	[sflag:s8] =	ssyncset.s32 @!p0 $0xFFFFF086;
	s6 =	sadd.s32 @!p0 s3, s7;
	s7 =	simm.s32 @!p0 $0x108  }
0x21: {  	s3 =	sadd.s32 s3, s9;
	s6 =	sadd.s32 @!p0 $0x88, s6;
	s7 =	simm.s32 @p2 $0x1082  }
0x22: {  	[simem:s7], [sflag:s8] =	dma.local @!p0 [hbm:s6], $0xF7A  }
0x23: {  	s9 =	sor.u32 $0xD0000000, s2;
	s6 =	simm.s32 $0x108;
	_ =	swait.ge @!p0 [sflag:s8], $0x0  }
0x24: {  	s3 =	sadd.s32 $0x88, s3;
	s6 =	simm.s32 @!p1 $0x1082;
	[sflag:s4] =	ssyncset.s32 $0xFFFFF086  }
0x25: {  	[simem:s6], [sflag:s4] =	dma.local [hbm:s3], $0xF7A  }
0x26: {  	[smem:$0x3F9A] =	sst s1;
	(tag) =	ssettag s2;
	_ =	strace s9  }
0x27: {  	s1 =	sld [smem:$0x3FAA]  }
0x28: {  	s2 =	sld [smem:$0x3FAB]  }
0x29: {  	s4 =	sld [smem:$0x3FAD]  }
0x2a: {  	p0 =	seq.s32 s5, $0x0;
	s5 =	sld [smem:$0x3FAE]  }
0x2b: {  	s6 =	sld [smem:$0x3FAF]  }
0x2c: {  	s7 =	sld [smem:$0x3FB0]  }
0x2d: {  	s3 =	simm.s32 $0x108;
	s8 =	sld [smem:$0x3FB1]  }
0x2e: {  	s3 =	simm.s32 @!p0 $0x1082;
	s9 =	sld [smem:$0x3FB2]  }
0x2f: {  	lr =	sadd.s32 s0, s3;
	s0 =	sld [smem:$0x3FA9]  }
0x30: {  	s3 =	sld [smem:$0x3FAC]  }
0x31: {  	[smem:$0x3FB5] =	sst s10  }
0x32: {  	s10 =	sld [smem:$0x3FB3];
	_ =	sdelay $0x3  }
0x33: {  	p0 =	seq.s32 s10, $0x1;
	s10 =	sld [smem:$0x3FB5];
	_ =	sdelay $0x3  }
0x34: {  	[smem:$0x3FB5] =	sst s10  }
0x35: {  	s10 =	sld [smem:$0x3FB4];
	_ =	sdelay $0x3  }
0x36: {  	p1 =	seq.s32 s10, $0x1;
	s10 =	sld [smem:$0x3FB5];
	_ =	sdelay $0x3  }
0x37: {  	[smem:$0x3FB5] =	sst s10  }
0x38: {  	s10 =	sld [smem:$0x3FB6]  }
0x39: {  	_ = 	snop;
	(pc) =	sbr.ind lr, $3  }
0x3a: {  	_ = 	snop  }
0x3b: {  	_ = 	snop  }
0x3c: {  	p2 =	seq.s32 s10, $0x1;
	s10 =	sld [smem:$0x3FB5]  }
0x3d: {  	_ =	shalt  }
0x3e: {  	_ =	shalt  }
0x3f: {  	_ =	shalt  }
0x40: {  	_ =	shalt  }
0x41: {  	_ =	shalt  }
0x42: {  	_ =	shalt  }
0x43: {  	_ =	shalt  }
0x44: {  	_ =	shalt  }
0x45: {  	_ =	shalt  }
0x46: {  	_ =	shalt  }
0x47: {  	_ =	shalt  }
0x48: {  	_ =	shalt  }
0x49: {  	_ =	shalt  }
0x4a: {  	_ =	shalt  }
0x4b: {  	_ =	shalt  }
0x4c: {  	_ =	shalt  }
0x4d: {  	_ =	shalt  }
0x4e: {  	_ =	shalt  }
0x4f: {  	_ =	shalt  }
0x50: {  	_ =	shalt  }
0x51: {  	_ =	shalt  }
0x52: {  	_ =	shalt  }
0x53: {  	_ =	shalt  }
0x54: {  	_ =	shalt  }
0x55: {  	_ =	shalt  }
0x56: {  	_ =	shalt  }
0x57: {  	_ =	shalt  }
0x58: {  	_ =	shalt  }
0x59: {  	_ =	shalt  }
0x5a: {  	_ =	shalt  }
0x5b: {  	_ =	shalt  }
0x5c: {  	_ =	shalt  }
0x5d: {  	_ =	shalt  }
0x5e: {  	_ =	shalt  }
0x5f: {  	_ =	shalt  }
0x60: {  	_ =	shalt  }
0x61: {  	_ =	shalt  }
0x62: {  	_ =	shalt  }
0x63: {  	_ =	shalt  }
0x64: {  	_ =	shalt  }
0x65: {  	_ =	shalt  }
0x66: {  	_ =	shalt  }
0x67: {  	_ =	shalt  }
0x68: {  	_ =	shalt  }
0x69: {  	_ =	shalt  }
0x6a: {  	_ =	shalt  }
0x6b: {  	_ =	shalt  }
0x6c: {  	_ =	shalt  }
0x6d: {  	_ =	shalt  }
0x6e: {  	_ =	shalt  }
0x6f: {  	_ =	shalt  }
0x70: {  	_ =	shalt  }
0x71: {  	_ =	shalt  }
0x72: {  	_ =	shalt  }
0x73: {  	_ =	shalt  }
0x74: {  	_ =	shalt  }
0x75: {  	_ =	shalt  }
0x76: {  	_ =	shalt  }
0x77: {  	_ =	shalt  }
0x78: {  	_ =	shalt  }
0x79: {  	_ =	shalt  }
0x7a: {  	_ =	shalt  }
0x7b: {  	_ =	shalt  }
0x7c: {  	_ =	shalt  }
0x7d: {  	_ =	shalt  }
0x7e: {  	_ =	shalt  }
0x7f: {  	_ =	shalt  }
0x80: {  	_ =	shalt  }
0x81: {  	_ =	shalt  }
0x82: {  	_ =	shalt  }
0x83: {  	_ =	shalt  }
0x84: {  	_ =	shalt  }
0x85: {  	_ =	shalt  }
0x86: {  	_ =	shalt  }
0x87: {  	_ =	shalt  }
.Lfunc_end0:
.L_simem_size_0:
called_computation_lowered:
.L_overlay_start_0:
0x88: {  	s2 =	sld [smem:$0x3FD9]  }
0x89: {  	s3 =	sld [smem:$0x3FFE];
	_ =	sdelay $0x1  }
0x8a: {  	s1 =	srdreg.scid  }
0x8b: {  	s0 =	sand.u32 $0x1, s1  }
0x8c: {  	s17 =	sshll.u32 s0, $0xA;
	s2 =	sadd.s32 s3, s2  }
0x8d: {  	s2 =	sadd.s32 s2, s17  }
0x8e: {  	[smem:$0x3FC1] =	sst s2  }
0x8f: {  	_ = 	snop  }
0x90: {  	s2 =	sld [smem:$0x3FD0];
	(tm) =	ssettm $0x1  }
0x91: {  	s18 =	sld [smem:$0x3FFB];
	_ =	sdelay $0x3  }
0x92: {  	_ =	strace s18  }
0x93: {  	s3 =	sld [smem:$0x3FFC];
	_ =	sdelay $0x3  }
0x94: {  	_ =	strace s3  }
0x95: {  	s3 =	sld [smem:$0x3FFD];
	_ =	sdelay $0x3  }
0x96: {  	_ =	strace s3  }
0x97: {  	_ =	strace $0x8FFFFFFF  }
0x98: {  	s19 =	sld [smem:$0x3FDB];
	_ =	sdelay $0x1  }
0x99: {  	s4 =	simm.s32 $_scs_section_size  }
0x9a: {  	s5 =	simm.s32 $_size__tile_overlayer_lowered;
	s6 =	simm.s32 $_tile_overlayer_lowered  }
0x9b: {  	s22 =	simm.s32 $0x1BFF;
	s21 =	sshll.u32 s6, $0x1;
	s3 =	sadd.s32 s4, s19  }
0x9c: {  	s7 =	simm.s32 $0x0;
	s20 =	sshll.u32 s5, $0x1;
	s5 =	sadd.s32 s21, s3  }
0x9d: {  	[timem:s7], [sflag:s22] =	dma.local [hbm:s5], s20  }
0x9e: {  	_ =	swait.ge [sflag:s22], s20  }
0x9f: {  	s4 =	ssub.s32 $0x0, s20;
	[sflag:s22] =	ssyncset.done $0x0  }
0xa0: {  	[sflag:s22] =	ssyncadd.s32 s4;
	_ =	sdelay $0x1  }
0xa1: {  	s23 =	simm.s32 $0x1B8B  }
0xa2: {  	_ =	swait.ge [sflag:s23], $0x1  }
0xa3: {  	[sflag:s23] =	ssyncset.done $0x0  }
0xa4: {  	s25 =	simm.s32 $0x1B8E;
	s24 =	sld [smem:$0x3FFE];
	[sflag:s23] =	ssyncadd.s32 $0xFFFFFFFF  }
0xa5: {  	s26 =	simm.s32 $execute0_lowered;
	[smem:$0x3FD2] =	sst s25  }
0xa6: {  	s5 =	sshll.u32 s26, $0x1;
	_ =	strace $0x80000046;
	[dreg:$0x1] =	wrdreg $0xFFFFFFFF  }
0xa7: {  	s28 =	simm.s32 $_size_execute0_lowered;
	s3 =	sadd.s32 s3, s5;
	[dreg:$0x0] =	wrdreg $0x0  }
0xa8: {  	s5 =	sshll.u32 s28, $0x1;
	[dreg:$0x2] =	wrdreg s3  }
0xa9: {  	[dreg:$0x3] =	wrdreg s5  }
0xaa: {  	[dreg:$0x4] =	wrdreg $0xC0  }
0xab: {  	_ =	task [dreg:s7], $0x5FFFF  }
0xac: {  	[dreg:$0x1] =	wrdreg $0xFFFFFFFF  }
0xad: {  	[dreg:$0x0] =	wrdreg $0x60  }
0xae: {  	[dreg:$0x2] =	wrdreg s24  }
0xaf: {  	[dreg:$0x3] =	wrdreg s2  }
0xb0: {  	[dreg:$0x4] =	wrdreg $0x57000  }
0xb1: {  	[dreg:$0x5] =	wrdreg $0x9  }
0xb2: {  	_ =	task.clear_ibuf [dreg:s7], $0x6FFFF;
	_ =	strace $0x90000046  }
0xb3: {  	s29 =	simm.s32 $0x9;
	_ =	strace $0x80000048  }
0xb4: {  	_ =	swait.ge [sflag:s29], $0x1  }
0xb5: {  	[sflag:s29] =	ssyncadd.s32 $0xFFFFFFFF  }
0xb6: {  	_ =	strace $0x90000048  }
0xb7: {  	_ =	sfence  }
0xb8: {  	s30 =	sld [smem:$0x0];
	_ =	sdelay $0x2  }
0xb9: {  	s31 =	sshll.u32 s1, $0xD;
	s1 =	sshrl.u32 s1, $0x2  }
0xba: {  	s3 =	sand.u32 $0x4000, s31;
	s1 =	sadd.s32 s1, s30  }
0xbb: {  	s0 =	sor.u32 s3, s0;
	s1 =	sshll.u32 s1, $0x11  }
0xbc: {  	s0 =	sor.u32 s1, s0  }
0xbd: {  	s0 =	sadd.s32 $0x8F2B, s0  }
0xbe: {  	[sflag:s0] =	ssyncadd.remote.s32 $0x1  }
0xbf: {  	_ =	sfence.sel $0xFFFF  }
0xc0: {  	[dreg:$0x0] =	wrdreg $0xFFFFFFFF;
	(pc) =	sbr.abs _section_cstart, $3  }
0xc1: {  	[dreg:$0x1] =	wrdreg $0xFFFFFFFF  }
0xc2: {  	_ =	task.clear_ibuf [dreg:s7], $0x2FFFF;
	_ =	strace $0x9FFFFFFF  }
0xc3: {  	(tm) =	ssettm $0x7FFFFFFF  }
tec
execute0_lowered:
.L_overlay_start_1:
0x0: {  	(tag) =	ssettag $0x1  }
0x1: {  	s4 =	rddreg [dreg:$0x0];
	s1 =	srdreg.scid  }
0x2: {  	s0 =	stileid.u32;
	s11 =	rddreg [dreg:$0x1]  }
0x3: {  	s2 =	rddreg [dreg:$0x2];
	s3 =	simm.s32 $0x0;
	s14 =	simm.s32 $0x1  }
0x4: {  	s15 =	simm.s32 $0x2780;
	s16 =	simm.s32 $0x80;
	s5 =	sand.u32 $0x1, s1  }
0x5: {  	s29 =	sshll.u32 s0, $0x1;
	s1 =	rddreg [dreg:$0x3];
	s7 =	smul.u32 $0x9C40, s0  }
0x6: {  	[smem:$0x7FF] =	sst s3;
	s9 =	smul.u32 $0x2710, s0;
	s17 =	sshll.u32 s0, $0x6  }
0x7: {  	s6 =	sor.u32 s5, s29;
	s30 =	ssub.s32 $0x2, s5;
	s13 =	smul.u32 $0x27100, s5  }
0x8: {  	_ =	strace $0x80000047;
	s6 =	smul.u32 $0x4F0, s6;
	s31 =	sshrl.u32 s30, $0x1  }
0x9: {  	v0 =	vlaneseq.u32;
	s17 =	sor.u32 $0x1C01, s17;
	s7 =	sshrl.u32 s7, $0x2;
	s12 =	ssub.s32 s30, s31  }
0xa: {  	v0 =	vmul.u32 $0x10, v0;
	s8 =	sadd.s32 s7, s2;
	s13 =	sadd.s32 s9, s13;
	s10 =	sadd.s32 s6, s4  }
0xb: {  	s4 =	sadd.s32 s9, s2;
	s5 =	sadd.s32 $0x800, s8;
	s6 =	sadd.s32 $0x1000, s8  }
0xc: {  	v1 =	vimm.f32 $0.0e+00;
	v2 =	vor.u32 $0x100, v0;
	s7 =	sadd.s32 $0x1800, s8;
	s8 =	sadd.s32 $0x2000, s8;
	s13 =	sshrl.u32 s13, $0x3  }
0xd: {  	v3 =	vor.u32 $0x200, v0;
	v4 =	vor.u32 $0x300, v0;
	v5 =	vor.u32 $0x400, v0;
	s12 =	smax.u32 s12, $0x1;
	s9 =	sadd.s32 $0xC800, s10;
	s10 =	sadd.s32 $0x2A00, s10  }
0xe: {  	v6 =	vor.u32 $0x500, v0;
	v7 =	vor.u32 $0x600, v0;
	v8 =	vor.u32 $0x700, v0;
	s11 =	sadd.s32 s11, s13;
	s13 =	simm.s32 $0x4F00;
	s18 =	sshrl.u32 s4, $0x3  }
.LBB2_1:
0xf: {  	s19 =	simm.s32 $0x40;
	s20 =	simm.s32 $0x0  }
.LBB2_2:
0x10: {  	p0 =	sne.s32 s19, $0x1FC0;
	[tilespmem:s20+$0x4F00] =	vst v1;
	s20 =	smov.u32 s19;
	s19 =	sadd.s32 $0x40, s19  }
.Ltmp0:
0x11: {  	(pc) =	sbr.rel @p0 .LBB2_2-.Ltmp0, $2  }
0x12: {  	_ =	sdelay $0x2  }
0x13: {  	s20 =	sshra.s32 s20, $0x2  }
0x14: {  	[tilespmem:s20+$0x4F00] =	vst v1  }
0x15: {  	[spmem:s4] =	stream.linear.scatter [tilespmem:s13], [sflag:$0x1], $0x800, $0x38;
	[tilespmem:$0x7E10] =	vst v63  }
0x16: {  	_ =	swait.ge [sflag:s14], $0x800  }
0x17: {  	[sflag:s14] =	ssyncset.done $0x0  }
0x18: {  	[sflag:s14] =	ssyncadd.s32 $0xFFFFF800  }
0x19: {  	[spmem:s5] =	stream.linear.scatter [tilespmem:s13], [sflag:$0x1], $0x800, $0x38;
	[tilespmem:$0x7E10] =	vst v63  }
0x1a: {  	_ =	swait.ge [sflag:s14], $0x800  }
0x1b: {  	[sflag:s14] =	ssyncset.done $0x0  }
0x1c: {  	[sflag:s14] =	ssyncadd.s32 $0xFFFFF800  }
0x1d: {  	[spmem:s6] =	stream.linear.scatter [tilespmem:s13], [sflag:$0x1], $0x800, $0x38;
	[tilespmem:$0x7E10] =	vst v63  }
0x1e: {  	_ =	swait.ge [sflag:s14], $0x800  }
0x1f: {  	[sflag:s14] =	ssyncset.done $0x0  }
0x20: {  	[sflag:s14] =	ssyncadd.s32 $0xFFFFF800  }
0x21: {  	[spmem:s7] =	stream.linear.scatter [tilespmem:s13], [sflag:$0x1], $0x800, $0x38;
	[tilespmem:$0x7E10] =	vst v63  }
0x22: {  	_ =	swait.ge [sflag:s14], $0x800  }
0x23: {  	[sflag:s14] =	ssyncset.done $0x0  }
0x24: {  	[sflag:s14] =	ssyncadd.s32 $0xFFFFF800  }
0x25: {  	[spmem:s8] =	stream.linear.scatter [tilespmem:s13], [sflag:$0x1], $0x710, $0x38;
	[tilespmem:$0x7E10] =	vst v63  }
0x26: {  	_ =	swait.ge [sflag:s14], $0x710  }
0x27: {  	[sflag:s14] =	ssyncset.done $0x0  }
0x28: {  	s19 =	simm.s32 $0x0;
	[sflag:s14] =	ssyncadd.s32 $0xFFFFF8F0  }
0x29: {  	[tilespmem:s19], [sflag:$0x1] =	stream.linear.gather [hbm4b:s9+s19], $0x2780, $0x38;
	[tilespmem:$0x7E10] =	vst v63  }
0x2a: {  	_ =	swait.ge [sflag:s14], $0x2780  }
0x2b: {  	[sflag:s14] =	ssyncset.done $0x0  }
0x2c: {  	[sflag:s14] =	ssyncadd.s32 $0xFFFFD880  }
0x2d: {  	[tilespmem:s15], [sflag:$0x1] =	stream.linear.gather [hbm4b:s10+s19], $0x2780, $0x38;
	[tilespmem:$0x7E10] =	vst v63  }
0x2e: {  	_ =	swait.ge [sflag:s14], $0x2780  }
0x2f: {  	[sflag:s14] =	ssyncset.done $0x0  }
0x30: {  	[sflag:s14] =	ssyncadd.s32 $0xFFFFD880  }
0x31: {  	s31 =	simm.s32 $0x0;
	[bflag:$0x0] =	sbarrier.arrive $0xFFFF  }
0x32: {  	v9 =	vld [tilespmem:s31+$0x2780];
	_ =	sdelay $0x4  }
0x33: {  	[tilespmem:v0+s13+$0x0] =	vst.idx.msk $0xffff, v9  }
0x34: {  	v9 =	vld [tilespmem:s31+$0x2790];
	_ =	sdelay $0x4  }
0x35: {  	[tilespmem:v2+s13+$0x0] =	vst.idx.msk $0xffff, v9  }
0x36: {  	v9 =	vld [tilespmem:s31+$0x27A0];
	_ =	sdelay $0x4  }
0x37: {  	[tilespmem:v3+s13+$0x0] =	vst.idx.msk $0xffff, v9  }
0x38: {  	v9 =	vld [tilespmem:s31+$0x27B0];
	_ =	sdelay $0x4  }
0x39: {  	[tilespmem:v4+s13+$0x0] =	vst.idx.msk $0xffff, v9  }
0x3a: {  	v9 =	vld [tilespmem:s31+$0x27C0];
	_ =	sdelay $0x4  }
0x3b: {  	[tilespmem:v5+s13+$0x0] =	vst.idx.msk $0xffff, v9  }
0x3c: {  	v9 =	vld [tilespmem:s31+$0x27D0];
	_ =	sdelay $0x4  }
0x3d: {  	[tilespmem:v6+s13+$0x0] =	vst.idx.msk $0xffff, v9  }
0x3e: {  	v9 =	vld [tilespmem:s31+$0x27E0];
	_ =	sdelay $0x4  }
0x3f: {  	[tilespmem:v7+s13+$0x0] =	vst.idx.msk $0xffff, v9  }
0x40: {  	v9 =	vld [tilespmem:s31+$0x27F0];
	_ =	sdelay $0x4  }
0x41: {  	[tilespmem:v8+s13+$0x0] =	vst.idx.msk $0xffff, v9  }
0x42: {  	[spmem:s2] =	stream.indirect.scatter.add.f32 [tilespmem:s13], [sflag:$0x1], $0x10, s31, s16, $0xb8;
	[tilespmem:$0x7E10] =	vst v63  }
0x43: {  	_ =	swait.ge [sflag:s14], $0x800  }
0x44: {  	s22 =	simm.s32 $0x400;
	s19 =	simm.s32 $0x200;
	[sflag:s14] =	ssyncset.done $0x0  }
.LBB2_4:
0x45: {  	s21 =	sshra.s32 s19, $0x2  }
0x46: {  	[sflag:s14] =	ssyncadd.s32 $0xFFFFF800;
	s19 =	smov.u32 s22;
	s20 =	sadd.s32 $0x200, s22  }
0x47: {  	p0 =	sne.s32 s22, $0x9C00;
	v9 =	vld [tilespmem:s21+$0x2780];
	_ =	sdelay $0x4  }
0x48: {  	[tilespmem:v0+s13+$0x0] =	vst.idx.msk $0xffff, v9  }
0x49: {  	v9 =	vld [tilespmem:s21+$0x2790];
	_ =	sdelay $0x4  }
0x4a: {  	[tilespmem:v2+s13+$0x0] =	vst.idx.msk $0xffff, v9  }
0x4b: {  	v9 =	vld [tilespmem:s21+$0x27A0];
	_ =	sdelay $0x4  }
0x4c: {  	[tilespmem:v3+s13+$0x0] =	vst.idx.msk $0xffff, v9  }
0x4d: {  	v9 =	vld [tilespmem:s21+$0x27B0];
	_ =	sdelay $0x4  }
0x4e: {  	[tilespmem:v4+s13+$0x0] =	vst.idx.msk $0xffff, v9  }
0x4f: {  	v9 =	vld [tilespmem:s21+$0x27C0];
	_ =	sdelay $0x4  }
0x50: {  	[tilespmem:v5+s13+$0x0] =	vst.idx.msk $0xffff, v9  }
0x51: {  	v9 =	vld [tilespmem:s21+$0x27D0];
	_ =	sdelay $0x4  }
0x52: {  	[tilespmem:v6+s13+$0x0] =	vst.idx.msk $0xffff, v9  }
0x53: {  	v9 =	vld [tilespmem:s21+$0x27E0];
	_ =	sdelay $0x4  }
0x54: {  	[tilespmem:v7+s13+$0x0] =	vst.idx.msk $0xffff, v9  }
0x55: {  	v9 =	vld [tilespmem:s21+$0x27F0];
	_ =	sdelay $0x3  }
.Ltmp1:
0x56: {  	(pc) =	sbr.rel @p0 .LBB2_4-.Ltmp1, $4  }
0x57: {  	[tilespmem:v8+s13+$0x0] =	vst.idx.msk $0xffff, v9  }
0x58: {  	[spmem:s2] =	stream.indirect.scatter.add.f32 [tilespmem:s13], [sflag:$0x1], $0x10, s21, s16, $0xb8;
	[tilespmem:$0x7E10] =	vst v63  }
0x59: {  	_ =	swait.ge [sflag:s14], $0x800  }
0x5a: {  	s22 =	smov.u32 s20;
	[sflag:s14] =	ssyncset.done $0x0  }
0x5b: {  	s19 =	sshra.s32 s19, $0x2;
	[sflag:s14] =	ssyncadd.s32 $0xFFFFF800  }
0x5c: {  	v9 =	vld [tilespmem:s19+$0x2780];
	_ =	sdelay $0x4  }
0x5d: {  	[tilespmem:v0+s13+$0x0] =	vst.idx.msk $0xffff, v9  }
0x5e: {  	v9 =	vld [tilespmem:s19+$0x2790];
	_ =	sdelay $0x4  }
0x5f: {  	[tilespmem:v2+s13+$0x0] =	vst.idx.msk $0xffff, v9  }
0x60: {  	v9 =	vld [tilespmem:s19+$0x27A0];
	_ =	sdelay $0x4  }
0x61: {  	[tilespmem:v3+s13+$0x0] =	vst.idx.msk $0xffff, v9  }
0x62: {  	v9 =	vld [tilespmem:s19+$0x27B0];
	_ =	sdelay $0x4  }
0x63: {  	[tilespmem:v4+s13+$0x0] =	vst.idx.msk $0xffff, v9  }
0x64: {  	v9 =	vld [tilespmem:s19+$0x27C0];
	_ =	sdelay $0x4  }
0x65: {  	[tilespmem:v5+s13+$0x0] =	vst.idx.msk $0xffff, v9  }
0x66: {  	v9 =	vld [tilespmem:s19+$0x27D0];
	_ =	sdelay $0x4  }
0x67: {  	[tilespmem:v6+s13+$0x0] =	vst.idx.msk $0xffff, v9  }
0x68: {  	v9 =	vld [tilespmem:s19+$0x27E0];
	_ =	sdelay $0x4  }
0x69: {  	[tilespmem:v7+s13+$0x0] =	vst.idx.msk $0xffff, v9  }
0x6a: {  	v9 =	vld [tilespmem:s19+$0x27F0];
	_ =	sdelay $0x4  }
0x6b: {  	[tilespmem:v8+s13+$0x0] =	vst.idx.msk $0xffff, v9  }
0x6c: {  	[spmem:s2] =	stream.indirect.scatter.add.f32 [tilespmem:s13], [sflag:$0x1], $0x10, s19, s16, $0xb8;
	[tilespmem:$0x7E10] =	vst v63  }
0x6d: {  	_ =	swait.ge [sflag:s14], $0x800  }
0x6e: {  	s3 =	sadd.s32 $0x1, s3;
	[sflag:s14] =	ssyncset.done $0x0  }
0x6f: {  	p0 =	sne.s32 s3, s12;
	[sflag:s14] =	ssyncadd.s32 $0xFFFFF800  }
.Ltmp2:
0x70: {  	[bflag:$0x0] =	sbarrier.arrive $0xFFFF;
	(pc) =	sbr.rel @p0 .LBB2_1-.Ltmp2, $4  }
0x71: {  	[hbm:s11], [sflag:s17] =	dma.local [spmem:s18], $0x4E2  }
0x72: {  	_ =	swait.ge [sflag:s14], $0x4E2  }
0x73: {  	[sflag:s14] =	ssyncset.done $0x0  }
0x74: {  	[sflag:s14] =	ssyncadd.s32 $0xFFFFFB1E  }
0x75: {  	_ =	sfence.sel $0x180000  }
0x76: {  	[bflag:$0x0] =	sbarrier.arrive $0xFFFF  }
0x77: {  	p0 =	sne.s32 s0, $0x0;
	_ =	strace $0x90000047  }
0x78: {  	s0 =	sadd.s32 @!p0 $0x100000, s1;
	[bflag:$0x2] =	sbarrier.arrive $0xFFFF  }
0x79: {  	[sflag:s0] =	ssyncadd.tile.s32 @!p0 $0x1;
	_ =	shalt  }
.Lfunc_end2:
_tile_overlayer_lowered:
.L_overlay_start_2:
0x7a: {  	(tag) =	ssettag $0x2  }
0x7b: {  	s0 =	rddreg [dreg:$0x0];
	s2 =	stileid.u32  }
0x7c: {  	s1 =	rddreg [dreg:$0x1];
	p0 =	sne.s32 s2, $0x0  }
0x7d: {  	s3 =	rddreg [dreg:$0x2];
	[bflag:$0x3] =	sbarrier.arrive $0xFFFF;
	s2 =	simm.s32 @!p0 $0x1C01  }
0x7e: {  	[timem:s3], [sflag:s2] =	dma.local @!p0 [hbm:s0], s1  }
0x7f: {  	s0 =	simm.s32 @!p0 $0x1  }
0x80: {  	_ =	swait.ge @!p0 [sflag:s0], s1  }
0x81: {  	s1 =	ssub.s32 @!p0 $0x0, s1;
	[sflag:s0] =	ssyncset.done @!p0 $0x0  }
0x82: {  	[sflag:s0] =	ssyncadd.s32 @!p0 s1  }
0x83: {  	[bflag:$0x3] =	sbarrier.arrive $0xFFFF  }
0x84: {  	_ =	shalt  }

</sc_bundles>
